<compile_context>
chip_gen: v7x
topology: tpu7x:2x2x1
jax: 0.10.2.dev20260603
libtpu: 0.0.44.dev20260713+nightly
codegen_flags: <defaults>
</compile_context>

<pallas_src>
import jax
import jax.numpy as jnp
from jax import lax
from jax.experimental import pallas as pl
from jax.experimental.pallas import tpu as pltpu
from jax.experimental.pallas import tpu_sc as plsc

NC = 2
NS = 16
NW = NC * NS
C = 128


def _sc_agg_kernel(n, d, k, n_acc, with_deg=False):
    zr = n_acc // NS
    rows = n_acc // 128

    out_type = [jax.ShapeDtypeStruct((NC, n_acc, d), jnp.float32)]
    scratch = [
        pltpu.VMEM_SHARED((n_acc, d), jnp.float32),
        [pltpu.VMEM((2, C), jnp.int32) for _ in range(4)],
        [pltpu.VMEM((C, d), jnp.float32) for _ in range(2)],
        [pltpu.SemaphoreType.DMA for _ in range(2)],
        [pltpu.SemaphoreType.DMA for _ in range(4)],
        [pltpu.SemaphoreType.DMA for _ in range(4)],
    ]
    if with_deg:
        out_type.append(jax.ShapeDtypeStruct((NC, rows, 128), jnp.float32))
        scratch += [
            pltpu.VMEM_SHARED((rows, 128), jnp.float32),
            pltpu.VMEM((rows, 128), jnp.float32),
            pltpu.VMEM((rows,), jnp.int32),
        ]

    mesh = plsc.VectorSubcoreMesh(core_axis_name="c", subcore_axis_name="s",
                                  num_cores=NC, num_subcores=NS)

    def body(*refs):
        if with_deg:
            (h_hbm, sd_hbm, agg_out, deg_out,
             acc, ib, rb, semg, semi, sems, dacc, hist, idn) = refs
        else:
            (h_hbm, sd_hbm, agg_out,
             acc, ib, rb, semg, semi, sems) = refs
        c = lax.axis_index("c")
        s = lax.axis_index("s")
        wid = c * NS + s

        z16 = jnp.zeros((16,), jnp.float32)
        ones = jnp.ones((16,), jnp.float32)

        def count(ibuf):
            for r in range(C // 16):
                v = ibuf[1, pl.ds(r * 16, 16)]
                vhi = lax.shift_right_logical(v, 7)
                vlo = lax.bitwise_and(v, 127)
                plsc.addupdate_scatter(hist, [vhi, vlo], ones)

        def idx_start(j, t):
            pltpu.async_copy(sd_hbm.at[wid, j], ib[t], semi[t])

        def idx_wait(t):
            pltpu.make_async_copy(sd_hbm.at[wid, 0], ib[t], semi[t]).wait()

        def gather_start(ti, tr):
            pltpu.async_copy(h_hbm.at[ib[ti].at[0]], rb[tr], semg[tr])

        def gather_wait(tr):
            pltpu.make_async_copy(h_hbm.at[ib[0].at[0]], rb[tr], semg[tr]).wait()

        def scatter_start(ti, tr):
            pltpu.async_copy(rb[tr], acc.at[ib[ti].at[1]], sems[ti], add=True)

        def scatter_wait(ti):
            pltpu.make_async_copy(rb[ti % 2], acc.at[ib[ti].at[1]],
                                  sems[ti]).wait()

        pltpu.sync_copy(sd_hbm.at[wid, 0], ib[0])
        gather_start(0, 0)
        idx_start(1, 1)

        def zrb(r, carry):
            for cc in range(d // 16):
                rb[1][r, pl.ds(cc * 16, 16)] = z16
            return carry

        lax.fori_loop(0, C, zrb, 0)
        for q in range(zr // C):
            pltpu.sync_copy(rb[1], acc.at[pl.ds(s * zr + q * C, C)])
        if with_deg:
            def zrow(r, carry):
                for cc in range(8):
                    hist[r, pl.ds(cc * 16, 16)] = z16
                return carry

            lax.fori_loop(0, rows, zrow, 0)

            def irow(r, carry):
                idn[pl.ds(r * 16, 16)] = lax.iota(jnp.int32, 16) + r * 16
                return carry

            lax.fori_loop(0, rows // 16, irow, 0)

            @pl.when(s == 0)
            def _():
                pltpu.sync_copy(hist, dacc)
        plsc.subcore_barrier()


        def step(qq, carry):
            j0 = qq * 4
            first = qq == 0
            more = j0 + 4 < k
            for t in range(4):
                j = j0 + t
                tr = t % 2
                gather_wait(tr)
                scatter_start(t, tr)
                if with_deg:
                    count(ib[t])
                if t == 0:
                    @pl.when(jnp.logical_not(first))
                    def _():
                        scatter_wait(3)

                    idx_wait(1)
                    gather_start(1, 1)
                elif t == 3:
                    @pl.when(more)
                    def _():
                        scatter_wait(2)
                        idx_wait(0)
                        gather_start(0, 0)
                else:
                    scatter_wait(t - 1)
                    idx_wait(t + 1)
                    gather_start(t + 1, (t + 1) % 2)
                ti2 = (t + 2) % 4
                if t < 2:
                    idx_start(j + 2, ti2)
                else:
                    @pl.when(more)
                    def _():
                        idx_start(j + 2, ti2)
            return carry

        lax.fori_loop(0, k // 4, step, 0)
        scatter_wait(2)
        scatter_wait(3)
        if with_deg:
            pltpu.sync_copy(hist, dacc.at[idn], add=True)
        plsc.subcore_barrier()

        pltpu.sync_copy(acc.at[pl.ds(s * zr, zr)], agg_out.at[c, pl.ds(s * zr, zr)])
        if with_deg:
            @pl.when(s < rows // 8)
            def _():
                pltpu.sync_copy(dacc.at[pl.ds(s * 8, 8)],
                                deg_out.at[c, pl.ds(s * 8, 8)])

    return pl.kernel(body, out_type=tuple(out_type), mesh=mesh,
                     scratch_types=scratch,
                     compiler_params=pltpu.CompilerParams(
                         needs_layout_passes=False))


def _dense_body(h_ref, agg_ref, deg_ref, ws_ref, wn_ref, b_ref, out_ref):
    deg = jnp.maximum(deg_ref[...], 1.0)
    agg = (agg_ref[0] + agg_ref[1]) / deg
    hn = jnp.dot(agg, wn_ref[...], preferred_element_type=jnp.float32)
    hs = jnp.dot(h_ref[...], ws_ref[...], preferred_element_type=jnp.float32)
    h = jnp.maximum(hs + hn + b_ref[...], 0.0)
    nrm = jnp.maximum(jnp.sqrt(jnp.sum(h * h, axis=1, keepdims=True)), 1e-12)
    out_ref[...] = h / nrm


def _dense_layer(h, agg, deg, w_self, w_neigh, bias_row, br=2000):
    n, d = h.shape
    grid = (n // br,)
    return pl.pallas_call(
        _dense_body,
        grid=grid,
        in_specs=[
            pl.BlockSpec((br, d), lambda i: (i, 0)),
            pl.BlockSpec((NC, br, d), lambda i: (0, i, 0)),
            pl.BlockSpec((br, 1), lambda i: (i, 0)),
            pl.BlockSpec((d, d), lambda i: (0, 0)),
            pl.BlockSpec((d, d), lambda i: (0, 0)),
            pl.BlockSpec((1, d), lambda i: (0, 0)),
        ],
        out_specs=pl.BlockSpec((br, d), lambda i: (i, 0)),
        out_shape=jax.ShapeDtypeStruct((n, d), jnp.float32),
    )(h, agg, deg, w_self, w_neigh, bias_row)


def kernel(x, edge_index, W_self, W_neigh, bias):
    n, d = x.shape
    e = edge_index.shape[1]
    L = W_self.shape[0]

    k = -(-e // (NW * C))
    k += (-k) % 4
    e_pad = k * NW * C
    n_acc = -(-(n + 128) // 128) * 128
    npad_rows = n_acc - n

    src = edge_index[0]
    dst = edge_index[1]
    pad = e_pad - e
    if pad:
        ar = jnp.arange(pad, dtype=jnp.int32)
        src = jnp.concatenate([src, ar % n])
        dst = jnp.concatenate([dst, n + (ar % npad_rows)])
    sd = jnp.stack([src.reshape(NW, k, C), dst.reshape(NW, k, C)], axis=2)

    agg_deg_fn = _sc_agg_kernel(n, d, k, n_acc, with_deg=True)
    agg_fn = _sc_agg_kernel(n, d, k, n_acc)

    agg, degp = agg_deg_fn(x, sd)
    deg = (degp[0] + degp[1]).reshape(n_acc)[:n, None]
    h = _dense_layer(x, agg, deg, W_self[0], W_neigh[0], bias[0][None, :])
    for l in range(1, L):
        (agg,) = agg_fn(h, sd)
        h = _dense_layer(h, agg, deg, W_self[l], W_neigh[l], bias[l][None, :])
    return h

# --- scband reference (transcript-rebuilt; emitter-appended) ---
"""Pipeline reference for scband-sage-37830071943304 (READ-ONLY COPY).

The authoritative reference and input builder live on the scoring server;
editing this copy changes nothing except your own understanding.
"""

import jax, jax.numpy as jnp
import numpy as np

N = 10000
E = 320000
D = 128
L = 3


def setup_inputs(seed: int = 0) -> dict:
    key = jax.random.key(seed)
    ks = jax.random.split(key, 6)
    x = jax.random.normal(ks[0], (N, D), dtype=jnp.float32)
    edge_index = jax.random.randint(ks[1], (2, E), 0, N, dtype=jnp.int32)
    scale = 1.0 / np.sqrt(D)
    W_self = jax.random.normal(ks[2], (L, D, D), dtype=jnp.float32) * scale
    W_neigh = jax.random.normal(ks[3], (L, D, D), dtype=jnp.float32) * scale
    bias = jax.random.normal(ks[4], (L, D), dtype=jnp.float32) * 0.01
    return {"x": x, "edge_index": edge_index, "W_self": W_self, "W_neigh": W_neigh, "bias": bias}


def reference(x, edge_index, W_self, W_neigh, bias):
    # Faithful port of 3 stacked DGL SAGEConv('mean') layers with
    # feat_drop (identity in eval), relu activation, and L2 normalization.
    # Same graph (edge_index) is reused for every layer (full-graph blocks).
    src = edge_index[0]
    dst = edge_index[1]
    deg = jax.ops.segment_sum(jnp.ones((E,), dtype=x.dtype), dst, num_segments=N)
    deg = jnp.clip(deg, 1.0)[:, None]
    h = x
    for l in range(L):
        msg = jnp.take(h, src, axis=0)                      # gather src feats
        agg = jax.ops.segment_sum(msg, dst, num_segments=N)  # scatter-add by dst
        h_neigh = (agg / deg) @ W_neigh[l]
        h = h @ W_self[l] + h_neigh + bias[l]
        h = jax.nn.relu(h)
        nrm = jnp.maximum(jnp.linalg.norm(h, axis=-1, keepdims=True), 1e-12)
        h = h / nrm  # F.normalize(p=2, dim=-1)
    return h

if __name__ == "__main__":
    import jax
    _d = setup_inputs()
    print(jax.jit(kernel)(*tuple(_d.values())))

</pallas_src>

<mosaic_0001>
#map = affine_map<(d0, d1) -> (0, 0)>
#map1 = affine_map<(d0, d1) -> (0, 0, 0, 0)>
#map2 = affine_map<(d0, d1) -> (0, 0, 0)>
module attributes {stable_mosaic.version = 14 : i64} {
  func.func @body(%arg0: i32, %arg1: i32, %arg2: memref<10000x128xf32, #tpu.memory_space<hbm>>, %arg3: memref<32x80x2x128xi32, #tpu.memory_space<hbm>>, %arg4: memref<2x10240x128xf32, #tpu.memory_space<hbm>>, %arg5: memref<10240x128xf32, #tpu.memory_space<vmem_shared>>, %arg6: memref<2x128xi32, #tpu.memory_space<vmem>>, %arg7: memref<2x128xi32, #tpu.memory_space<vmem>>, %arg8: memref<2x128xi32, #tpu.memory_space<vmem>>, %arg9: memref<2x128xi32, #tpu.memory_space<vmem>>, %arg10: memref<128x128xf32, #tpu.memory_space<vmem>>, %arg11: memref<128x128xf32, #tpu.memory_space<vmem>>, %arg12: memref<!tpu.dma_semaphore, #tpu.memory_space<semaphore_mem>>, %arg13: memref<!tpu.dma_semaphore, #tpu.memory_space<semaphore_mem>>, %arg14: memref<!tpu.dma_semaphore, #tpu.memory_space<semaphore_mem>>, %arg15: memref<!tpu.dma_semaphore, #tpu.memory_space<semaphore_mem>>, %arg16: memref<!tpu.dma_semaphore, #tpu.memory_space<semaphore_mem>>, %arg17: memref<!tpu.dma_semaphore, #tpu.memory_space<semaphore_mem>>, %arg18: memref<!tpu.dma_semaphore, #tpu.memory_space<semaphore_mem>>, %arg19: memref<!tpu.dma_semaphore, #tpu.memory_space<semaphore_mem>>, %arg20: memref<!tpu.dma_semaphore, #tpu.memory_space<semaphore_mem>>, %arg21: memref<!tpu.dma_semaphore, #tpu.memory_space<semaphore_mem>>) attributes {dimension_semantics = [#tpu.dimension_semantics<core_parallel>, #tpu.dimension_semantics<subcore_parallel>], iteration_bounds = array<i64: 2, 16>, scalar_prefetch = 0 : i64, scratch_operands = 17 : i64, tpu.core_type = #tpu.core_type<sc_vector_subcore>, window_params = [{transform_indices = #map}, {transform_indices = #map1}, {transform_indices = #map2}]} {
    %mul3A = arith.constant 16 : i32
    %mul3A_0 = arith.muli %arg0, %mul3A : i32
    %add3A = arith.addi %mul3A_0, %arg1 : i32
    %broadcast_in_dim3A = arith.constant 0.000000e+00 : f32
    %broadcast_in_dim3A_1 = vector.broadcast %broadcast_in_dim3A : f32 to vector<16xf32>
    %broadcast_in_dim3A_2 = arith.constant 1.000000e+00 : f32
    %broadcast_in_dim3A_3 = vector.broadcast %broadcast_in_dim3A_2 : f32 to vector<16xf32>
    %run_scoped3A = arith.constant 0 : i32
    "tpu.region"() ({
      %run_scoped3A_68 = tpu.sem_alloc : memref<!tpu.dma_semaphore, #tpu.memory_space<semaphore_mem>>
      %dma_start3A_69 = arith.constant 0 : i32
      %dma_start3A_70 = arith.constant 0 : i32
      %dma_start3A_71 = tpu.memref_slice %arg3[%add3A, %run_scoped3A, %dma_start3A_69, %dma_start3A_70] : memref<32x80x2x128xi32, #tpu.memory_space<hbm>> -> memref<1x1x2x128xi32, #tpu.memory_space<hbm>>
      %dma_start3A_72 = tpu.memref_squeeze %dma_start3A_71 : memref<1x1x2x128xi32, #tpu.memory_space<hbm>> -> memref<2x128xi32, #tpu.memory_space<hbm>>
      %dma_start3A_73 = arith.constant 0 : i32
      %dma_start3A_74 = arith.constant 0 : i32
      %dma_start3A_75 = tpu.memref_slice %arg3[%add3A, %run_scoped3A, %dma_start3A_73, %dma_start3A_74] : memref<32x80x2x128xi32, #tpu.memory_space<hbm>> -> memref<1x1x2x128xi32, #tpu.memory_space<hbm>>
      %dma_start3A_76 = tpu.memref_squeeze %dma_start3A_75 : memref<1x1x2x128xi32, #tpu.memory_space<hbm>> -> memref<2x128xi32, #tpu.memory_space<hbm>>
      tpu.enqueue_dma source(%dma_start3A_76 : memref<2x128xi32, #tpu.memory_space<hbm>>) target(%arg6 : memref<2x128xi32, #tpu.memory_space<vmem>>) target_semaphore(%run_scoped3A_68 : memref<!tpu.dma_semaphore, #tpu.memory_space<semaphore_mem>>)
      %dma_wait3A_77 = arith.constant 0 : i32
      %dma_wait3A_78 = arith.constant 0 : i32
      %dma_wait3A_79 = tpu.memref_slice %arg3[%add3A, %run_scoped3A, %dma_wait3A_77, %dma_wait3A_78] : memref<32x80x2x128xi32, #tpu.memory_space<hbm>> -> memref<1x1x2x128xi32, #tpu.memory_space<hbm>>
      %dma_wait3A_80 = tpu.memref_squeeze %dma_wait3A_79 : memref<1x1x2x128xi32, #tpu.memory_space<hbm>> -> memref<2x128xi32, #tpu.memory_space<hbm>>
      %dma_wait3A_81 = arith.constant 0 : i32
      %dma_wait3A_82 = arith.constant 0 : i32
      %dma_wait3A_83 = tpu.memref_slice %arg3[%add3A, %run_scoped3A, %dma_wait3A_81, %dma_wait3A_82] : memref<32x80x2x128xi32, #tpu.memory_space<hbm>> -> memref<1x1x2x128xi32, #tpu.memory_space<hbm>>
      %dma_wait3A_84 = tpu.memref_squeeze %dma_wait3A_83 : memref<1x1x2x128xi32, #tpu.memory_space<hbm>> -> memref<2x128xi32, #tpu.memory_space<hbm>>
      tpu.wait_dma2 semaphore(%run_scoped3A_68 : memref<!tpu.dma_semaphore, #tpu.memory_space<semaphore_mem>>) src(%dma_wait3A_84 : memref<2x128xi32, #tpu.memory_space<hbm>>) dst(%arg6 : memref<2x128xi32, #tpu.memory_space<vmem>>)
      tpu.yield
    }) : () -> ()
    %dma_start3A = arith.constant 0 : i32
    %dma_start3A_4 = arith.constant 0 : i32
    %dma_start3A_5 = tpu.memref_slice %arg6[%dma_start3A, %dma_start3A_4] : memref<2x128xi32, #tpu.memory_space<vmem>> -> memref<1x128xi32, #tpu.memory_space<vmem>>
    %dma_start3A_6 = tpu.memref_squeeze %dma_start3A_5 : memref<1x128xi32, #tpu.memory_space<vmem>> -> memref<128xi32, #tpu.memory_space<vmem>>
    %dma_start3A_7 = arith.constant 0 : i32
    %dma_start3A_8 = arith.constant 0 : i32
    %dma_start3A_9 = tpu.memref_slice %arg2[%dma_start3A_7, %dma_start3A_8] : memref<10000x128xf32, #tpu.memory_space<hbm>> -> memref<10000x128xf32, #tpu.memory_space<hbm>>
    tpu.enqueue_indirect_dma source(%dma_start3A_9 : memref<10000x128xf32, #tpu.memory_space<hbm>>) target(%arg10 : memref<128x128xf32, #tpu.memory_space<vmem>>) offsets(%dma_start3A_6 : memref<128xi32, #tpu.memory_space<vmem>>) semaphore(%arg12 : memref<!tpu.dma_semaphore, #tpu.memory_space<semaphore_mem>>)
    %dma_start3A_10 = arith.constant 1 : i32
    %dma_start3A_11 = arith.constant 0 : i32
    %dma_start3A_12 = arith.constant 0 : i32
    %dma_start3A_13 = tpu.memref_slice %arg3[%add3A, %dma_start3A_10, %dma_start3A_11, %dma_start3A_12] : memref<32x80x2x128xi32, #tpu.memory_space<hbm>> -> memref<1x1x2x128xi32, #tpu.memory_space<hbm>>
    %dma_start3A_14 = tpu.memref_squeeze %dma_start3A_13 : memref<1x1x2x128xi32, #tpu.memory_space<hbm>> -> memref<2x128xi32, #tpu.memory_space<hbm>>
    %dma_start3A_15 = arith.constant 0 : i32
    %dma_start3A_16 = arith.constant 0 : i32
    %dma_start3A_17 = tpu.memref_slice %arg3[%add3A, %dma_start3A_10, %dma_start3A_15, %dma_start3A_16] : memref<32x80x2x128xi32, #tpu.memory_space<hbm>> -> memref<1x1x2x128xi32, #tpu.memory_space<hbm>>
    %dma_start3A_18 = tpu.memref_squeeze %dma_start3A_17 : memref<1x1x2x128xi32, #tpu.memory_space<hbm>> -> memref<2x128xi32, #tpu.memory_space<hbm>>
    tpu.enqueue_dma source(%dma_start3A_18 : memref<2x128xi32, #tpu.memory_space<hbm>>) target(%arg7 : memref<2x128xi32, #tpu.memory_space<vmem>>) target_semaphore(%arg15 : memref<!tpu.dma_semaphore, #tpu.memory_space<semaphore_mem>>)
    %scan3A = arith.constant 0 : i32
    %scan3A_19 = arith.constant 0 : i32
    %scan3A_20 = arith.constant 128 : i32
    %scan3A_21 = arith.addi %scan3A_19, %scan3A_20 : i32
    %scan3A_22 = arith.constant 1 : i32
    scf.for %scan3A_68 = %scan3A_19 to %scan3A_21 step %scan3A_22  : i32 {
      %swap3A = arith.index_cast %scan3A_68 : i32 to index
      %swap3A_69 = arith.constant 0 : index
      %swap3A_70 = tpu.vector_load %arg11[%swap3A, %swap3A_69] {strides = array<i32>} : memref<128x128xf32, #tpu.memory_space<vmem>>, vector<16xf32>,
      tpu.vector_store %arg11[%swap3A, %swap3A_69], %broadcast_in_dim3A_1 {strides = array<i32>} : memref<128x128xf32, #tpu.memory_space<vmem>>, vector<16xf32>,
      %swap3A_71 = arith.index_cast %scan3A_68 : i32 to index
      %swap3A_72 = arith.constant 16 : index
      %swap3A_73 = tpu.vector_load %arg11[%swap3A_71, %swap3A_72] {strides = array<i32>} : memref<128x128xf32, #tpu.memory_space<vmem>>, vector<16xf32>,
      tpu.vector_store %arg11[%swap3A_71, %swap3A_72], %broadcast_in_dim3A_1 {strides = array<i32>} : memref<128x128xf32, #tpu.memory_space<vmem>>, vector<16xf32>,
      %swap3A_74 = arith.index_cast %scan3A_68 : i32 to index
      %swap3A_75 = arith.constant 32 : index
      %swap3A_76 = tpu.vector_load %arg11[%swap3A_74, %swap3A_75] {strides = array<i32>} : memref<128x128xf32, #tpu.memory_space<vmem>>, vector<16xf32>,
      tpu.vector_store %arg11[%swap3A_74, %swap3A_75], %broadcast_in_dim3A_1 {strides = array<i32>} : memref<128x128xf32, #tpu.memory_space<vmem>>, vector<16xf32>,
      %swap3A_77 = arith.index_cast %scan3A_68 : i32 to index
      %swap3A_78 = arith.constant 48 : index
      %swap3A_79 = tpu.vector_load %arg11[%swap3A_77, %swap3A_78] {strides = array<i32>} : memref<128x128xf32, #tpu.memory_space<vmem>>, vector<16xf32>,
      tpu.vector_store %arg11[%swap3A_77, %swap3A_78], %broadcast_in_dim3A_1 {strides = array<i32>} : memref<128x128xf32, #tpu.memory_space<vmem>>, vector<16xf32>,
      %swap3A_80 = arith.index_cast %scan3A_68 : i32 to index
      %swap3A_81 = arith.constant 64 : index
      %swap3A_82 = tpu.vector_load %arg11[%swap3A_80, %swap3A_81] {strides = array<i32>} : memref<128x128xf32, #tpu.memory_space<vmem>>, vector<16xf32>,
      tpu.vector_store %arg11[%swap3A_80, %swap3A_81], %broadcast_in_dim3A_1 {strides = array<i32>} : memref<128x128xf32, #tpu.memory_space<vmem>>, vector<16xf32>,
      %swap3A_83 = arith.index_cast %scan3A_68 : i32 to index
      %swap3A_84 = arith.constant 80 : index
      %swap3A_85 = tpu.vector_load %arg11[%swap3A_83, %swap3A_84] {strides = array<i32>} : memref<128x128xf32, #tpu.memory_space<vmem>>, vector<16xf32>,
      tpu.vector_store %arg11[%swap3A_83, %swap3A_84], %broadcast_in_dim3A_1 {strides = array<i32>} : memref<128x128xf32, #tpu.memory_space<vmem>>, vector<16xf32>,
      %swap3A_86 = arith.index_cast %scan3A_68 : i32 to index
      %swap3A_87 = arith.constant 96 : index
      %swap3A_88 = tpu.vector_load %arg11[%swap3A_86, %swap3A_87] {strides = array<i32>} : memref<128x128xf32, #tpu.memory_space<vmem>>, vector<16xf32>,
      tpu.vector_store %arg11[%swap3A_86, %swap3A_87], %broadcast_in_dim3A_1 {strides = array<i32>} : memref<128x128xf32, #tpu.memory_space<vmem>>, vector<16xf32>,
      %swap3A_89 = arith.index_cast %scan3A_68 : i32 to index
      %swap3A_90 = arith.constant 112 : index
      %swap3A_91 = tpu.vector_load %arg11[%swap3A_89, %swap3A_90] {strides = array<i32>} : memref<128x128xf32, #tpu.memory_space<vmem>>, vector<16xf32>,
      tpu.vector_store %arg11[%swap3A_89, %swap3A_90], %broadcast_in_dim3A_1 {strides = array<i32>} : memref<128x128xf32, #tpu.memory_space<vmem>>, vector<16xf32>,
    }
    %scan3A_23 = arith.constant 128 : i32
    %mul3A_24 = arith.constant 640 : i32
    %mul3A_25 = arith.muli %arg1, %mul3A_24 : i32
    %add3A_26 = arith.constant 0 : i32
    %add3A_27 = arith.addi %mul3A_25, %add3A_26 : i32
    "tpu.region"() ({
      %run_scoped3A_68 = tpu.sem_alloc : memref<!tpu.dma_semaphore, #tpu.memory_space<semaphore_mem>>
      %dma_start3A_69 = arith.constant 0 : i32
      %dma_start3A_70 = tpu.memref_slice %arg5[%add3A_27, %dma_start3A_69] : memref<10240x128xf32, #tpu.memory_space<vmem_shared>> -> memref<128x128xf32, #tpu.memory_space<vmem_shared>>
      %dma_start3A_71 = arith.constant 0 : i32
      %dma_start3A_72 = tpu.memref_slice %arg5[%add3A_27, %dma_start3A_71] : memref<10240x128xf32, #tpu.memory_space<vmem_shared>> -> memref<128x128xf32, #tpu.memory_space<vmem_shared>>
      tpu.enqueue_dma source(%arg11 : memref<128x128xf32, #tpu.memory_space<vmem>>) target(%dma_start3A_72 : memref<128x128xf32, #tpu.memory_space<vmem_shared>>) target_semaphore(%run_scoped3A_68 : memref<!tpu.dma_semaphore, #tpu.memory_space<semaphore_mem>>)
      %dma_wait3A_73 = arith.constant 0 : i32
      %dma_wait3A_74 = tpu.memref_slice %arg5[%add3A_27, %dma_wait3A_73] : memref<10240x128xf32, #tpu.memory_space<vmem_shared>> -> memref<128x128xf32, #tpu.memory_space<vmem_shared>>
      %dma_wait3A_75 = arith.constant 0 : i32
      %dma_wait3A_76 = tpu.memref_slice %arg5[%add3A_27, %dma_wait3A_75] : memref<10240x128xf32, #tpu.memory_space<vmem_shared>> -> memref<128x128xf32, #tpu.memory_space<vmem_shared>>
      tpu.wait_dma2 semaphore(%run_scoped3A_68 : memref<!tpu.dma_semaphore, #tpu.memory_space<semaphore_mem>>) src(%arg11 : memref<128x128xf32, #tpu.memory_space<vmem>>) dst(%dma_wait3A_76 : memref<128x128xf32, #tpu.memory_space<vmem_shared>>)
      tpu.yield
    }) : () -> ()
    %mul3A_28 = arith.constant 640 : i32
    %mul3A_29 = arith.muli %arg1, %mul3A_28 : i32
    %add3A_30 = arith.constant 128 : i32
    %add3A_31 = arith.addi %mul3A_29, %add3A_30 : i32
    "tpu.region"() ({
      %run_scoped3A_68 = tpu.sem_alloc : memref<!tpu.dma_semaphore, #tpu.memory_space<semaphore_mem>>
      %dma_start3A_69 = arith.constant 0 : i32
      %dma_start3A_70 = tpu.memref_slice %arg5[%add3A_31, %dma_start3A_69] : memref<10240x128xf32, #tpu.memory_space<vmem_shared>> -> memref<128x128xf32, #tpu.memory_space<vmem_shared>>
      %dma_start3A_71 = arith.constant 0 : i32
      %dma_start3A_72 = tpu.memref_slice %arg5[%add3A_31, %dma_start3A_71] : memref<10240x128xf32, #tpu.memory_space<vmem_shared>> -> memref<128x128xf32, #tpu.memory_space<vmem_shared>>
      tpu.enqueue_dma source(%arg11 : memref<128x128xf32, #tpu.memory_space<vmem>>) target(%dma_start3A_72 : memref<128x128xf32, #tpu.memory_space<vmem_shared>>) target_semaphore(%run_scoped3A_68 : memref<!tpu.dma_semaphore, #tpu.memory_space<semaphore_mem>>)
      %dma_wait3A_73 = arith.constant 0 : i32
      %dma_wait3A_74 = tpu.memref_slice %arg5[%add3A_31, %dma_wait3A_73] : memref<10240x128xf32, #tpu.memory_space<vmem_shared>> -> memref<128x128xf32, #tpu.memory_space<vmem_shared>>
      %dma_wait3A_75 = arith.constant 0 : i32
      %dma_wait3A_76 = tpu.memref_slice %arg5[%add3A_31, %dma_wait3A_75] : memref<10240x128xf32, #tpu.memory_space<vmem_shared>> -> memref<128x128xf32, #tpu.memory_space<vmem_shared>>
      tpu.wait_dma2 semaphore(%run_scoped3A_68 : memref<!tpu.dma_semaphore, #tpu.memory_space<semaphore_mem>>) src(%arg11 : memref<128x128xf32, #tpu.memory_space<vmem>>) dst(%dma_wait3A_76 : memref<128x128xf32, #tpu.memory_space<vmem_shared>>)
      tpu.yield
    }) : () -> ()
    %mul3A_32 = arith.constant 640 : i32
    %mul3A_33 = arith.muli %arg1, %mul3A_32 : i32
    %add3A_34 = arith.constant 256 : i32
    %add3A_35 = arith.addi %mul3A_33, %add3A_34 : i32
    "tpu.region"() ({
      %run_scoped3A_68 = tpu.sem_alloc : memref<!tpu.dma_semaphore, #tpu.memory_space<semaphore_mem>>
      %dma_start3A_69 = arith.constant 0 : i32
      %dma_start3A_70 = tpu.memref_slice %arg5[%add3A_35, %dma_start3A_69] : memref<10240x128xf32, #tpu.memory_space<vmem_shared>> -> memref<128x128xf32, #tpu.memory_space<vmem_shared>>
      %dma_start3A_71 = arith.constant 0 : i32
      %dma_start3A_72 = tpu.memref_slice %arg5[%add3A_35, %dma_start3A_71] : memref<10240x128xf32, #tpu.memory_space<vmem_shared>> -> memref<128x128xf32, #tpu.memory_space<vmem_shared>>
      tpu.enqueue_dma source(%arg11 : memref<128x128xf32, #tpu.memory_space<vmem>>) target(%dma_start3A_72 : memref<128x128xf32, #tpu.memory_space<vmem_shared>>) target_semaphore(%run_scoped3A_68 : memref<!tpu.dma_semaphore, #tpu.memory_space<semaphore_mem>>)
      %dma_wait3A_73 = arith.constant 0 : i32
      %dma_wait3A_74 = tpu.memref_slice %arg5[%add3A_35, %dma_wait3A_73] : memref<10240x128xf32, #tpu.memory_space<vmem_shared>> -> memref<128x128xf32, #tpu.memory_space<vmem_shared>>
      %dma_wait3A_75 = arith.constant 0 : i32
      %dma_wait3A_76 = tpu.memref_slice %arg5[%add3A_35, %dma_wait3A_75] : memref<10240x128xf32, #tpu.memory_space<vmem_shared>> -> memref<128x128xf32, #tpu.memory_space<vmem_shared>>
      tpu.wait_dma2 semaphore(%run_scoped3A_68 : memref<!tpu.dma_semaphore, #tpu.memory_space<semaphore_mem>>) src(%arg11 : memref<128x128xf32, #tpu.memory_space<vmem>>) dst(%dma_wait3A_76 : memref<128x128xf32, #tpu.memory_space<vmem_shared>>)
      tpu.yield
    }) : () -> ()
    %mul3A_36 = arith.constant 640 : i32
    %mul3A_37 = arith.muli %arg1, %mul3A_36 : i32
    %add3A_38 = arith.constant 384 : i32
    %add3A_39 = arith.addi %mul3A_37, %add3A_38 : i32
    "tpu.region"() ({
      %run_scoped3A_68 = tpu.sem_alloc : memref<!tpu.dma_semaphore, #tpu.memory_space<semaphore_mem>>
      %dma_start3A_69 = arith.constant 0 : i32
      %dma_start3A_70 = tpu.memref_slice %arg5[%add3A_39, %dma_start3A_69] : memref<10240x128xf32, #tpu.memory_space<vmem_shared>> -> memref<128x128xf32, #tpu.memory_space<vmem_shared>>
      %dma_start3A_71 = arith.constant 0 : i32
      %dma_start3A_72 = tpu.memref_slice %arg5[%add3A_39, %dma_start3A_71] : memref<10240x128xf32, #tpu.memory_space<vmem_shared>> -> memref<128x128xf32, #tpu.memory_space<vmem_shared>>
      tpu.enqueue_dma source(%arg11 : memref<128x128xf32, #tpu.memory_space<vmem>>) target(%dma_start3A_72 : memref<128x128xf32, #tpu.memory_space<vmem_shared>>) target_semaphore(%run_scoped3A_68 : memref<!tpu.dma_semaphore, #tpu.memory_space<semaphore_mem>>)
      %dma_wait3A_73 = arith.constant 0 : i32
      %dma_wait3A_74 = tpu.memref_slice %arg5[%add3A_39, %dma_wait3A_73] : memref<10240x128xf32, #tpu.memory_space<vmem_shared>> -> memref<128x128xf32, #tpu.memory_space<vmem_shared>>
      %dma_wait3A_75 = arith.constant 0 : i32
      %dma_wait3A_76 = tpu.memref_slice %arg5[%add3A_39, %dma_wait3A_75] : memref<10240x128xf32, #tpu.memory_space<vmem_shared>> -> memref<128x128xf32, #tpu.memory_space<vmem_shared>>
      tpu.wait_dma2 semaphore(%run_scoped3A_68 : memref<!tpu.dma_semaphore, #tpu.memory_space<semaphore_mem>>) src(%arg11 : memref<128x128xf32, #tpu.memory_space<vmem>>) dst(%dma_wait3A_76 : memref<128x128xf32, #tpu.memory_space<vmem_shared>>)
      tpu.yield
    }) : () -> ()
    %mul3A_40 = arith.constant 640 : i32
    %mul3A_41 = arith.muli %arg1, %mul3A_40 : i32
    %add3A_42 = arith.constant 512 : i32
    %add3A_43 = arith.addi %mul3A_41, %add3A_42 : i32
    "tpu.region"() ({
      %run_scoped3A_68 = tpu.sem_alloc : memref<!tpu.dma_semaphore, #tpu.memory_space<semaphore_mem>>
      %dma_start3A_69 = arith.constant 0 : i32
      %dma_start3A_70 = tpu.memref_slice %arg5[%add3A_43, %dma_start3A_69] : memref<10240x128xf32, #tpu.memory_space<vmem_shared>> -> memref<128x128xf32, #tpu.memory_space<vmem_shared>>
      %dma_start3A_71 = arith.constant 0 : i32
      %dma_start3A_72 = tpu.memref_slice %arg5[%add3A_43, %dma_start3A_71] : memref<10240x128xf32, #tpu.memory_space<vmem_shared>> -> memref<128x128xf32, #tpu.memory_space<vmem_shared>>
      tpu.enqueue_dma source(%arg11 : memref<128x128xf32, #tpu.memory_space<vmem>>) target(%dma_start3A_72 : memref<128x128xf32, #tpu.memory_space<vmem_shared>>) target_semaphore(%run_scoped3A_68 : memref<!tpu.dma_semaphore, #tpu.memory_space<semaphore_mem>>)
      %dma_wait3A_73 = arith.constant 0 : i32
      %dma_wait3A_74 = tpu.memref_slice %arg5[%add3A_43, %dma_wait3A_73] : memref<10240x128xf32, #tpu.memory_space<vmem_shared>> -> memref<128x128xf32, #tpu.memory_space<vmem_shared>>
      %dma_wait3A_75 = arith.constant 0 : i32
      %dma_wait3A_76 = tpu.memref_slice %arg5[%add3A_43, %dma_wait3A_75] : memref<10240x128xf32, #tpu.memory_space<vmem_shared>> -> memref<128x128xf32, #tpu.memory_space<vmem_shared>>
      tpu.wait_dma2 semaphore(%run_scoped3A_68 : memref<!tpu.dma_semaphore, #tpu.memory_space<semaphore_mem>>) src(%arg11 : memref<128x128xf32, #tpu.memory_space<vmem>>) dst(%dma_wait3A_76 : memref<128x128xf32, #tpu.memory_space<vmem_shared>>)
      tpu.yield
    }) : () -> ()
    %barrier3A = arith.constant 0 : index
    tpu.barrier barrier_id(%barrier3A)
    %scan3A_44 = arith.constant 0 : i32
    %scan3A_45 = arith.constant 0 : i32
    %scan3A_46 = arith.constant 20 : i32
    %scan3A_47 = arith.addi %scan3A_45, %scan3A_46 : i32
    %scan3A_48 = arith.constant 1 : i32
    scf.for %scan3A_68 = %scan3A_45 to %scan3A_47 step %scan3A_48  : i32 {
      %mul3A_69 = arith.constant 4 : i32
      %mul3A_70 = arith.muli %scan3A_68, %mul3A_69 : i32
      %eq3A = arith.constant 0 : i32
      %eq3A_71 = arith.cmpi eq, %scan3A_68, %eq3A : i32
      %add3A_72 = arith.constant 4 : i32
      %add3A_73 = arith.addi %mul3A_70, %add3A_72 : i32
      %lt3A = arith.constant 80 : i32
      %lt3A_74 = arith.cmpi slt, %add3A_73, %lt3A : i32
      %add3A_75 = arith.constant 0 : i32
      %add3A_76 = arith.addi %mul3A_70, %add3A_75 : i32
      %dma_wait3A_77 = arith.constant 0 : i32
      %dma_wait3A_78 = arith.constant 0 : i32
      %dma_wait3A_79 = tpu.memref_slice %arg6[%dma_wait3A_77, %dma_wait3A_78] : memref<2x128xi32, #tpu.memory_space<vmem>> -> memref<1x128xi32, #tpu.memory_space<vmem>>
      %dma_wait3A_80 = tpu.memref_squeeze %dma_wait3A_79 : memref<1x128xi32, #tpu.memory_space<vmem>> -> memref<128xi32, #tpu.memory_space<vmem>>
      %dma_wait3A_81 = arith.constant 0 : i32
      %dma_wait3A_82 = arith.constant 0 : i32
      %dma_wait3A_83 = tpu.memref_slice %arg2[%dma_wait3A_81, %dma_wait3A_82] : memref<10000x128xf32, #tpu.memory_space<hbm>> -> memref<10000x128xf32, #tpu.memory_space<hbm>>
      tpu.wait_indirect_dma semaphore(%arg12 : memref<!tpu.dma_semaphore, #tpu.memory_space<semaphore_mem>>) src(%dma_wait3A_83 : memref<10000x128xf32, #tpu.memory_space<hbm>>) dst(%arg10 : memref<128x128xf32, #tpu.memory_space<vmem>>)
      %dma_start3A_84 = arith.constant 1 : i32
      %dma_start3A_85 = arith.constant 0 : i32
      %dma_start3A_86 = tpu.memref_slice %arg6[%dma_start3A_84, %dma_start3A_85] : memref<2x128xi32, #tpu.memory_space<vmem>> -> memref<1x128xi32, #tpu.memory_space<vmem>>
      %dma_start3A_87 = tpu.memref_squeeze %dma_start3A_86 : memref<1x128xi32, #tpu.memory_space<vmem>> -> memref<128xi32, #tpu.memory_space<vmem>>
      %dma_start3A_88 = arith.constant 0 : i32
      %dma_start3A_89 = arith.constant 0 : i32
      %dma_start3A_90 = tpu.memref_slice %arg5[%dma_start3A_88, %dma_start3A_89] : memref<10240x128xf32, #tpu.memory_space<vmem_shared>> -> memref<10240x128xf32, #tpu.memory_space<vmem_shared>>
      tpu.enqueue_indirect_dma source(%arg10 : memref<128x128xf32, #tpu.memory_space<vmem>>) target(%dma_start3A_90 : memref<10240x128xf32, #tpu.memory_space<vmem_shared>>) offsets(%dma_start3A_87 : memref<128xi32, #tpu.memory_space<vmem>>) semaphore(%arg18 : memref<!tpu.dma_semaphore, #tpu.memory_space<semaphore_mem>>) {add = true}
      %not3A = arith.constant true
      %not3A_91 = arith.xori %eq3A_71, %not3A : i1
      %convert_element_type3A = arith.extui %not3A_91 : i1 to i32
      %cond3A = arith.constant 0 : i32
      %cond3A_92 = arith.cmpi ne, %convert_element_type3A, %cond3A : i32
      scf.if %cond3A_92 {
        %dma_wait3A_232 = arith.constant 1 : i32
        %dma_wait3A_233 = arith.constant 0 : i32
        %dma_wait3A_234 = tpu.memref_slice %arg9[%dma_wait3A_232, %dma_wait3A_233] : memref<2x128xi32, #tpu.memory_space<vmem>> -> memref<1x128xi32, #tpu.memory_space<vmem>>
        %dma_wait3A_235 = tpu.memref_squeeze %dma_wait3A_234 : memref<1x128xi32, #tpu.memory_space<vmem>> -> memref<128xi32, #tpu.memory_space<vmem>>
        %dma_wait3A_236 = arith.constant 0 : i32
        %dma_wait3A_237 = arith.constant 0 : i32
        %dma_wait3A_238 = tpu.memref_slice %arg5[%dma_wait3A_236, %dma_wait3A_237] : memref<10240x128xf32, #tpu.memory_space<vmem_shared>> -> memref<10240x128xf32, #tpu.memory_space<vmem_shared>>
        tpu.wait_indirect_dma semaphore(%arg21 : memref<!tpu.dma_semaphore, #tpu.memory_space<semaphore_mem>>) src(%arg11 : memref<128x128xf32, #tpu.memory_space<vmem>>) dst(%dma_wait3A_238 : memref<10240x128xf32, #tpu.memory_space<vmem_shared>>)
      } else {
      }
      %dma_wait3A_93 = arith.constant 0 : i32
      %dma_wait3A_94 = arith.constant 0 : i32
      %dma_wait3A_95 = arith.constant 0 : i32
      %dma_wait3A_96 = tpu.memref_slice %arg3[%add3A, %dma_wait3A_93, %dma_wait3A_94, %dma_wait3A_95] : memref<32x80x2x128xi32, #tpu.memory_space<hbm>> -> memref<1x1x2x128xi32, #tpu.memory_space<hbm>>
      %dma_wait3A_97 = tpu.memref_squeeze %dma_wait3A_96 : memref<1x1x2x128xi32, #tpu.memory_space<hbm>> -> memref<2x128xi32, #tpu.memory_space<hbm>>
      %dma_wait3A_98 = arith.constant 0 : i32
      %dma_wait3A_99 = arith.constant 0 : i32
      %dma_wait3A_100 = tpu.memref_slice %arg3[%add3A, %dma_wait3A_93, %dma_wait3A_98, %dma_wait3A_99] : memref<32x80x2x128xi32, #tpu.memory_space<hbm>> -> memref<1x1x2x128xi32, #tpu.memory_space<hbm>>
      %dma_wait3A_101 = tpu.memref_squeeze %dma_wait3A_100 : memref<1x1x2x128xi32, #tpu.memory_space<hbm>> -> memref<2x128xi32, #tpu.memory_space<hbm>>
      tpu.wait_dma2 semaphore(%arg15 : memref<!tpu.dma_semaphore, #tpu.memory_space<semaphore_mem>>) src(%dma_wait3A_101 : memref<2x128xi32, #tpu.memory_space<hbm>>) dst(%arg7 : memref<2x128xi32, #tpu.memory_space<vmem>>)
      %dma_start3A_102 = arith.constant 0 : i32
      %dma_start3A_103 = arith.constant 0 : i32
      %dma_start3A_104 = tpu.memref_slice %arg7[%dma_start3A_102, %dma_start3A_103] : memref<2x128xi32, #tpu.memory_space<vmem>> -> memref<1x128xi32, #tpu.memory_space<vmem>>
      %dma_start3A_105 = tpu.memref_squeeze %dma_start3A_104 : memref<1x128xi32, #tpu.memory_space<vmem>> -> memref<128xi32, #tpu.memory_space<vmem>>
      %dma_start3A_106 = arith.constant 0 : i32
      %dma_start3A_107 = arith.constant 0 : i32
      %dma_start3A_108 = tpu.memref_slice %arg2[%dma_start3A_106, %dma_start3A_107] : memref<10000x128xf32, #tpu.memory_space<hbm>> -> memref<10000x128xf32, #tpu.memory_space<hbm>>
      tpu.enqueue_indirect_dma source(%dma_start3A_108 : memref<10000x128xf32, #tpu.memory_space<hbm>>) target(%arg11 : memref<128x128xf32, #tpu.memory_space<vmem>>) offsets(%dma_start3A_105 : memref<128xi32, #tpu.memory_space<vmem>>) semaphore(%arg13 : memref<!tpu.dma_semaphore, #tpu.memory_space<semaphore_mem>>)
      %add3A_109 = arith.constant 2 : i32
      %add3A_110 = arith.addi %add3A_76, %add3A_109 : i32
      %dma_start3A_111 = arith.constant 0 : i32
      %dma_start3A_112 = arith.constant 0 : i32
      %dma_start3A_113 = tpu.memref_slice %arg3[%add3A, %add3A_110, %dma_start3A_111, %dma_start3A_112] : memref<32x80x2x128xi32, #tpu.memory_space<hbm>> -> memref<1x1x2x128xi32, #tpu.memory_space<hbm>>
      %dma_start3A_114 = tpu.memref_squeeze %dma_start3A_113 : memref<1x1x2x128xi32, #tpu.memory_space<hbm>> -> memref<2x128xi32, #tpu.memory_space<hbm>>
      %dma_start3A_115 = arith.constant 0 : i32
      %dma_start3A_116 = arith.constant 0 : i32
      %dma_start3A_117 = tpu.memref_slice %arg3[%add3A, %add3A_110, %dma_start3A_115, %dma_start3A_116] : memref<32x80x2x128xi32, #tpu.memory_space<hbm>> -> memref<1x1x2x128xi32, #tpu.memory_space<hbm>>
      %dma_start3A_118 = tpu.memref_squeeze %dma_start3A_117 : memref<1x1x2x128xi32, #tpu.memory_space<hbm>> -> memref<2x128xi32, #tpu.memory_space<hbm>>
      tpu.enqueue_dma source(%dma_start3A_118 : memref<2x128xi32, #tpu.memory_space<hbm>>) target(%arg8 : memref<2x128xi32, #tpu.memory_space<vmem>>) target_semaphore(%arg16 : memref<!tpu.dma_semaphore, #tpu.memory_space<semaphore_mem>>)
      %add3A_119 = arith.constant 1 : i32
      %add3A_120 = arith.addi %mul3A_70, %add3A_119 : i32
      %dma_wait3A_121 = arith.constant 0 : i32
      %dma_wait3A_122 = arith.constant 0 : i32
      %dma_wait3A_123 = tpu.memref_slice %arg6[%dma_wait3A_121, %dma_wait3A_122] : memref<2x128xi32, #tpu.memory_space<vmem>> -> memref<1x128xi32, #tpu.memory_space<vmem>>
      %dma_wait3A_124 = tpu.memref_squeeze %dma_wait3A_123 : memref<1x128xi32, #tpu.memory_space<vmem>> -> memref<128xi32, #tpu.memory_space<vmem>>
      %dma_wait3A_125 = arith.constant 0 : i32
      %dma_wait3A_126 = arith.constant 0 : i32
      %dma_wait3A_127 = tpu.memref_slice %arg2[%dma_wait3A_125, %dma_wait3A_126] : memref<10000x128xf32, #tpu.memory_space<hbm>> -> memref<10000x128xf32, #tpu.memory_space<hbm>>
      tpu.wait_indirect_dma semaphore(%arg13 : memref<!tpu.dma_semaphore, #tpu.memory_space<semaphore_mem>>) src(%dma_wait3A_127 : memref<10000x128xf32, #tpu.memory_space<hbm>>) dst(%arg11 : memref<128x128xf32, #tpu.memory_space<vmem>>)
      %dma_start3A_128 = arith.constant 1 : i32
      %dma_start3A_129 = arith.constant 0 : i32
      %dma_start3A_130 = tpu.memref_slice %arg7[%dma_start3A_128, %dma_start3A_129] : memref<2x128xi32, #tpu.memory_space<vmem>> -> memref<1x128xi32, #tpu.memory_space<vmem>>
      %dma_start3A_131 = tpu.memref_squeeze %dma_start3A_130 : memref<1x128xi32, #tpu.memory_space<vmem>> -> memref<128xi32, #tpu.memory_space<vmem>>
      %dma_start3A_132 = arith.constant 0 : i32
      %dma_start3A_133 = arith.constant 0 : i32
      %dma_start3A_134 = tpu.memref_slice %arg5[%dma_start3A_132, %dma_start3A_133] : memref<10240x128xf32, #tpu.memory_space<vmem_shared>> -> memref<10240x128xf32, #tpu.memory_space<vmem_shared>>
      tpu.enqueue_indirect_dma source(%arg11 : memref<128x128xf32, #tpu.memory_space<vmem>>) target(%dma_start3A_134 : memref<10240x128xf32, #tpu.memory_space<vmem_shared>>) offsets(%dma_start3A_131 : memref<128xi32, #tpu.memory_space<vmem>>) semaphore(%arg19 : memref<!tpu.dma_semaphore, #tpu.memory_space<semaphore_mem>>) {add = true}
      %dma_wait3A_135 = arith.constant 1 : i32
      %dma_wait3A_136 = arith.constant 0 : i32
      %dma_wait3A_137 = tpu.memref_slice %arg6[%dma_wait3A_135, %dma_wait3A_136] : memref<2x128xi32, #tpu.memory_space<vmem>> -> memref<1x128xi32, #tpu.memory_space<vmem>>
      %dma_wait3A_138 = tpu.memref_squeeze %dma_wait3A_137 : memref<1x128xi32, #tpu.memory_space<vmem>> -> memref<128xi32, #tpu.memory_space<vmem>>
      %dma_wait3A_139 = arith.constant 0 : i32
      %dma_wait3A_140 = arith.constant 0 : i32
      %dma_wait3A_141 = tpu.memref_slice %arg5[%dma_wait3A_139, %dma_wait3A_140] : memref<10240x128xf32, #tpu.memory_space<vmem_shared>> -> memref<10240x128xf32, #tpu.memory_space<vmem_shared>>
      tpu.wait_indirect_dma semaphore(%arg18 : memref<!tpu.dma_semaphore, #tpu.memory_space<semaphore_mem>>) src(%arg10 : memref<128x128xf32, #tpu.memory_space<vmem>>) dst(%dma_wait3A_141 : memref<10240x128xf32, #tpu.memory_space<vmem_shared>>)
      %dma_wait3A_142 = arith.constant 0 : i32
      %dma_wait3A_143 = arith.constant 0 : i32
      %dma_wait3A_144 = arith.constant 0 : i32
      %dma_wait3A_145 = tpu.memref_slice %arg3[%add3A, %dma_wait3A_142, %dma_wait3A_143, %dma_wait3A_144] : memref<32x80x2x128xi32, #tpu.memory_space<hbm>> -> memref<1x1x2x128xi32, #tpu.memory_space<hbm>>
      %dma_wait3A_146 = tpu.memref_squeeze %dma_wait3A_145 : memref<1x1x2x128xi32, #tpu.memory_space<hbm>> -> memref<2x128xi32, #tpu.memory_space<hbm>>
      %dma_wait3A_147 = arith.constant 0 : i32
      %dma_wait3A_148 = arith.constant 0 : i32
      %dma_wait3A_149 = tpu.memref_slice %arg3[%add3A, %dma_wait3A_142, %dma_wait3A_147, %dma_wait3A_148] : memref<32x80x2x128xi32, #tpu.memory_space<hbm>> -> memref<1x1x2x128xi32, #tpu.memory_space<hbm>>
      %dma_wait3A_150 = tpu.memref_squeeze %dma_wait3A_149 : memref<1x1x2x128xi32, #tpu.memory_space<hbm>> -> memref<2x128xi32, #tpu.memory_space<hbm>>
      tpu.wait_dma2 semaphore(%arg16 : memref<!tpu.dma_semaphore, #tpu.memory_space<semaphore_mem>>) src(%dma_wait3A_150 : memref<2x128xi32, #tpu.memory_space<hbm>>) dst(%arg8 : memref<2x128xi32, #tpu.memory_space<vmem>>)
      %dma_start3A_151 = arith.constant 0 : i32
      %dma_start3A_152 = arith.constant 0 : i32
      %dma_start3A_153 = tpu.memref_slice %arg8[%dma_start3A_151, %dma_start3A_152] : memref<2x128xi32, #tpu.memory_space<vmem>> -> memref<1x128xi32, #tpu.memory_space<vmem>>
      %dma_start3A_154 = tpu.memref_squeeze %dma_start3A_153 : memref<1x128xi32, #tpu.memory_space<vmem>> -> memref<128xi32, #tpu.memory_space<vmem>>
      %dma_start3A_155 = arith.constant 0 : i32
      %dma_start3A_156 = arith.constant 0 : i32
      %dma_start3A_157 = tpu.memref_slice %arg2[%dma_start3A_155, %dma_start3A_156] : memref<10000x128xf32, #tpu.memory_space<hbm>> -> memref<10000x128xf32, #tpu.memory_space<hbm>>
      tpu.enqueue_indirect_dma source(%dma_start3A_157 : memref<10000x128xf32, #tpu.memory_space<hbm>>) target(%arg10 : memref<128x128xf32, #tpu.memory_space<vmem>>) offsets(%dma_start3A_154 : memref<128xi32, #tpu.memory_space<vmem>>) semaphore(%arg12 : memref<!tpu.dma_semaphore, #tpu.memory_space<semaphore_mem>>)
      %add3A_158 = arith.constant 2 : i32
      %add3A_159 = arith.addi %add3A_120, %add3A_158 : i32
      %dma_start3A_160 = arith.constant 0 : i32
      %dma_start3A_161 = arith.constant 0 : i32
      %dma_start3A_162 = tpu.memref_slice %arg3[%add3A, %add3A_159, %dma_start3A_160, %dma_start3A_161] : memref<32x80x2x128xi32, #tpu.memory_space<hbm>> -> memref<1x1x2x128xi32, #tpu.memory_space<hbm>>
      %dma_start3A_163 = tpu.memref_squeeze %dma_start3A_162 : memref<1x1x2x128xi32, #tpu.memory_space<hbm>> -> memref<2x128xi32, #tpu.memory_space<hbm>>
      %dma_start3A_164 = arith.constant 0 : i32
      %dma_start3A_165 = arith.constant 0 : i32
      %dma_start3A_166 = tpu.memref_slice %arg3[%add3A, %add3A_159, %dma_start3A_164, %dma_start3A_165] : memref<32x80x2x128xi32, #tpu.memory_space<hbm>> -> memref<1x1x2x128xi32, #tpu.memory_space<hbm>>
      %dma_start3A_167 = tpu.memref_squeeze %dma_start3A_166 : memref<1x1x2x128xi32, #tpu.memory_space<hbm>> -> memref<2x128xi32, #tpu.memory_space<hbm>>
      tpu.enqueue_dma source(%dma_start3A_167 : memref<2x128xi32, #tpu.memory_space<hbm>>) target(%arg9 : memref<2x128xi32, #tpu.memory_space<vmem>>) target_semaphore(%arg17 : memref<!tpu.dma_semaphore, #tpu.memory_space<semaphore_mem>>)
      %add3A_168 = arith.constant 2 : i32
      %add3A_169 = arith.addi %mul3A_70, %add3A_168 : i32
      %dma_wait3A_170 = arith.constant 0 : i32
      %dma_wait3A_171 = arith.constant 0 : i32
      %dma_wait3A_172 = tpu.memref_slice %arg6[%dma_wait3A_170, %dma_wait3A_171] : memref<2x128xi32, #tpu.memory_space<vmem>> -> memref<1x128xi32, #tpu.memory_space<vmem>>
      %dma_wait3A_173 = tpu.memref_squeeze %dma_wait3A_172 : memref<1x128xi32, #tpu.memory_space<vmem>> -> memref<128xi32, #tpu.memory_space<vmem>>
      %dma_wait3A_174 = arith.constant 0 : i32
      %dma_wait3A_175 = arith.constant 0 : i32
      %dma_wait3A_176 = tpu.memref_slice %arg2[%dma_wait3A_174, %dma_wait3A_175] : memref<10000x128xf32, #tpu.memory_space<hbm>> -> memref<10000x128xf32, #tpu.memory_space<hbm>>
      tpu.wait_indirect_dma semaphore(%arg12 : memref<!tpu.dma_semaphore, #tpu.memory_space<semaphore_mem>>) src(%dma_wait3A_176 : memref<10000x128xf32, #tpu.memory_space<hbm>>) dst(%arg10 : memref<128x128xf32, #tpu.memory_space<vmem>>)
      %dma_start3A_177 = arith.constant 1 : i32
      %dma_start3A_178 = arith.constant 0 : i32
      %dma_start3A_179 = tpu.memref_slice %arg8[%dma_start3A_177, %dma_start3A_178] : memref<2x128xi32, #tpu.memory_space<vmem>> -> memref<1x128xi32, #tpu.memory_space<vmem>>
      %dma_start3A_180 = tpu.memref_squeeze %dma_start3A_179 : memref<1x128xi32, #tpu.memory_space<vmem>> -> memref<128xi32, #tpu.memory_space<vmem>>
      %dma_start3A_181 = arith.constant 0 : i32
      %dma_start3A_182 = arith.constant 0 : i32
      %dma_start3A_183 = tpu.memref_slice %arg5[%dma_start3A_181, %dma_start3A_182] : memref<10240x128xf32, #tpu.memory_space<vmem_shared>> -> memref<10240x128xf32, #tpu.memory_space<vmem_shared>>
      tpu.enqueue_indirect_dma source(%arg10 : memref<128x128xf32, #tpu.memory_space<vmem>>) target(%dma_start3A_183 : memref<10240x128xf32, #tpu.memory_space<vmem_shared>>) offsets(%dma_start3A_180 : memref<128xi32, #tpu.memory_space<vmem>>) semaphore(%arg20 : memref<!tpu.dma_semaphore, #tpu.memory_space<semaphore_mem>>) {add = true}
      %dma_wait3A_184 = arith.constant 1 : i32
      %dma_wait3A_185 = arith.constant 0 : i32
      %dma_wait3A_186 = tpu.memref_slice %arg7[%dma_wait3A_184, %dma_wait3A_185] : memref<2x128xi32, #tpu.memory_space<vmem>> -> memref<1x128xi32, #tpu.memory_space<vmem>>
      %dma_wait3A_187 = tpu.memref_squeeze %dma_wait3A_186 : memref<1x128xi32, #tpu.memory_space<vmem>> -> memref<128xi32, #tpu.memory_space<vmem>>
      %dma_wait3A_188 = arith.constant 0 : i32
      %dma_wait3A_189 = arith.constant 0 : i32
      %dma_wait3A_190 = tpu.memref_slice %arg5[%dma_wait3A_188, %dma_wait3A_189] : memref<10240x128xf32, #tpu.memory_space<vmem_shared>> -> memref<10240x128xf32, #tpu.memory_space<vmem_shared>>
      tpu.wait_indirect_dma semaphore(%arg19 : memref<!tpu.dma_semaphore, #tpu.memory_space<semaphore_mem>>) src(%arg11 : memref<128x128xf32, #tpu.memory_space<vmem>>) dst(%dma_wait3A_190 : memref<10240x128xf32, #tpu.memory_space<vmem_shared>>)
      %dma_wait3A_191 = arith.constant 0 : i32
      %dma_wait3A_192 = arith.constant 0 : i32
      %dma_wait3A_193 = arith.constant 0 : i32
      %dma_wait3A_194 = tpu.memref_slice %arg3[%add3A, %dma_wait3A_191, %dma_wait3A_192, %dma_wait3A_193] : memref<32x80x2x128xi32, #tpu.memory_space<hbm>> -> memref<1x1x2x128xi32, #tpu.memory_space<hbm>>
      %dma_wait3A_195 = tpu.memref_squeeze %dma_wait3A_194 : memref<1x1x2x128xi32, #tpu.memory_space<hbm>> -> memref<2x128xi32, #tpu.memory_space<hbm>>
      %dma_wait3A_196 = arith.constant 0 : i32
      %dma_wait3A_197 = arith.constant 0 : i32
      %dma_wait3A_198 = tpu.memref_slice %arg3[%add3A, %dma_wait3A_191, %dma_wait3A_196, %dma_wait3A_197] : memref<32x80x2x128xi32, #tpu.memory_space<hbm>> -> memref<1x1x2x128xi32, #tpu.memory_space<hbm>>
      %dma_wait3A_199 = tpu.memref_squeeze %dma_wait3A_198 : memref<1x1x2x128xi32, #tpu.memory_space<hbm>> -> memref<2x128xi32, #tpu.memory_space<hbm>>
      tpu.wait_dma2 semaphore(%arg17 : memref<!tpu.dma_semaphore, #tpu.memory_space<semaphore_mem>>) src(%dma_wait3A_199 : memref<2x128xi32, #tpu.memory_space<hbm>>) dst(%arg9 : memref<2x128xi32, #tpu.memory_space<vmem>>)
      %dma_start3A_200 = arith.constant 0 : i32
      %dma_start3A_201 = arith.constant 0 : i32
      %dma_start3A_202 = tpu.memref_slice %arg9[%dma_start3A_200, %dma_start3A_201] : memref<2x128xi32, #tpu.memory_space<vmem>> -> memref<1x128xi32, #tpu.memory_space<vmem>>
      %dma_start3A_203 = tpu.memref_squeeze %dma_start3A_202 : memref<1x128xi32, #tpu.memory_space<vmem>> -> memref<128xi32, #tpu.memory_space<vmem>>
      %dma_start3A_204 = arith.constant 0 : i32
      %dma_start3A_205 = arith.constant 0 : i32
      %dma_start3A_206 = tpu.memref_slice %arg2[%dma_start3A_204, %dma_start3A_205] : memref<10000x128xf32, #tpu.memory_space<hbm>> -> memref<10000x128xf32, #tpu.memory_space<hbm>>
      tpu.enqueue_indirect_dma source(%dma_start3A_206 : memref<10000x128xf32, #tpu.memory_space<hbm>>) target(%arg11 : memref<128x128xf32, #tpu.memory_space<vmem>>) offsets(%dma_start3A_203 : memref<128xi32, #tpu.memory_space<vmem>>) semaphore(%arg13 : memref<!tpu.dma_semaphore, #tpu.memory_space<semaphore_mem>>)
      %convert_element_type3A_207 = arith.extui %lt3A_74 : i1 to i32
      %cond3A_208 = arith.constant 0 : i32
      %cond3A_209 = arith.cmpi ne, %convert_element_type3A_207, %cond3A_208 : i32
      scf.if %cond3A_209 {
        %add3A_232 = arith.constant 2 : i32
        %add3A_233 = arith.addi %add3A_169, %add3A_232 : i32
        %dma_start3A_234 = arith.constant 0 : i32
        %dma_start3A_235 = arith.constant 0 : i32
        %dma_start3A_236 = tpu.memref_slice %arg3[%add3A, %add3A_233, %dma_start3A_234, %dma_start3A_235] : memref<32x80x2x128xi32, #tpu.memory_space<hbm>> -> memref<1x1x2x128xi32, #tpu.memory_space<hbm>>
        %dma_start3A_237 = tpu.memref_squeeze %dma_start3A_236 : memref<1x1x2x128xi32, #tpu.memory_space<hbm>> -> memref<2x128xi32, #tpu.memory_space<hbm>>
        %dma_start3A_238 = arith.constant 0 : i32
        %dma_start3A_239 = arith.constant 0 : i32
        %dma_start3A_240 = tpu.memref_slice %arg3[%add3A, %add3A_233, %dma_start3A_238, %dma_start3A_239] : memref<32x80x2x128xi32, #tpu.memory_space<hbm>> -> memref<1x1x2x128xi32, #tpu.memory_space<hbm>>
        %dma_start3A_241 = tpu.memref_squeeze %dma_start3A_240 : memref<1x1x2x128xi32, #tpu.memory_space<hbm>> -> memref<2x128xi32, #tpu.memory_space<hbm>>
        tpu.enqueue_dma source(%dma_start3A_241 : memref<2x128xi32, #tpu.memory_space<hbm>>) target(%arg6 : memref<2x128xi32, #tpu.memory_space<vmem>>) target_semaphore(%arg14 : memref<!tpu.dma_semaphore, #tpu.memory_space<semaphore_mem>>)
      } else {
      }
      %add3A_210 = arith.constant 3 : i32
      %add3A_211 = arith.addi %mul3A_70, %add3A_210 : i32
      %dma_wait3A_212 = arith.constant 0 : i32
      %dma_wait3A_213 = arith.constant 0 : i32
      %dma_wait3A_214 = tpu.memref_slice %arg6[%dma_wait3A_212, %dma_wait3A_213] : memref<2x128xi32, #tpu.memory_space<vmem>> -> memref<1x128xi32, #tpu.memory_space<vmem>>
      %dma_wait3A_215 = tpu.memref_squeeze %dma_wait3A_214 : memref<1x128xi32, #tpu.memory_space<vmem>> -> memref<128xi32, #tpu.memory_space<vmem>>
      %dma_wait3A_216 = arith.constant 0 : i32
      %dma_wait3A_217 = arith.constant 0 : i32
      %dma_wait3A_218 = tpu.memref_slice %arg2[%dma_wait3A_216, %dma_wait3A_217] : memref<10000x128xf32, #tpu.memory_space<hbm>> -> memref<10000x128xf32, #tpu.memory_space<hbm>>
      tpu.wait_indirect_dma semaphore(%arg13 : memref<!tpu.dma_semaphore, #tpu.memory_space<semaphore_mem>>) src(%dma_wait3A_218 : memref<10000x128xf32, #tpu.memory_space<hbm>>) dst(%arg11 : memref<128x128xf32, #tpu.memory_space<vmem>>)
      %dma_start3A_219 = arith.constant 1 : i32
      %dma_start3A_220 = arith.constant 0 : i32
      %dma_start3A_221 = tpu.memref_slice %arg9[%dma_start3A_219, %dma_start3A_220] : memref<2x128xi32, #tpu.memory_space<vmem>> -> memref<1x128xi32, #tpu.memory_space<vmem>>
      %dma_start3A_222 = tpu.memref_squeeze %dma_start3A_221 : memref<1x128xi32, #tpu.memory_space<vmem>> -> memref<128xi32, #tpu.memory_space<vmem>>
      %dma_start3A_223 = arith.constant 0 : i32
      %dma_start3A_224 = arith.constant 0 : i32
      %dma_start3A_225 = tpu.memref_slice %arg5[%dma_start3A_223, %dma_start3A_224] : memref<10240x128xf32, #tpu.memory_space<vmem_shared>> -> memref<10240x128xf32, #tpu.memory_space<vmem_shared>>
      tpu.enqueue_indirect_dma source(%arg11 : memref<128x128xf32, #tpu.memory_space<vmem>>) target(%dma_start3A_225 : memref<10240x128xf32, #tpu.memory_space<vmem_shared>>) offsets(%dma_start3A_222 : memref<128xi32, #tpu.memory_space<vmem>>) semaphore(%arg21 : memref<!tpu.dma_semaphore, #tpu.memory_space<semaphore_mem>>) {add = true}
      %convert_element_type3A_226 = arith.extui %lt3A_74 : i1 to i32
      %cond3A_227 = arith.constant 0 : i32
      %cond3A_228 = arith.cmpi ne, %convert_element_type3A_226, %cond3A_227 : i32
      scf.if %cond3A_228 {
        %dma_wait3A_232 = arith.constant 1 : i32
        %dma_wait3A_233 = arith.constant 0 : i32
        %dma_wait3A_234 = tpu.memref_slice %arg8[%dma_wait3A_232, %dma_wait3A_233] : memref<2x128xi32, #tpu.memory_space<vmem>> -> memref<1x128xi32, #tpu.memory_space<vmem>>
        %dma_wait3A_235 = tpu.memref_squeeze %dma_wait3A_234 : memref<1x128xi32, #tpu.memory_space<vmem>> -> memref<128xi32, #tpu.memory_space<vmem>>
        %dma_wait3A_236 = arith.constant 0 : i32
        %dma_wait3A_237 = arith.constant 0 : i32
        %dma_wait3A_238 = tpu.memref_slice %arg5[%dma_wait3A_236, %dma_wait3A_237] : memref<10240x128xf32, #tpu.memory_space<vmem_shared>> -> memref<10240x128xf32, #tpu.memory_space<vmem_shared>>
        tpu.wait_indirect_dma semaphore(%arg20 : memref<!tpu.dma_semaphore, #tpu.memory_space<semaphore_mem>>) src(%arg10 : memref<128x128xf32, #tpu.memory_space<vmem>>) dst(%dma_wait3A_238 : memref<10240x128xf32, #tpu.memory_space<vmem_shared>>)
        %dma_wait3A_239 = arith.constant 0 : i32
        %dma_wait3A_240 = arith.constant 0 : i32
        %dma_wait3A_241 = arith.constant 0 : i32
        %dma_wait3A_242 = tpu.memref_slice %arg3[%add3A, %dma_wait3A_239, %dma_wait3A_240, %dma_wait3A_241] : memref<32x80x2x128xi32, #tpu.memory_space<hbm>> -> memref<1x1x2x128xi32, #tpu.memory_space<hbm>>
        %dma_wait3A_243 = tpu.memref_squeeze %dma_wait3A_242 : memref<1x1x2x128xi32, #tpu.memory_space<hbm>> -> memref<2x128xi32, #tpu.memory_space<hbm>>
        %dma_wait3A_244 = arith.constant 0 : i32
        %dma_wait3A_245 = arith.constant 0 : i32
        %dma_wait3A_246 = tpu.memref_slice %arg3[%add3A, %dma_wait3A_239, %dma_wait3A_244, %dma_wait3A_245] : memref<32x80x2x128xi32, #tpu.memory_space<hbm>> -> memref<1x1x2x128xi32, #tpu.memory_space<hbm>>
        %dma_wait3A_247 = tpu.memref_squeeze %dma_wait3A_246 : memref<1x1x2x128xi32, #tpu.memory_space<hbm>> -> memref<2x128xi32, #tpu.memory_space<hbm>>
        tpu.wait_dma2 semaphore(%arg14 : memref<!tpu.dma_semaphore, #tpu.memory_space<semaphore_mem>>) src(%dma_wait3A_247 : memref<2x128xi32, #tpu.memory_space<hbm>>) dst(%arg6 : memref<2x128xi32, #tpu.memory_space<vmem>>)
        %dma_start3A_248 = arith.constant 0 : i32
        %dma_start3A_249 = arith.constant 0 : i32
        %dma_start3A_250 = tpu.memref_slice %arg6[%dma_start3A_248, %dma_start3A_249] : memref<2x128xi32, #tpu.memory_space<vmem>> -> memref<1x128xi32, #tpu.memory_space<vmem>>
        %dma_start3A_251 = tpu.memref_squeeze %dma_start3A_250 : memref<1x128xi32, #tpu.memory_space<vmem>> -> memref<128xi32, #tpu.memory_space<vmem>>
        %dma_start3A_252 = arith.constant 0 : i32
        %dma_start3A_253 = arith.constant 0 : i32
        %dma_start3A_254 = tpu.memref_slice %arg2[%dma_start3A_252, %dma_start3A_253] : memref<10000x128xf32, #tpu.memory_space<hbm>> -> memref<10000x128xf32, #tpu.memory_space<hbm>>
        tpu.enqueue_indirect_dma source(%dma_start3A_254 : memref<10000x128xf32, #tpu.memory_space<hbm>>) target(%arg10 : memref<128x128xf32, #tpu.memory_space<vmem>>) offsets(%dma_start3A_251 : memref<128xi32, #tpu.memory_space<vmem>>) semaphore(%arg12 : memref<!tpu.dma_semaphore, #tpu.memory_space<semaphore_mem>>)
      } else {
      }
      %convert_element_type3A_229 = arith.extui %lt3A_74 : i1 to i32
      %cond3A_230 = arith.constant 0 : i32
      %cond3A_231 = arith.cmpi ne, %convert_element_type3A_229, %cond3A_230 : i32
      scf.if %cond3A_231 {
        %add3A_232 = arith.constant 2 : i32
        %add3A_233 = arith.addi %add3A_211, %add3A_232 : i32
        %dma_start3A_234 = arith.constant 0 : i32
        %dma_start3A_235 = arith.constant 0 : i32
        %dma_start3A_236 = tpu.memref_slice %arg3[%add3A, %add3A_233, %dma_start3A_234, %dma_start3A_235] : memref<32x80x2x128xi32, #tpu.memory_space<hbm>> -> memref<1x1x2x128xi32, #tpu.memory_space<hbm>>
        %dma_start3A_237 = tpu.memref_squeeze %dma_start3A_236 : memref<1x1x2x128xi32, #tpu.memory_space<hbm>> -> memref<2x128xi32, #tpu.memory_space<hbm>>
        %dma_start3A_238 = arith.constant 0 : i32
        %dma_start3A_239 = arith.constant 0 : i32
        %dma_start3A_240 = tpu.memref_slice %arg3[%add3A, %add3A_233, %dma_start3A_238, %dma_start3A_239] : memref<32x80x2x128xi32, #tpu.memory_space<hbm>> -> memref<1x1x2x128xi32, #tpu.memory_space<hbm>>
        %dma_start3A_241 = tpu.memref_squeeze %dma_start3A_240 : memref<1x1x2x128xi32, #tpu.memory_space<hbm>> -> memref<2x128xi32, #tpu.memory_space<hbm>>
        tpu.enqueue_dma source(%dma_start3A_241 : memref<2x128xi32, #tpu.memory_space<hbm>>) target(%arg7 : memref<2x128xi32, #tpu.memory_space<vmem>>) target_semaphore(%arg15 : memref<!tpu.dma_semaphore, #tpu.memory_space<semaphore_mem>>)
      } else {
      }
    }
    %scan3A_49 = arith.constant 20 : i32
    %dma_wait3A = arith.constant 1 : i32
    %dma_wait3A_50 = arith.constant 0 : i32
    %dma_wait3A_51 = tpu.memref_slice %arg8[%dma_wait3A, %dma_wait3A_50] : memref<2x128xi32, #tpu.memory_space<vmem>> -> memref<1x128xi32, #tpu.memory_space<vmem>>
    %dma_wait3A_52 = tpu.memref_squeeze %dma_wait3A_51 : memref<1x128xi32, #tpu.memory_space<vmem>> -> memref<128xi32, #tpu.memory_space<vmem>>
    %dma_wait3A_53 = arith.constant 0 : i32
    %dma_wait3A_54 = arith.constant 0 : i32
    %dma_wait3A_55 = tpu.memref_slice %arg5[%dma_wait3A_53, %dma_wait3A_54] : memref<10240x128xf32, #tpu.memory_space<vmem_shared>> -> memref<10240x128xf32, #tpu.memory_space<vmem_shared>>
    tpu.wait_indirect_dma semaphore(%arg20 : memref<!tpu.dma_semaphore, #tpu.memory_space<semaphore_mem>>) src(%arg10 : memref<128x128xf32, #tpu.memory_space<vmem>>) dst(%dma_wait3A_55 : memref<10240x128xf32, #tpu.memory_space<vmem_shared>>)
    %dma_wait3A_56 = arith.constant 1 : i32
    %dma_wait3A_57 = arith.constant 0 : i32
    %dma_wait3A_58 = tpu.memref_slice %arg9[%dma_wait3A_56, %dma_wait3A_57] : memref<2x128xi32, #tpu.memory_space<vmem>> -> memref<1x128xi32, #tpu.memory_space<vmem>>
    %dma_wait3A_59 = tpu.memref_squeeze %dma_wait3A_58 : memref<1x128xi32, #tpu.memory_space<vmem>> -> memref<128xi32, #tpu.memory_space<vmem>>
    %dma_wait3A_60 = arith.constant 0 : i32
    %dma_wait3A_61 = arith.constant 0 : i32
    %dma_wait3A_62 = tpu.memref_slice %arg5[%dma_wait3A_60, %dma_wait3A_61] : memref<10240x128xf32, #tpu.memory_space<vmem_shared>> -> memref<10240x128xf32, #tpu.memory_space<vmem_shared>>
    tpu.wait_indirect_dma semaphore(%arg21 : memref<!tpu.dma_semaphore, #tpu.memory_space<semaphore_mem>>) src(%arg11 : memref<128x128xf32, #tpu.memory_space<vmem>>) dst(%dma_wait3A_62 : memref<10240x128xf32, #tpu.memory_space<vmem_shared>>)
    %barrier3A_63 = arith.constant 0 : index
    tpu.barrier barrier_id(%barrier3A_63)
    %mul3A_64 = arith.constant 640 : i32
    %mul3A_65 = arith.muli %arg1, %mul3A_64 : i32
    %mul3A_66 = arith.constant 640 : i32
    %mul3A_67 = arith.muli %arg1, %mul3A_66 : i32
    "tpu.region"() ({
      %run_scoped3A_68 = tpu.sem_alloc : memref<!tpu.dma_semaphore, #tpu.memory_space<semaphore_mem>>
      %dma_start3A_69 = arith.constant 0 : i32
      %dma_start3A_70 = tpu.memref_slice %arg4[%arg0, %mul3A_67, %dma_start3A_69] : memref<2x10240x128xf32, #tpu.memory_space<hbm>> -> memref<1x640x128xf32, #tpu.memory_space<hbm>>
      %dma_start3A_71 = tpu.memref_squeeze %dma_start3A_70 : memref<1x640x128xf32, #tpu.memory_space<hbm>> -> memref<640x128xf32, #tpu.memory_space<hbm>>
      %dma_start3A_72 = arith.constant 0 : i32
      %dma_start3A_73 = tpu.memref_slice %arg5[%mul3A_65, %dma_start3A_72] : memref<10240x128xf32, #tpu.memory_space<vmem_shared>> -> memref<640x128xf32, #tpu.memory_space<vmem_shared>>
      tpu.enqueue_dma source(%dma_start3A_73 : memref<640x128xf32, #tpu.memory_space<vmem_shared>>) target(%dma_start3A_71 : memref<640x128xf32, #tpu.memory_space<hbm>>) target_semaphore(%run_scoped3A_68 : memref<!tpu.dma_semaphore, #tpu.memory_space<semaphore_mem>>)
      %dma_wait3A_74 = arith.constant 0 : i32
      %dma_wait3A_75 = tpu.memref_slice %arg4[%arg0, %mul3A_67, %dma_wait3A_74] : memref<2x10240x128xf32, #tpu.memory_space<hbm>> -> memref<1x640x128xf32, #tpu.memory_space<hbm>>
      %dma_wait3A_76 = tpu.memref_squeeze %dma_wait3A_75 : memref<1x640x128xf32, #tpu.memory_space<hbm>> -> memref<640x128xf32, #tpu.memory_space<hbm>>
      %dma_wait3A_77 = arith.constant 0 : i32
      %dma_wait3A_78 = tpu.memref_slice %arg5[%mul3A_65, %dma_wait3A_77] : memref<10240x128xf32, #tpu.memory_space<vmem_shared>> -> memref<640x128xf32, #tpu.memory_space<vmem_shared>>
      tpu.wait_dma2 semaphore(%run_scoped3A_68 : memref<!tpu.dma_semaphore, #tpu.memory_space<semaphore_mem>>) src(%dma_wait3A_78 : memref<640x128xf32, #tpu.memory_space<vmem_shared>>) dst(%dma_wait3A_76 : memref<640x128xf32, #tpu.memory_space<hbm>>)
      tpu.yield
    }) : () -> ()
    return
  }
}

#map = affine_map<(d0, d1) -> (0, 0)>
#map1 = affine_map<(d0, d1) -> (0, 0, 0, 0)>
#map2 = affine_map<(d0, d1) -> (0, 0, 0)>
module attributes {stable_mosaic.version = 14 : i64} {
  func.func @body(%arg0: i32, %arg1: i32, %arg2: memref<10000x128xf32, #tpu.memory_space<hbm>>, %arg3: memref<32x80x2x128xi32, #tpu.memory_space<hbm>>, %arg4: memref<2x10240x128xf32, #tpu.memory_space<hbm>>, %arg5: memref<2x80x128xf32, #tpu.memory_space<hbm>>, %arg6: memref<10240x128xf32, #tpu.memory_space<vmem_shared>>, %arg7: memref<2x128xi32, #tpu.memory_space<vmem>>, %arg8: memref<2x128xi32, #tpu.memory_space<vmem>>, %arg9: memref<2x128xi32, #tpu.memory_space<vmem>>, %arg10: memref<2x128xi32, #tpu.memory_space<vmem>>, %arg11: memref<128x128xf32, #tpu.memory_space<vmem>>, %arg12: memref<128x128xf32, #tpu.memory_space<vmem>>, %arg13: memref<!tpu.dma_semaphore, #tpu.memory_space<semaphore_mem>>, %arg14: memref<!tpu.dma_semaphore, #tpu.memory_space<semaphore_mem>>, %arg15: memref<!tpu.dma_semaphore, #tpu.memory_space<semaphore_mem>>, %arg16: memref<!tpu.dma_semaphore, #tpu.memory_space<semaphore_mem>>, %arg17: memref<!tpu.dma_semaphore, #tpu.memory_space<semaphore_mem>>, %arg18: memref<!tpu.dma_semaphore, #tpu.memory_space<semaphore_mem>>, %arg19: memref<!tpu.dma_semaphore, #tpu.memory_space<semaphore_mem>>, %arg20: memref<!tpu.dma_semaphore, #tpu.memory_space<semaphore_mem>>, %arg21: memref<!tpu.dma_semaphore, #tpu.memory_space<semaphore_mem>>, %arg22: memref<!tpu.dma_semaphore, #tpu.memory_space<semaphore_mem>>, %arg23: memref<80x128xf32, #tpu.memory_space<vmem_shared>>, %arg24: memref<80x128xf32, #tpu.memory_space<vmem>>, %arg25: memref<80xi32, #tpu.memory_space<vmem>>) attributes {dimension_semantics = [#tpu.dimension_semantics<core_parallel>, #tpu.dimension_semantics<subcore_parallel>], iteration_bounds = array<i64: 2, 16>, scalar_prefetch = 0 : i64, scratch_operands = 20 : i64, tpu.core_type = #tpu.core_type<sc_vector_subcore>, window_params = [{transform_indices = #map}, {transform_indices = #map1}, {transform_indices = #map2}, {transform_indices = #map2}]} {
    %mul3A = arith.constant 16 : i32
    %mul3A_0 = arith.muli %arg0, %mul3A : i32
    %add3A = arith.addi %mul3A_0, %arg1 : i32
    %broadcast_in_dim3A = arith.constant 0.000000e+00 : f32
    %broadcast_in_dim3A_1 = vector.broadcast %broadcast_in_dim3A : f32 to vector<16xf32>
    %broadcast_in_dim3A_2 = arith.constant 1.000000e+00 : f32
    %broadcast_in_dim3A_3 = vector.broadcast %broadcast_in_dim3A_2 : f32 to vector<16xf32>
    %run_scoped3A = arith.constant 0 : i32
    "tpu.region"() ({
      %run_scoped3A_86 = tpu.sem_alloc : memref<!tpu.dma_semaphore, #tpu.memory_space<semaphore_mem>>
      %dma_start3A_87 = arith.constant 0 : i32
      %dma_start3A_88 = arith.constant 0 : i32
      %dma_start3A_89 = tpu.memref_slice %arg3[%add3A, %run_scoped3A, %dma_start3A_87, %dma_start3A_88] : memref<32x80x2x128xi32, #tpu.memory_space<hbm>> -> memref<1x1x2x128xi32, #tpu.memory_space<hbm>>
      %dma_start3A_90 = tpu.memref_squeeze %dma_start3A_89 : memref<1x1x2x128xi32, #tpu.memory_space<hbm>> -> memref<2x128xi32, #tpu.memory_space<hbm>>
      %dma_start3A_91 = arith.constant 0 : i32
      %dma_start3A_92 = arith.constant 0 : i32
      %dma_start3A_93 = tpu.memref_slice %arg3[%add3A, %run_scoped3A, %dma_start3A_91, %dma_start3A_92] : memref<32x80x2x128xi32, #tpu.memory_space<hbm>> -> memref<1x1x2x128xi32, #tpu.memory_space<hbm>>
      %dma_start3A_94 = tpu.memref_squeeze %dma_start3A_93 : memref<1x1x2x128xi32, #tpu.memory_space<hbm>> -> memref<2x128xi32, #tpu.memory_space<hbm>>
      tpu.enqueue_dma source(%dma_start3A_94 : memref<2x128xi32, #tpu.memory_space<hbm>>) target(%arg7 : memref<2x128xi32, #tpu.memory_space<vmem>>) target_semaphore(%run_scoped3A_86 : memref<!tpu.dma_semaphore, #tpu.memory_space<semaphore_mem>>)
      %dma_wait3A_95 = arith.constant 0 : i32
      %dma_wait3A_96 = arith.constant 0 : i32
      %dma_wait3A_97 = tpu.memref_slice %arg3[%add3A, %run_scoped3A, %dma_wait3A_95, %dma_wait3A_96] : memref<32x80x2x128xi32, #tpu.memory_space<hbm>> -> memref<1x1x2x128xi32, #tpu.memory_space<hbm>>
      %dma_wait3A_98 = tpu.memref_squeeze %dma_wait3A_97 : memref<1x1x2x128xi32, #tpu.memory_space<hbm>> -> memref<2x128xi32, #tpu.memory_space<hbm>>
      %dma_wait3A_99 = arith.constant 0 : i32
      %dma_wait3A_100 = arith.constant 0 : i32
      %dma_wait3A_101 = tpu.memref_slice %arg3[%add3A, %run_scoped3A, %dma_wait3A_99, %dma_wait3A_100] : memref<32x80x2x128xi32, #tpu.memory_space<hbm>> -> memref<1x1x2x128xi32, #tpu.memory_space<hbm>>
      %dma_wait3A_102 = tpu.memref_squeeze %dma_wait3A_101 : memref<1x1x2x128xi32, #tpu.memory_space<hbm>> -> memref<2x128xi32, #tpu.memory_space<hbm>>
      tpu.wait_dma2 semaphore(%run_scoped3A_86 : memref<!tpu.dma_semaphore, #tpu.memory_space<semaphore_mem>>) src(%dma_wait3A_102 : memref<2x128xi32, #tpu.memory_space<hbm>>) dst(%arg7 : memref<2x128xi32, #tpu.memory_space<vmem>>)
      tpu.yield
    }) : () -> ()
    %dma_start3A = arith.constant 0 : i32
    %dma_start3A_4 = arith.constant 0 : i32
    %dma_start3A_5 = tpu.memref_slice %arg7[%dma_start3A, %dma_start3A_4] : memref<2x128xi32, #tpu.memory_space<vmem>> -> memref<1x128xi32, #tpu.memory_space<vmem>>
    %dma_start3A_6 = tpu.memref_squeeze %dma_start3A_5 : memref<1x128xi32, #tpu.memory_space<vmem>> -> memref<128xi32, #tpu.memory_space<vmem>>
    %dma_start3A_7 = arith.constant 0 : i32
    %dma_start3A_8 = arith.constant 0 : i32
    %dma_start3A_9 = tpu.memref_slice %arg2[%dma_start3A_7, %dma_start3A_8] : memref<10000x128xf32, #tpu.memory_space<hbm>> -> memref<10000x128xf32, #tpu.memory_space<hbm>>
    tpu.enqueue_indirect_dma source(%dma_start3A_9 : memref<10000x128xf32, #tpu.memory_space<hbm>>) target(%arg11 : memref<128x128xf32, #tpu.memory_space<vmem>>) offsets(%dma_start3A_6 : memref<128xi32, #tpu.memory_space<vmem>>) semaphore(%arg13 : memref<!tpu.dma_semaphore, #tpu.memory_space<semaphore_mem>>)
    %dma_start3A_10 = arith.constant 1 : i32
    %dma_start3A_11 = arith.constant 0 : i32
    %dma_start3A_12 = arith.constant 0 : i32
    %dma_start3A_13 = tpu.memref_slice %arg3[%add3A, %dma_start3A_10, %dma_start3A_11, %dma_start3A_12] : memref<32x80x2x128xi32, #tpu.memory_space<hbm>> -> memref<1x1x2x128xi32, #tpu.memory_space<hbm>>
    %dma_start3A_14 = tpu.memref_squeeze %dma_start3A_13 : memref<1x1x2x128xi32, #tpu.memory_space<hbm>> -> memref<2x128xi32, #tpu.memory_space<hbm>>
    %dma_start3A_15 = arith.constant 0 : i32
    %dma_start3A_16 = arith.constant 0 : i32
    %dma_start3A_17 = tpu.memref_slice %arg3[%add3A, %dma_start3A_10, %dma_start3A_15, %dma_start3A_16] : memref<32x80x2x128xi32, #tpu.memory_space<hbm>> -> memref<1x1x2x128xi32, #tpu.memory_space<hbm>>
    %dma_start3A_18 = tpu.memref_squeeze %dma_start3A_17 : memref<1x1x2x128xi32, #tpu.memory_space<hbm>> -> memref<2x128xi32, #tpu.memory_space<hbm>>
    tpu.enqueue_dma source(%dma_start3A_18 : memref<2x128xi32, #tpu.memory_space<hbm>>) target(%arg8 : memref<2x128xi32, #tpu.memory_space<vmem>>) target_semaphore(%arg16 : memref<!tpu.dma_semaphore, #tpu.memory_space<semaphore_mem>>)
    %scan3A = arith.constant 0 : i32
    %scan3A_19 = arith.constant 0 : i32
    %scan3A_20 = arith.constant 128 : i32
    %scan3A_21 = arith.addi %scan3A_19, %scan3A_20 : i32
    %scan3A_22 = arith.constant 1 : i32
    scf.for %scan3A_86 = %scan3A_19 to %scan3A_21 step %scan3A_22  : i32 {
      %swap3A = arith.index_cast %scan3A_86 : i32 to index
      %swap3A_87 = arith.constant 0 : index
      %swap3A_88 = tpu.vector_load %arg12[%swap3A, %swap3A_87] {strides = array<i32>} : memref<128x128xf32, #tpu.memory_space<vmem>>, vector<16xf32>,
      tpu.vector_store %arg12[%swap3A, %swap3A_87], %broadcast_in_dim3A_1 {strides = array<i32>} : memref<128x128xf32, #tpu.memory_space<vmem>>, vector<16xf32>,
      %swap3A_89 = arith.index_cast %scan3A_86 : i32 to index
      %swap3A_90 = arith.constant 16 : index
      %swap3A_91 = tpu.vector_load %arg12[%swap3A_89, %swap3A_90] {strides = array<i32>} : memref<128x128xf32, #tpu.memory_space<vmem>>, vector<16xf32>,
      tpu.vector_store %arg12[%swap3A_89, %swap3A_90], %broadcast_in_dim3A_1 {strides = array<i32>} : memref<128x128xf32, #tpu.memory_space<vmem>>, vector<16xf32>,
      %swap3A_92 = arith.index_cast %scan3A_86 : i32 to index
      %swap3A_93 = arith.constant 32 : index
      %swap3A_94 = tpu.vector_load %arg12[%swap3A_92, %swap3A_93] {strides = array<i32>} : memref<128x128xf32, #tpu.memory_space<vmem>>, vector<16xf32>,
      tpu.vector_store %arg12[%swap3A_92, %swap3A_93], %broadcast_in_dim3A_1 {strides = array<i32>} : memref<128x128xf32, #tpu.memory_space<vmem>>, vector<16xf32>,
      %swap3A_95 = arith.index_cast %scan3A_86 : i32 to index
      %swap3A_96 = arith.constant 48 : index
      %swap3A_97 = tpu.vector_load %arg12[%swap3A_95, %swap3A_96] {strides = array<i32>} : memref<128x128xf32, #tpu.memory_space<vmem>>, vector<16xf32>,
      tpu.vector_store %arg12[%swap3A_95, %swap3A_96], %broadcast_in_dim3A_1 {strides = array<i32>} : memref<128x128xf32, #tpu.memory_space<vmem>>, vector<16xf32>,
      %swap3A_98 = arith.index_cast %scan3A_86 : i32 to index
      %swap3A_99 = arith.constant 64 : index
      %swap3A_100 = tpu.vector_load %arg12[%swap3A_98, %swap3A_99] {strides = array<i32>} : memref<128x128xf32, #tpu.memory_space<vmem>>, vector<16xf32>,
      tpu.vector_store %arg12[%swap3A_98, %swap3A_99], %broadcast_in_dim3A_1 {strides = array<i32>} : memref<128x128xf32, #tpu.memory_space<vmem>>, vector<16xf32>,
      %swap3A_101 = arith.index_cast %scan3A_86 : i32 to index
      %swap3A_102 = arith.constant 80 : index
      %swap3A_103 = tpu.vector_load %arg12[%swap3A_101, %swap3A_102] {strides = array<i32>} : memref<128x128xf32, #tpu.memory_space<vmem>>, vector<16xf32>,
      tpu.vector_store %arg12[%swap3A_101, %swap3A_102], %broadcast_in_dim3A_1 {strides = array<i32>} : memref<128x128xf32, #tpu.memory_space<vmem>>, vector<16xf32>,
      %swap3A_104 = arith.index_cast %scan3A_86 : i32 to index
      %swap3A_105 = arith.constant 96 : index
      %swap3A_106 = tpu.vector_load %arg12[%swap3A_104, %swap3A_105] {strides = array<i32>} : memref<128x128xf32, #tpu.memory_space<vmem>>, vector<16xf32>,
      tpu.vector_store %arg12[%swap3A_104, %swap3A_105], %broadcast_in_dim3A_1 {strides = array<i32>} : memref<128x128xf32, #tpu.memory_space<vmem>>, vector<16xf32>,
      %swap3A_107 = arith.index_cast %scan3A_86 : i32 to index
      %swap3A_108 = arith.constant 112 : index
      %swap3A_109 = tpu.vector_load %arg12[%swap3A_107, %swap3A_108] {strides = array<i32>} : memref<128x128xf32, #tpu.memory_space<vmem>>, vector<16xf32>,
      tpu.vector_store %arg12[%swap3A_107, %swap3A_108], %broadcast_in_dim3A_1 {strides = array<i32>} : memref<128x128xf32, #tpu.memory_space<vmem>>, vector<16xf32>,
    }
    %scan3A_23 = arith.constant 128 : i32
    %mul3A_24 = arith.constant 640 : i32
    %mul3A_25 = arith.muli %arg1, %mul3A_24 : i32
    %add3A_26 = arith.constant 0 : i32
    %add3A_27 = arith.addi %mul3A_25, %add3A_26 : i32
    "tpu.region"() ({
      %run_scoped3A_86 = tpu.sem_alloc : memref<!tpu.dma_semaphore, #tpu.memory_space<semaphore_mem>>
      %dma_start3A_87 = arith.constant 0 : i32
      %dma_start3A_88 = tpu.memref_slice %arg6[%add3A_27, %dma_start3A_87] : memref<10240x128xf32, #tpu.memory_space<vmem_shared>> -> memref<128x128xf32, #tpu.memory_space<vmem_shared>>
      %dma_start3A_89 = arith.constant 0 : i32
      %dma_start3A_90 = tpu.memref_slice %arg6[%add3A_27, %dma_start3A_89] : memref<10240x128xf32, #tpu.memory_space<vmem_shared>> -> memref<128x128xf32, #tpu.memory_space<vmem_shared>>
      tpu.enqueue_dma source(%arg12 : memref<128x128xf32, #tpu.memory_space<vmem>>) target(%dma_start3A_90 : memref<128x128xf32, #tpu.memory_space<vmem_shared>>) target_semaphore(%run_scoped3A_86 : memref<!tpu.dma_semaphore, #tpu.memory_space<semaphore_mem>>)
      %dma_wait3A_91 = arith.constant 0 : i32
      %dma_wait3A_92 = tpu.memref_slice %arg6[%add3A_27, %dma_wait3A_91] : memref<10240x128xf32, #tpu.memory_space<vmem_shared>> -> memref<128x128xf32, #tpu.memory_space<vmem_shared>>
      %dma_wait3A_93 = arith.constant 0 : i32
      %dma_wait3A_94 = tpu.memref_slice %arg6[%add3A_27, %dma_wait3A_93] : memref<10240x128xf32, #tpu.memory_space<vmem_shared>> -> memref<128x128xf32, #tpu.memory_space<vmem_shared>>
      tpu.wait_dma2 semaphore(%run_scoped3A_86 : memref<!tpu.dma_semaphore, #tpu.memory_space<semaphore_mem>>) src(%arg12 : memref<128x128xf32, #tpu.memory_space<vmem>>) dst(%dma_wait3A_94 : memref<128x128xf32, #tpu.memory_space<vmem_shared>>)
      tpu.yield
    }) : () -> ()
    %mul3A_28 = arith.constant 640 : i32
    %mul3A_29 = arith.muli %arg1, %mul3A_28 : i32
    %add3A_30 = arith.constant 128 : i32
    %add3A_31 = arith.addi %mul3A_29, %add3A_30 : i32
    "tpu.region"() ({
      %run_scoped3A_86 = tpu.sem_alloc : memref<!tpu.dma_semaphore, #tpu.memory_space<semaphore_mem>>
      %dma_start3A_87 = arith.constant 0 : i32
      %dma_start3A_88 = tpu.memref_slice %arg6[%add3A_31, %dma_start3A_87] : memref<10240x128xf32, #tpu.memory_space<vmem_shared>> -> memref<128x128xf32, #tpu.memory_space<vmem_shared>>
      %dma_start3A_89 = arith.constant 0 : i32
      %dma_start3A_90 = tpu.memref_slice %arg6[%add3A_31, %dma_start3A_89] : memref<10240x128xf32, #tpu.memory_space<vmem_shared>> -> memref<128x128xf32, #tpu.memory_space<vmem_shared>>
      tpu.enqueue_dma source(%arg12 : memref<128x128xf32, #tpu.memory_space<vmem>>) target(%dma_start3A_90 : memref<128x128xf32, #tpu.memory_space<vmem_shared>>) target_semaphore(%run_scoped3A_86 : memref<!tpu.dma_semaphore, #tpu.memory_space<semaphore_mem>>)
      %dma_wait3A_91 = arith.constant 0 : i32
      %dma_wait3A_92 = tpu.memref_slice %arg6[%add3A_31, %dma_wait3A_91] : memref<10240x128xf32, #tpu.memory_space<vmem_shared>> -> memref<128x128xf32, #tpu.memory_space<vmem_shared>>
      %dma_wait3A_93 = arith.constant 0 : i32
      %dma_wait3A_94 = tpu.memref_slice %arg6[%add3A_31, %dma_wait3A_93] : memref<10240x128xf32, #tpu.memory_space<vmem_shared>> -> memref<128x128xf32, #tpu.memory_space<vmem_shared>>
      tpu.wait_dma2 semaphore(%run_scoped3A_86 : memref<!tpu.dma_semaphore, #tpu.memory_space<semaphore_mem>>) src(%arg12 : memref<128x128xf32, #tpu.memory_space<vmem>>) dst(%dma_wait3A_94 : memref<128x128xf32, #tpu.memory_space<vmem_shared>>)
      tpu.yield
    }) : () -> ()
    %mul3A_32 = arith.constant 640 : i32
    %mul3A_33 = arith.muli %arg1, %mul3A_32 : i32
    %add3A_34 = arith.constant 256 : i32
    %add3A_35 = arith.addi %mul3A_33, %add3A_34 : i32
    "tpu.region"() ({
      %run_scoped3A_86 = tpu.sem_alloc : memref<!tpu.dma_semaphore, #tpu.memory_space<semaphore_mem>>
      %dma_start3A_87 = arith.constant 0 : i32
      %dma_start3A_88 = tpu.memref_slice %arg6[%add3A_35, %dma_start3A_87] : memref<10240x128xf32, #tpu.memory_space<vmem_shared>> -> memref<128x128xf32, #tpu.memory_space<vmem_shared>>
      %dma_start3A_89 = arith.constant 0 : i32
      %dma_start3A_90 = tpu.memref_slice %arg6[%add3A_35, %dma_start3A_89] : memref<10240x128xf32, #tpu.memory_space<vmem_shared>> -> memref<128x128xf32, #tpu.memory_space<vmem_shared>>
      tpu.enqueue_dma source(%arg12 : memref<128x128xf32, #tpu.memory_space<vmem>>) target(%dma_start3A_90 : memref<128x128xf32, #tpu.memory_space<vmem_shared>>) target_semaphore(%run_scoped3A_86 : memref<!tpu.dma_semaphore, #tpu.memory_space<semaphore_mem>>)
      %dma_wait3A_91 = arith.constant 0 : i32
      %dma_wait3A_92 = tpu.memref_slice %arg6[%add3A_35, %dma_wait3A_91] : memref<10240x128xf32, #tpu.memory_space<vmem_shared>> -> memref<128x128xf32, #tpu.memory_space<vmem_shared>>
      %dma_wait3A_93 = arith.constant 0 : i32
      %dma_wait3A_94 = tpu.memref_slice %arg6[%add3A_35, %dma_wait3A_93] : memref<10240x128xf32, #tpu.memory_space<vmem_shared>> -> memref<128x128xf32, #tpu.memory_space<vmem_shared>>
      tpu.wait_dma2 semaphore(%run_scoped3A_86 : memref<!tpu.dma_semaphore, #tpu.memory_space<semaphore_mem>>) src(%arg12 : memref<128x128xf32, #tpu.memory_space<vmem>>) dst(%dma_wait3A_94 : memref<128x128xf32, #tpu.memory_space<vmem_shared>>)
      tpu.yield
    }) : () -> ()
    %mul3A_36 = arith.constant 640 : i32
    %mul3A_37 = arith.muli %arg1, %mul3A_36 : i32
    %add3A_38 = arith.constant 384 : i32
    %add3A_39 = arith.addi %mul3A_37, %add3A_38 : i32
    "tpu.region"() ({
      %run_scoped3A_86 = tpu.sem_alloc : memref<!tpu.dma_semaphore, #tpu.memory_space<semaphore_mem>>
      %dma_start3A_87 = arith.constant 0 : i32
      %dma_start3A_88 = tpu.memref_slice %arg6[%add3A_39, %dma_start3A_87] : memref<10240x128xf32, #tpu.memory_space<vmem_shared>> -> memref<128x128xf32, #tpu.memory_space<vmem_shared>>
      %dma_start3A_89 = arith.constant 0 : i32
      %dma_start3A_90 = tpu.memref_slice %arg6[%add3A_39, %dma_start3A_89] : memref<10240x128xf32, #tpu.memory_space<vmem_shared>> -> memref<128x128xf32, #tpu.memory_space<vmem_shared>>
      tpu.enqueue_dma source(%arg12 : memref<128x128xf32, #tpu.memory_space<vmem>>) target(%dma_start3A_90 : memref<128x128xf32, #tpu.memory_space<vmem_shared>>) target_semaphore(%run_scoped3A_86 : memref<!tpu.dma_semaphore, #tpu.memory_space<semaphore_mem>>)
      %dma_wait3A_91 = arith.constant 0 : i32
      %dma_wait3A_92 = tpu.memref_slice %arg6[%add3A_39, %dma_wait3A_91] : memref<10240x128xf32, #tpu.memory_space<vmem_shared>> -> memref<128x128xf32, #tpu.memory_space<vmem_shared>>
      %dma_wait3A_93 = arith.constant 0 : i32
      %dma_wait3A_94 = tpu.memref_slice %arg6[%add3A_39, %dma_wait3A_93] : memref<10240x128xf32, #tpu.memory_space<vmem_shared>> -> memref<128x128xf32, #tpu.memory_space<vmem_shared>>
      tpu.wait_dma2 semaphore(%run_scoped3A_86 : memref<!tpu.dma_semaphore, #tpu.memory_space<semaphore_mem>>) src(%arg12 : memref<128x128xf32, #tpu.memory_space<vmem>>) dst(%dma_wait3A_94 : memref<128x128xf32, #tpu.memory_space<vmem_shared>>)
      tpu.yield
    }) : () -> ()
    %mul3A_40 = arith.constant 640 : i32
    %mul3A_41 = arith.muli %arg1, %mul3A_40 : i32
    %add3A_42 = arith.constant 512 : i32
    %add3A_43 = arith.addi %mul3A_41, %add3A_42 : i32
    "tpu.region"() ({
      %run_scoped3A_86 = tpu.sem_alloc : memref<!tpu.dma_semaphore, #tpu.memory_space<semaphore_mem>>
      %dma_start3A_87 = arith.constant 0 : i32
      %dma_start3A_88 = tpu.memref_slice %arg6[%add3A_43, %dma_start3A_87] : memref<10240x128xf32, #tpu.memory_space<vmem_shared>> -> memref<128x128xf32, #tpu.memory_space<vmem_shared>>
      %dma_start3A_89 = arith.constant 0 : i32
      %dma_start3A_90 = tpu.memref_slice %arg6[%add3A_43, %dma_start3A_89] : memref<10240x128xf32, #tpu.memory_space<vmem_shared>> -> memref<128x128xf32, #tpu.memory_space<vmem_shared>>
      tpu.enqueue_dma source(%arg12 : memref<128x128xf32, #tpu.memory_space<vmem>>) target(%dma_start3A_90 : memref<128x128xf32, #tpu.memory_space<vmem_shared>>) target_semaphore(%run_scoped3A_86 : memref<!tpu.dma_semaphore, #tpu.memory_space<semaphore_mem>>)
      %dma_wait3A_91 = arith.constant 0 : i32
      %dma_wait3A_92 = tpu.memref_slice %arg6[%add3A_43, %dma_wait3A_91] : memref<10240x128xf32, #tpu.memory_space<vmem_shared>> -> memref<128x128xf32, #tpu.memory_space<vmem_shared>>
      %dma_wait3A_93 = arith.constant 0 : i32
      %dma_wait3A_94 = tpu.memref_slice %arg6[%add3A_43, %dma_wait3A_93] : memref<10240x128xf32, #tpu.memory_space<vmem_shared>> -> memref<128x128xf32, #tpu.memory_space<vmem_shared>>
      tpu.wait_dma2 semaphore(%run_scoped3A_86 : memref<!tpu.dma_semaphore, #tpu.memory_space<semaphore_mem>>) src(%arg12 : memref<128x128xf32, #tpu.memory_space<vmem>>) dst(%dma_wait3A_94 : memref<128x128xf32, #tpu.memory_space<vmem_shared>>)
      tpu.yield
    }) : () -> ()
    %scan3A_44 = arith.constant 0 : i32
    %scan3A_45 = arith.constant 0 : i32
    %scan3A_46 = arith.constant 80 : i32
    %scan3A_47 = arith.addi %scan3A_45, %scan3A_46 : i32
    %scan3A_48 = arith.constant 1 : i32
    scf.for %scan3A_86 = %scan3A_45 to %scan3A_47 step %scan3A_48  : i32 {
      %swap3A = arith.index_cast %scan3A_86 : i32 to index
      %swap3A_87 = arith.constant 0 : index
      %swap3A_88 = tpu.vector_load %arg24[%swap3A, %swap3A_87] {strides = array<i32>} : memref<80x128xf32, #tpu.memory_space<vmem>>, vector<16xf32>,
      tpu.vector_store %arg24[%swap3A, %swap3A_87], %broadcast_in_dim3A_1 {strides = array<i32>} : memref<80x128xf32, #tpu.memory_space<vmem>>, vector<16xf32>,
      %swap3A_89 = arith.index_cast %scan3A_86 : i32 to index
      %swap3A_90 = arith.constant 16 : index
      %swap3A_91 = tpu.vector_load %arg24[%swap3A_89, %swap3A_90] {strides = array<i32>} : memref<80x128xf32, #tpu.memory_space<vmem>>, vector<16xf32>,
      tpu.vector_store %arg24[%swap3A_89, %swap3A_90], %broadcast_in_dim3A_1 {strides = array<i32>} : memref<80x128xf32, #tpu.memory_space<vmem>>, vector<16xf32>,
      %swap3A_92 = arith.index_cast %scan3A_86 : i32 to index
      %swap3A_93 = arith.constant 32 : index
      %swap3A_94 = tpu.vector_load %arg24[%swap3A_92, %swap3A_93] {strides = array<i32>} : memref<80x128xf32, #tpu.memory_space<vmem>>, vector<16xf32>,
      tpu.vector_store %arg24[%swap3A_92, %swap3A_93], %broadcast_in_dim3A_1 {strides = array<i32>} : memref<80x128xf32, #tpu.memory_space<vmem>>, vector<16xf32>,
      %swap3A_95 = arith.index_cast %scan3A_86 : i32 to index
      %swap3A_96 = arith.constant 48 : index
      %swap3A_97 = tpu.vector_load %arg24[%swap3A_95, %swap3A_96] {strides = array<i32>} : memref<80x128xf32, #tpu.memory_space<vmem>>, vector<16xf32>,
      tpu.vector_store %arg24[%swap3A_95, %swap3A_96], %broadcast_in_dim3A_1 {strides = array<i32>} : memref<80x128xf32, #tpu.memory_space<vmem>>, vector<16xf32>,
      %swap3A_98 = arith.index_cast %scan3A_86 : i32 to index
      %swap3A_99 = arith.constant 64 : index
      %swap3A_100 = tpu.vector_load %arg24[%swap3A_98, %swap3A_99] {strides = array<i32>} : memref<80x128xf32, #tpu.memory_space<vmem>>, vector<16xf32>,
      tpu.vector_store %arg24[%swap3A_98, %swap3A_99], %broadcast_in_dim3A_1 {strides = array<i32>} : memref<80x128xf32, #tpu.memory_space<vmem>>, vector<16xf32>,
      %swap3A_101 = arith.index_cast %scan3A_86 : i32 to index
      %swap3A_102 = arith.constant 80 : index
      %swap3A_103 = tpu.vector_load %arg24[%swap3A_101, %swap3A_102] {strides = array<i32>} : memref<80x128xf32, #tpu.memory_space<vmem>>, vector<16xf32>,
      tpu.vector_store %arg24[%swap3A_101, %swap3A_102], %broadcast_in_dim3A_1 {strides = array<i32>} : memref<80x128xf32, #tpu.memory_space<vmem>>, vector<16xf32>,
      %swap3A_104 = arith.index_cast %scan3A_86 : i32 to index
      %swap3A_105 = arith.constant 96 : index
      %swap3A_106 = tpu.vector_load %arg24[%swap3A_104, %swap3A_105] {strides = array<i32>} : memref<80x128xf32, #tpu.memory_space<vmem>>, vector<16xf32>,
      tpu.vector_store %arg24[%swap3A_104, %swap3A_105], %broadcast_in_dim3A_1 {strides = array<i32>} : memref<80x128xf32, #tpu.memory_space<vmem>>, vector<16xf32>,
      %swap3A_107 = arith.index_cast %scan3A_86 : i32 to index
      %swap3A_108 = arith.constant 112 : index
      %swap3A_109 = tpu.vector_load %arg24[%swap3A_107, %swap3A_108] {strides = array<i32>} : memref<80x128xf32, #tpu.memory_space<vmem>>, vector<16xf32>,
      tpu.vector_store %arg24[%swap3A_107, %swap3A_108], %broadcast_in_dim3A_1 {strides = array<i32>} : memref<80x128xf32, #tpu.memory_space<vmem>>, vector<16xf32>,
    }
    %scan3A_49 = arith.constant 80 : i32
    %scan3A_50 = arith.constant 0 : i32
    %scan3A_51 = arith.constant 0 : i32
    %scan3A_52 = arith.constant 5 : i32
    %scan3A_53 = arith.addi %scan3A_51, %scan3A_52 : i32
    %scan3A_54 = arith.constant 1 : i32
    scf.for %scan3A_86 = %scan3A_51 to %scan3A_53 step %scan3A_54  : i32 {
      %iota3A = tpu.iota {dimensions = array<i32: 0>} : vector<16xi32>
      %mul3A_87 = arith.constant 16 : i32
      %mul3A_88 = arith.muli %scan3A_86, %mul3A_87 : i32
      %add3A_89 = vector.broadcast %mul3A_88 : i32 to vector<16xi32>
      %add3A_90 = arith.addi %iota3A, %add3A_89 : vector<16xi32>
      %mul3A_91 = arith.constant 16 : i32
      %mul3A_92 = arith.muli %scan3A_86, %mul3A_91 : i32
      %swap3A = arith.index_cast %mul3A_92 : i32 to index
      %swap3A_93 = tpu.vector_load %arg25[%swap3A] {strides = array<i32>} : memref<80xi32, #tpu.memory_space<vmem>>, vector<16xi32>,
      tpu.vector_store %arg25[%swap3A], %add3A_90 {strides = array<i32>} : memref<80xi32, #tpu.memory_space<vmem>>, vector<16xi32>,
    }
    %scan3A_55 = arith.constant 5 : i32
    %eq3A = arith.constant 0 : i32
    %eq3A_56 = arith.cmpi eq, %arg1, %eq3A : i32
    %convert_element_type3A = arith.extui %eq3A_56 : i1 to i32
    %cond3A = arith.constant 0 : i32
    %cond3A_57 = arith.cmpi ne, %convert_element_type3A, %cond3A : i32
    scf.if %cond3A_57 {
      "tpu.region"() ({
        %run_scoped3A_86 = tpu.sem_alloc : memref<!tpu.dma_semaphore, #tpu.memory_space<semaphore_mem>>
        tpu.enqueue_dma source(%arg24 : memref<80x128xf32, #tpu.memory_space<vmem>>) target(%arg23 : memref<80x128xf32, #tpu.memory_space<vmem_shared>>) target_semaphore(%run_scoped3A_86 : memref<!tpu.dma_semaphore, #tpu.memory_space<semaphore_mem>>)
        tpu.wait_dma2 semaphore(%run_scoped3A_86 : memref<!tpu.dma_semaphore, #tpu.memory_space<semaphore_mem>>) src(%arg24 : memref<80x128xf32, #tpu.memory_space<vmem>>) dst(%arg23 : memref<80x128xf32, #tpu.memory_space<vmem_shared>>)
        tpu.yield
      }) : () -> ()
    } else {
    }
    %barrier3A = arith.constant 0 : index
    tpu.barrier barrier_id(%barrier3A)
    %scan3A_58 = arith.constant 0 : i32
    %scan3A_59 = arith.constant 0 : i32
    %scan3A_60 = arith.constant 20 : i32
    %scan3A_61 = arith.addi %scan3A_59, %scan3A_60 : i32
    %scan3A_62 = arith.constant 1 : i32
    scf.for %scan3A_86 = %scan3A_59 to %scan3A_61 step %scan3A_62  : i32 {
      %mul3A_87 = arith.constant 4 : i32
      %mul3A_88 = arith.muli %scan3A_86, %mul3A_87 : i32
      %eq3A_89 = arith.constant 0 : i32
      %eq3A_90 = arith.cmpi eq, %scan3A_86, %eq3A_89 : i32
      %add3A_91 = arith.constant 4 : i32
      %add3A_92 = arith.addi %mul3A_88, %add3A_91 : i32
      %lt3A_93 = arith.constant 80 : i32
      %lt3A_94 = arith.cmpi slt, %add3A_92, %lt3A_93 : i32
      %add3A_95 = arith.constant 0 : i32
      %add3A_96 = arith.addi %mul3A_88, %add3A_95 : i32
      %dma_wait3A_97 = arith.constant 0 : i32
      %dma_wait3A_98 = arith.constant 0 : i32
      %dma_wait3A_99 = tpu.memref_slice %arg7[%dma_wait3A_97, %dma_wait3A_98] : memref<2x128xi32, #tpu.memory_space<vmem>> -> memref<1x128xi32, #tpu.memory_space<vmem>>
      %dma_wait3A_100 = tpu.memref_squeeze %dma_wait3A_99 : memref<1x128xi32, #tpu.memory_space<vmem>> -> memref<128xi32, #tpu.memory_space<vmem>>
      %dma_wait3A_101 = arith.constant 0 : i32
      %dma_wait3A_102 = arith.constant 0 : i32
      %dma_wait3A_103 = tpu.memref_slice %arg2[%dma_wait3A_101, %dma_wait3A_102] : memref<10000x128xf32, #tpu.memory_space<hbm>> -> memref<10000x128xf32, #tpu.memory_space<hbm>>
      tpu.wait_indirect_dma semaphore(%arg13 : memref<!tpu.dma_semaphore, #tpu.memory_space<semaphore_mem>>) src(%dma_wait3A_103 : memref<10000x128xf32, #tpu.memory_space<hbm>>) dst(%arg11 : memref<128x128xf32, #tpu.memory_space<vmem>>)
      %dma_start3A_104 = arith.constant 1 : i32
      %dma_start3A_105 = arith.constant 0 : i32
      %dma_start3A_106 = tpu.memref_slice %arg7[%dma_start3A_104, %dma_start3A_105] : memref<2x128xi32, #tpu.memory_space<vmem>> -> memref<1x128xi32, #tpu.memory_space<vmem>>
      %dma_start3A_107 = tpu.memref_squeeze %dma_start3A_106 : memref<1x128xi32, #tpu.memory_space<vmem>> -> memref<128xi32, #tpu.memory_space<vmem>>
      %dma_start3A_108 = arith.constant 0 : i32
      %dma_start3A_109 = arith.constant 0 : i32
      %dma_start3A_110 = tpu.memref_slice %arg6[%dma_start3A_108, %dma_start3A_109] : memref<10240x128xf32, #tpu.memory_space<vmem_shared>> -> memref<10240x128xf32, #tpu.memory_space<vmem_shared>>
      tpu.enqueue_indirect_dma source(%arg11 : memref<128x128xf32, #tpu.memory_space<vmem>>) target(%dma_start3A_110 : memref<10240x128xf32, #tpu.memory_space<vmem_shared>>) offsets(%dma_start3A_107 : memref<128xi32, #tpu.memory_space<vmem>>) semaphore(%arg19 : memref<!tpu.dma_semaphore, #tpu.memory_space<semaphore_mem>>) {add = true}
      %get3A = arith.constant 1 : i32
      %get3A_111 = arith.index_cast %get3A : i32 to index
      %get3A_112 = arith.constant 0 : index
      %get3A_113 = tpu.vector_load %arg7[%get3A_111, %get3A_112] {strides = array<i32>} : memref<2x128xi32, #tpu.memory_space<vmem>>, vector<16xi32>,
      %shift_right_logical3A = arith.constant 7 : i32
      %shift_right_logical3A_114 = vector.broadcast %shift_right_logical3A : i32 to vector<16xi32>
      %shift_right_logical3A_115 = arith.shrui %get3A_113, %shift_right_logical3A_114 : vector<16xi32>
      %and3A = arith.constant 127 : i32
      %and3A_116 = vector.broadcast %and3A : i32 to vector<16xi32>
      %and3A_117 = arith.andi %get3A_113, %and3A_116 : vector<16xi32>
      tpu.vector_store_idx %arg24[%shift_right_logical3A_115, %and3A_117], %broadcast_in_dim3A_3 {add = true} : memref<80x128xf32, #tpu.memory_space<vmem>>[vector<16xi32>, vector<16xi32>], vector<16xf32>,
      %get3A_118 = arith.constant 1 : i32
      %get3A_119 = arith.index_cast %get3A_118 : i32 to index
      %get3A_120 = arith.constant 16 : index
      %get3A_121 = tpu.vector_load %arg7[%get3A_119, %get3A_120] {strides = array<i32>} : memref<2x128xi32, #tpu.memory_space<vmem>>, vector<16xi32>,
      %shift_right_logical3A_122 = arith.constant 7 : i32
      %shift_right_logical3A_123 = vector.broadcast %shift_right_logical3A_122 : i32 to vector<16xi32>
      %shift_right_logical3A_124 = arith.shrui %get3A_121, %shift_right_logical3A_123 : vector<16xi32>
      %and3A_125 = arith.constant 127 : i32
      %and3A_126 = vector.broadcast %and3A_125 : i32 to vector<16xi32>
      %and3A_127 = arith.andi %get3A_121, %and3A_126 : vector<16xi32>
      tpu.vector_store_idx %arg24[%shift_right_logical3A_124, %and3A_127], %broadcast_in_dim3A_3 {add = true} : memref<80x128xf32, #tpu.memory_space<vmem>>[vector<16xi32>, vector<16xi32>], vector<16xf32>,
      %get3A_128 = arith.constant 1 : i32
      %get3A_129 = arith.index_cast %get3A_128 : i32 to index
      %get3A_130 = arith.constant 32 : index
      %get3A_131 = tpu.vector_load %arg7[%get3A_129, %get3A_130] {strides = array<i32>} : memref<2x128xi32, #tpu.memory_space<vmem>>, vector<16xi32>,
      %shift_right_logical3A_132 = arith.constant 7 : i32
      %shift_right_logical3A_133 = vector.broadcast %shift_right_logical3A_132 : i32 to vector<16xi32>
      %shift_right_logical3A_134 = arith.shrui %get3A_131, %shift_right_logical3A_133 : vector<16xi32>
      %and3A_135 = arith.constant 127 : i32
      %and3A_136 = vector.broadcast %and3A_135 : i32 to vector<16xi32>
      %and3A_137 = arith.andi %get3A_131, %and3A_136 : vector<16xi32>
      tpu.vector_store_idx %arg24[%shift_right_logical3A_134, %and3A_137], %broadcast_in_dim3A_3 {add = true} : memref<80x128xf32, #tpu.memory_space<vmem>>[vector<16xi32>, vector<16xi32>], vector<16xf32>,
      %get3A_138 = arith.constant 1 : i32
      %get3A_139 = arith.index_cast %get3A_138 : i32 to index
      %get3A_140 = arith.constant 48 : index
      %get3A_141 = tpu.vector_load %arg7[%get3A_139, %get3A_140] {strides = array<i32>} : memref<2x128xi32, #tpu.memory_space<vmem>>, vector<16xi32>,
      %shift_right_logical3A_142 = arith.constant 7 : i32
      %shift_right_logical3A_143 = vector.broadcast %shift_right_logical3A_142 : i32 to vector<16xi32>
      %shift_right_logical3A_144 = arith.shrui %get3A_141, %shift_right_logical3A_143 : vector<16xi32>
      %and3A_145 = arith.constant 127 : i32
      %and3A_146 = vector.broadcast %and3A_145 : i32 to vector<16xi32>
      %and3A_147 = arith.andi %get3A_141, %and3A_146 : vector<16xi32>
      tpu.vector_store_idx %arg24[%shift_right_logical3A_144, %and3A_147], %broadcast_in_dim3A_3 {add = true} : memref<80x128xf32, #tpu.memory_space<vmem>>[vector<16xi32>, vector<16xi32>], vector<16xf32>,
      %get3A_148 = arith.constant 1 : i32
      %get3A_149 = arith.index_cast %get3A_148 : i32 to index
      %get3A_150 = arith.constant 64 : index
      %get3A_151 = tpu.vector_load %arg7[%get3A_149, %get3A_150] {strides = array<i32>} : memref<2x128xi32, #tpu.memory_space<vmem>>, vector<16xi32>,
      %shift_right_logical3A_152 = arith.constant 7 : i32
      %shift_right_logical3A_153 = vector.broadcast %shift_right_logical3A_152 : i32 to vector<16xi32>
      %shift_right_logical3A_154 = arith.shrui %get3A_151, %shift_right_logical3A_153 : vector<16xi32>
      %and3A_155 = arith.constant 127 : i32
      %and3A_156 = vector.broadcast %and3A_155 : i32 to vector<16xi32>
      %and3A_157 = arith.andi %get3A_151, %and3A_156 : vector<16xi32>
      tpu.vector_store_idx %arg24[%shift_right_logical3A_154, %and3A_157], %broadcast_in_dim3A_3 {add = true} : memref<80x128xf32, #tpu.memory_space<vmem>>[vector<16xi32>, vector<16xi32>], vector<16xf32>,
      %get3A_158 = arith.constant 1 : i32
      %get3A_159 = arith.index_cast %get3A_158 : i32 to index
      %get3A_160 = arith.constant 80 : index
      %get3A_161 = tpu.vector_load %arg7[%get3A_159, %get3A_160] {strides = array<i32>} : memref<2x128xi32, #tpu.memory_space<vmem>>, vector<16xi32>,
      %shift_right_logical3A_162 = arith.constant 7 : i32
      %shift_right_logical3A_163 = vector.broadcast %shift_right_logical3A_162 : i32 to vector<16xi32>
      %shift_right_logical3A_164 = arith.shrui %get3A_161, %shift_right_logical3A_163 : vector<16xi32>
      %and3A_165 = arith.constant 127 : i32
      %and3A_166 = vector.broadcast %and3A_165 : i32 to vector<16xi32>
      %and3A_167 = arith.andi %get3A_161, %and3A_166 : vector<16xi32>
      tpu.vector_store_idx %arg24[%shift_right_logical3A_164, %and3A_167], %broadcast_in_dim3A_3 {add = true} : memref<80x128xf32, #tpu.memory_space<vmem>>[vector<16xi32>, vector<16xi32>], vector<16xf32>,
      %get3A_168 = arith.constant 1 : i32
      %get3A_169 = arith.index_cast %get3A_168 : i32 to index
      %get3A_170 = arith.constant 96 : index
      %get3A_171 = tpu.vector_load %arg7[%get3A_169, %get3A_170] {strides = array<i32>} : memref<2x128xi32, #tpu.memory_space<vmem>>, vector<16xi32>,
      %shift_right_logical3A_172 = arith.constant 7 : i32
      %shift_right_logical3A_173 = vector.broadcast %shift_right_logical3A_172 : i32 to vector<16xi32>
      %shift_right_logical3A_174 = arith.shrui %get3A_171, %shift_right_logical3A_173 : vector<16xi32>
      %and3A_175 = arith.constant 127 : i32
      %and3A_176 = vector.broadcast %and3A_175 : i32 to vector<16xi32>
      %and3A_177 = arith.andi %get3A_171, %and3A_176 : vector<16xi32>
      tpu.vector_store_idx %arg24[%shift_right_logical3A_174, %and3A_177], %broadcast_in_dim3A_3 {add = true} : memref<80x128xf32, #tpu.memory_space<vmem>>[vector<16xi32>, vector<16xi32>], vector<16xf32>,
      %get3A_178 = arith.constant 1 : i32
      %get3A_179 = arith.index_cast %get3A_178 : i32 to index
      %get3A_180 = arith.constant 112 : index
      %get3A_181 = tpu.vector_load %arg7[%get3A_179, %get3A_180] {strides = array<i32>} : memref<2x128xi32, #tpu.memory_space<vmem>>, vector<16xi32>,
      %shift_right_logical3A_182 = arith.constant 7 : i32
      %shift_right_logical3A_183 = vector.broadcast %shift_right_logical3A_182 : i32 to vector<16xi32>
      %shift_right_logical3A_184 = arith.shrui %get3A_181, %shift_right_logical3A_183 : vector<16xi32>
      %and3A_185 = arith.constant 127 : i32
      %and3A_186 = vector.broadcast %and3A_185 : i32 to vector<16xi32>
      %and3A_187 = arith.andi %get3A_181, %and3A_186 : vector<16xi32>
      tpu.vector_store_idx %arg24[%shift_right_logical3A_184, %and3A_187], %broadcast_in_dim3A_3 {add = true} : memref<80x128xf32, #tpu.memory_space<vmem>>[vector<16xi32>, vector<16xi32>], vector<16xf32>,
      %not3A = arith.constant true
      %not3A_188 = arith.xori %eq3A_90, %not3A : i1
      %convert_element_type3A_189 = arith.extui %not3A_188 : i1 to i32
      %cond3A_190 = arith.constant 0 : i32
      %cond3A_191 = arith.cmpi ne, %convert_element_type3A_189, %cond3A_190 : i32
      scf.if %cond3A_191 {
        %dma_wait3A_571 = arith.constant 1 : i32
        %dma_wait3A_572 = arith.constant 0 : i32
        %dma_wait3A_573 = tpu.memref_slice %arg10[%dma_wait3A_571, %dma_wait3A_572] : memref<2x128xi32, #tpu.memory_space<vmem>> -> memref<1x128xi32, #tpu.memory_space<vmem>>
        %dma_wait3A_574 = tpu.memref_squeeze %dma_wait3A_573 : memref<1x128xi32, #tpu.memory_space<vmem>> -> memref<128xi32, #tpu.memory_space<vmem>>
        %dma_wait3A_575 = arith.constant 0 : i32
        %dma_wait3A_576 = arith.constant 0 : i32
        %dma_wait3A_577 = tpu.memref_slice %arg6[%dma_wait3A_575, %dma_wait3A_576] : memref<10240x128xf32, #tpu.memory_space<vmem_shared>> -> memref<10240x128xf32, #tpu.memory_space<vmem_shared>>
        tpu.wait_indirect_dma semaphore(%arg22 : memref<!tpu.dma_semaphore, #tpu.memory_space<semaphore_mem>>) src(%arg12 : memref<128x128xf32, #tpu.memory_space<vmem>>) dst(%dma_wait3A_577 : memref<10240x128xf32, #tpu.memory_space<vmem_shared>>)
      } else {
      }
      %dma_wait3A_192 = arith.constant 0 : i32
      %dma_wait3A_193 = arith.constant 0 : i32
      %dma_wait3A_194 = arith.constant 0 : i32
      %dma_wait3A_195 = tpu.memref_slice %arg3[%add3A, %dma_wait3A_192, %dma_wait3A_193, %dma_wait3A_194] : memref<32x80x2x128xi32, #tpu.memory_space<hbm>> -> memref<1x1x2x128xi32, #tpu.memory_space<hbm>>
      %dma_wait3A_196 = tpu.memref_squeeze %dma_wait3A_195 : memref<1x1x2x128xi32, #tpu.memory_space<hbm>> -> memref<2x128xi32, #tpu.memory_space<hbm>>
      %dma_wait3A_197 = arith.constant 0 : i32
      %dma_wait3A_198 = arith.constant 0 : i32
      %dma_wait3A_199 = tpu.memref_slice %arg3[%add3A, %dma_wait3A_192, %dma_wait3A_197, %dma_wait3A_198] : memref<32x80x2x128xi32, #tpu.memory_space<hbm>> -> memref<1x1x2x128xi32, #tpu.memory_space<hbm>>
      %dma_wait3A_200 = tpu.memref_squeeze %dma_wait3A_199 : memref<1x1x2x128xi32, #tpu.memory_space<hbm>> -> memref<2x128xi32, #tpu.memory_space<hbm>>
      tpu.wait_dma2 semaphore(%arg16 : memref<!tpu.dma_semaphore, #tpu.memory_space<semaphore_mem>>) src(%dma_wait3A_200 : memref<2x128xi32, #tpu.memory_space<hbm>>) dst(%arg8 : memref<2x128xi32, #tpu.memory_space<vmem>>)
      %dma_start3A_201 = arith.constant 0 : i32
      %dma_start3A_202 = arith.constant 0 : i32
      %dma_start3A_203 = tpu.memref_slice %arg8[%dma_start3A_201, %dma_start3A_202] : memref<2x128xi32, #tpu.memory_space<vmem>> -> memref<1x128xi32, #tpu.memory_space<vmem>>
      %dma_start3A_204 = tpu.memref_squeeze %dma_start3A_203 : memref<1x128xi32, #tpu.memory_space<vmem>> -> memref<128xi32, #tpu.memory_space<vmem>>
      %dma_start3A_205 = arith.constant 0 : i32
      %dma_start3A_206 = arith.constant 0 : i32
      %dma_start3A_207 = tpu.memref_slice %arg2[%dma_start3A_205, %dma_start3A_206] : memref<10000x128xf32, #tpu.memory_space<hbm>> -> memref<10000x128xf32, #tpu.memory_space<hbm>>
      tpu.enqueue_indirect_dma source(%dma_start3A_207 : memref<10000x128xf32, #tpu.memory_space<hbm>>) target(%arg12 : memref<128x128xf32, #tpu.memory_space<vmem>>) offsets(%dma_start3A_204 : memref<128xi32, #tpu.memory_space<vmem>>) semaphore(%arg14 : memref<!tpu.dma_semaphore, #tpu.memory_space<semaphore_mem>>)
      %add3A_208 = arith.constant 2 : i32
      %add3A_209 = arith.addi %add3A_96, %add3A_208 : i32
      %dma_start3A_210 = arith.constant 0 : i32
      %dma_start3A_211 = arith.constant 0 : i32
      %dma_start3A_212 = tpu.memref_slice %arg3[%add3A, %add3A_209, %dma_start3A_210, %dma_start3A_211] : memref<32x80x2x128xi32, #tpu.memory_space<hbm>> -> memref<1x1x2x128xi32, #tpu.memory_space<hbm>>
      %dma_start3A_213 = tpu.memref_squeeze %dma_start3A_212 : memref<1x1x2x128xi32, #tpu.memory_space<hbm>> -> memref<2x128xi32, #tpu.memory_space<hbm>>
      %dma_start3A_214 = arith.constant 0 : i32
      %dma_start3A_215 = arith.constant 0 : i32
      %dma_start3A_216 = tpu.memref_slice %arg3[%add3A, %add3A_209, %dma_start3A_214, %dma_start3A_215] : memref<32x80x2x128xi32, #tpu.memory_space<hbm>> -> memref<1x1x2x128xi32, #tpu.memory_space<hbm>>
      %dma_start3A_217 = tpu.memref_squeeze %dma_start3A_216 : memref<1x1x2x128xi32, #tpu.memory_space<hbm>> -> memref<2x128xi32, #tpu.memory_space<hbm>>
      tpu.enqueue_dma source(%dma_start3A_217 : memref<2x128xi32, #tpu.memory_space<hbm>>) target(%arg9 : memref<2x128xi32, #tpu.memory_space<vmem>>) target_semaphore(%arg17 : memref<!tpu.dma_semaphore, #tpu.memory_space<semaphore_mem>>)
      %add3A_218 = arith.constant 1 : i32
      %add3A_219 = arith.addi %mul3A_88, %add3A_218 : i32
      %dma_wait3A_220 = arith.constant 0 : i32
      %dma_wait3A_221 = arith.constant 0 : i32
      %dma_wait3A_222 = tpu.memref_slice %arg7[%dma_wait3A_220, %dma_wait3A_221] : memref<2x128xi32, #tpu.memory_space<vmem>> -> memref<1x128xi32, #tpu.memory_space<vmem>>
      %dma_wait3A_223 = tpu.memref_squeeze %dma_wait3A_222 : memref<1x128xi32, #tpu.memory_space<vmem>> -> memref<128xi32, #tpu.memory_space<vmem>>
      %dma_wait3A_224 = arith.constant 0 : i32
      %dma_wait3A_225 = arith.constant 0 : i32
      %dma_wait3A_226 = tpu.memref_slice %arg2[%dma_wait3A_224, %dma_wait3A_225] : memref<10000x128xf32, #tpu.memory_space<hbm>> -> memref<10000x128xf32, #tpu.memory_space<hbm>>
      tpu.wait_indirect_dma semaphore(%arg14 : memref<!tpu.dma_semaphore, #tpu.memory_space<semaphore_mem>>) src(%dma_wait3A_226 : memref<10000x128xf32, #tpu.memory_space<hbm>>) dst(%arg12 : memref<128x128xf32, #tpu.memory_space<vmem>>)
      %dma_start3A_227 = arith.constant 1 : i32
      %dma_start3A_228 = arith.constant 0 : i32
      %dma_start3A_229 = tpu.memref_slice %arg8[%dma_start3A_227, %dma_start3A_228] : memref<2x128xi32, #tpu.memory_space<vmem>> -> memref<1x128xi32, #tpu.memory_space<vmem>>
      %dma_start3A_230 = tpu.memref_squeeze %dma_start3A_229 : memref<1x128xi32, #tpu.memory_space<vmem>> -> memref<128xi32, #tpu.memory_space<vmem>>
      %dma_start3A_231 = arith.constant 0 : i32
      %dma_start3A_232 = arith.constant 0 : i32
      %dma_start3A_233 = tpu.memref_slice %arg6[%dma_start3A_231, %dma_start3A_232] : memref<10240x128xf32, #tpu.memory_space<vmem_shared>> -> memref<10240x128xf32, #tpu.memory_space<vmem_shared>>
      tpu.enqueue_indirect_dma source(%arg12 : memref<128x128xf32, #tpu.memory_space<vmem>>) target(%dma_start3A_233 : memref<10240x128xf32, #tpu.memory_space<vmem_shared>>) offsets(%dma_start3A_230 : memref<128xi32, #tpu.memory_space<vmem>>) semaphore(%arg20 : memref<!tpu.dma_semaphore, #tpu.memory_space<semaphore_mem>>) {add = true}
      %get3A_234 = arith.constant 1 : i32
      %get3A_235 = arith.index_cast %get3A_234 : i32 to index
      %get3A_236 = arith.constant 0 : index
      %get3A_237 = tpu.vector_load %arg8[%get3A_235, %get3A_236] {strides = array<i32>} : memref<2x128xi32, #tpu.memory_space<vmem>>, vector<16xi32>,
      %shift_right_logical3A_238 = arith.constant 7 : i32
      %shift_right_logical3A_239 = vector.broadcast %shift_right_logical3A_238 : i32 to vector<16xi32>
      %shift_right_logical3A_240 = arith.shrui %get3A_237, %shift_right_logical3A_239 : vector<16xi32>
      %and3A_241 = arith.constant 127 : i32
      %and3A_242 = vector.broadcast %and3A_241 : i32 to vector<16xi32>
      %and3A_243 = arith.andi %get3A_237, %and3A_242 : vector<16xi32>
      tpu.vector_store_idx %arg24[%shift_right_logical3A_240, %and3A_243], %broadcast_in_dim3A_3 {add = true} : memref<80x128xf32, #tpu.memory_space<vmem>>[vector<16xi32>, vector<16xi32>], vector<16xf32>,
      %get3A_244 = arith.constant 1 : i32
      %get3A_245 = arith.index_cast %get3A_244 : i32 to index
      %get3A_246 = arith.constant 16 : index
      %get3A_247 = tpu.vector_load %arg8[%get3A_245, %get3A_246] {strides = array<i32>} : memref<2x128xi32, #tpu.memory_space<vmem>>, vector<16xi32>,
      %shift_right_logical3A_248 = arith.constant 7 : i32
      %shift_right_logical3A_249 = vector.broadcast %shift_right_logical3A_248 : i32 to vector<16xi32>
      %shift_right_logical3A_250 = arith.shrui %get3A_247, %shift_right_logical3A_249 : vector<16xi32>
      %and3A_251 = arith.constant 127 : i32
      %and3A_252 = vector.broadcast %and3A_251 : i32 to vector<16xi32>
      %and3A_253 = arith.andi %get3A_247, %and3A_252 : vector<16xi32>
      tpu.vector_store_idx %arg24[%shift_right_logical3A_250, %and3A_253], %broadcast_in_dim3A_3 {add = true} : memref<80x128xf32, #tpu.memory_space<vmem>>[vector<16xi32>, vector<16xi32>], vector<16xf32>,
      %get3A_254 = arith.constant 1 : i32
      %get3A_255 = arith.index_cast %get3A_254 : i32 to index
      %get3A_256 = arith.constant 32 : index
      %get3A_257 = tpu.vector_load %arg8[%get3A_255, %get3A_256] {strides = array<i32>} : memref<2x128xi32, #tpu.memory_space<vmem>>, vector<16xi32>,
      %shift_right_logical3A_258 = arith.constant 7 : i32
      %shift_right_logical3A_259 = vector.broadcast %shift_right_logical3A_258 : i32 to vector<16xi32>
      %shift_right_logical3A_260 = arith.shrui %get3A_257, %shift_right_logical3A_259 : vector<16xi32>
      %and3A_261 = arith.constant 127 : i32
      %and3A_262 = vector.broadcast %and3A_261 : i32 to vector<16xi32>
      %and3A_263 = arith.andi %get3A_257, %and3A_262 : vector<16xi32>
      tpu.vector_store_idx %arg24[%shift_right_logical3A_260, %and3A_263], %broadcast_in_dim3A_3 {add = true} : memref<80x128xf32, #tpu.memory_space<vmem>>[vector<16xi32>, vector<16xi32>], vector<16xf32>,
      %get3A_264 = arith.constant 1 : i32
      %get3A_265 = arith.index_cast %get3A_264 : i32 to index
      %get3A_266 = arith.constant 48 : index
      %get3A_267 = tpu.vector_load %arg8[%get3A_265, %get3A_266] {strides = array<i32>} : memref<2x128xi32, #tpu.memory_space<vmem>>, vector<16xi32>,
      %shift_right_logical3A_268 = arith.constant 7 : i32
      %shift_right_logical3A_269 = vector.broadcast %shift_right_logical3A_268 : i32 to vector<16xi32>
      %shift_right_logical3A_270 = arith.shrui %get3A_267, %shift_right_logical3A_269 : vector<16xi32>
      %and3A_271 = arith.constant 127 : i32
      %and3A_272 = vector.broadcast %and3A_271 : i32 to vector<16xi32>
      %and3A_273 = arith.andi %get3A_267, %and3A_272 : vector<16xi32>
      tpu.vector_store_idx %arg24[%shift_right_logical3A_270, %and3A_273], %broadcast_in_dim3A_3 {add = true} : memref<80x128xf32, #tpu.memory_space<vmem>>[vector<16xi32>, vector<16xi32>], vector<16xf32>,
      %get3A_274 = arith.constant 1 : i32
      %get3A_275 = arith.index_cast %get3A_274 : i32 to index
      %get3A_276 = arith.constant 64 : index
      %get3A_277 = tpu.vector_load %arg8[%get3A_275, %get3A_276] {strides = array<i32>} : memref<2x128xi32, #tpu.memory_space<vmem>>, vector<16xi32>,
      %shift_right_logical3A_278 = arith.constant 7 : i32
      %shift_right_logical3A_279 = vector.broadcast %shift_right_logical3A_278 : i32 to vector<16xi32>
      %shift_right_logical3A_280 = arith.shrui %get3A_277, %shift_right_logical3A_279 : vector<16xi32>
      %and3A_281 = arith.constant 127 : i32
      %and3A_282 = vector.broadcast %and3A_281 : i32 to vector<16xi32>
      %and3A_283 = arith.andi %get3A_277, %and3A_282 : vector<16xi32>
      tpu.vector_store_idx %arg24[%shift_right_logical3A_280, %and3A_283], %broadcast_in_dim3A_3 {add = true} : memref<80x128xf32, #tpu.memory_space<vmem>>[vector<16xi32>, vector<16xi32>], vector<16xf32>,
      %get3A_284 = arith.constant 1 : i32
      %get3A_285 = arith.index_cast %get3A_284 : i32 to index
      %get3A_286 = arith.constant 80 : index
      %get3A_287 = tpu.vector_load %arg8[%get3A_285, %get3A_286] {strides = array<i32>} : memref<2x128xi32, #tpu.memory_space<vmem>>, vector<16xi32>,
      %shift_right_logical3A_288 = arith.constant 7 : i32
      %shift_right_logical3A_289 = vector.broadcast %shift_right_logical3A_288 : i32 to vector<16xi32>
      %shift_right_logical3A_290 = arith.shrui %get3A_287, %shift_right_logical3A_289 : vector<16xi32>
      %and3A_291 = arith.constant 127 : i32
      %and3A_292 = vector.broadcast %and3A_291 : i32 to vector<16xi32>
      %and3A_293 = arith.andi %get3A_287, %and3A_292 : vector<16xi32>
      tpu.vector_store_idx %arg24[%shift_right_logical3A_290, %and3A_293], %broadcast_in_dim3A_3 {add = true} : memref<80x128xf32, #tpu.memory_space<vmem>>[vector<16xi32>, vector<16xi32>], vector<16xf32>,
      %get3A_294 = arith.constant 1 : i32
      %get3A_295 = arith.index_cast %get3A_294 : i32 to index
      %get3A_296 = arith.constant 96 : index
      %get3A_297 = tpu.vector_load %arg8[%get3A_295, %get3A_296] {strides = array<i32>} : memref<2x128xi32, #tpu.memory_space<vmem>>, vector<16xi32>,
      %shift_right_logical3A_298 = arith.constant 7 : i32
      %shift_right_logical3A_299 = vector.broadcast %shift_right_logical3A_298 : i32 to vector<16xi32>
      %shift_right_logical3A_300 = arith.shrui %get3A_297, %shift_right_logical3A_299 : vector<16xi32>
      %and3A_301 = arith.constant 127 : i32
      %and3A_302 = vector.broadcast %and3A_301 : i32 to vector<16xi32>
      %and3A_303 = arith.andi %get3A_297, %and3A_302 : vector<16xi32>
      tpu.vector_store_idx %arg24[%shift_right_logical3A_300, %and3A_303], %broadcast_in_dim3A_3 {add = true} : memref<80x128xf32, #tpu.memory_space<vmem>>[vector<16xi32>, vector<16xi32>], vector<16xf32>,
      %get3A_304 = arith.constant 1 : i32
      %get3A_305 = arith.index_cast %get3A_304 : i32 to index
      %get3A_306 = arith.constant 112 : index
      %get3A_307 = tpu.vector_load %arg8[%get3A_305, %get3A_306] {strides = array<i32>} : memref<2x128xi32, #tpu.memory_space<vmem>>, vector<16xi32>,
      %shift_right_logical3A_308 = arith.constant 7 : i32
      %shift_right_logical3A_309 = vector.broadcast %shift_right_logical3A_308 : i32 to vector<16xi32>
      %shift_right_logical3A_310 = arith.shrui %get3A_307, %shift_right_logical3A_309 : vector<16xi32>
      %and3A_311 = arith.constant 127 : i32
      %and3A_312 = vector.broadcast %and3A_311 : i32 to vector<16xi32>
      %and3A_313 = arith.andi %get3A_307, %and3A_312 : vector<16xi32>
      tpu.vector_store_idx %arg24[%shift_right_logical3A_310, %and3A_313], %broadcast_in_dim3A_3 {add = true} : memref<80x128xf32, #tpu.memory_space<vmem>>[vector<16xi32>, vector<16xi32>], vector<16xf32>,
      %dma_wait3A_314 = arith.constant 1 : i32
      %dma_wait3A_315 = arith.constant 0 : i32
      %dma_wait3A_316 = tpu.memref_slice %arg7[%dma_wait3A_314, %dma_wait3A_315] : memref<2x128xi32, #tpu.memory_space<vmem>> -> memref<1x128xi32, #tpu.memory_space<vmem>>
      %dma_wait3A_317 = tpu.memref_squeeze %dma_wait3A_316 : memref<1x128xi32, #tpu.memory_space<vmem>> -> memref<128xi32, #tpu.memory_space<vmem>>
      %dma_wait3A_318 = arith.constant 0 : i32
      %dma_wait3A_319 = arith.constant 0 : i32
      %dma_wait3A_320 = tpu.memref_slice %arg6[%dma_wait3A_318, %dma_wait3A_319] : memref<10240x128xf32, #tpu.memory_space<vmem_shared>> -> memref<10240x128xf32, #tpu.memory_space<vmem_shared>>
      tpu.wait_indirect_dma semaphore(%arg19 : memref<!tpu.dma_semaphore, #tpu.memory_space<semaphore_mem>>) src(%arg11 : memref<128x128xf32, #tpu.memory_space<vmem>>) dst(%dma_wait3A_320 : memref<10240x128xf32, #tpu.memory_space<vmem_shared>>)
      %dma_wait3A_321 = arith.constant 0 : i32
      %dma_wait3A_322 = arith.constant 0 : i32
      %dma_wait3A_323 = arith.constant 0 : i32
      %dma_wait3A_324 = tpu.memref_slice %arg3[%add3A, %dma_wait3A_321, %dma_wait3A_322, %dma_wait3A_323] : memref<32x80x2x128xi32, #tpu.memory_space<hbm>> -> memref<1x1x2x128xi32, #tpu.memory_space<hbm>>
      %dma_wait3A_325 = tpu.memref_squeeze %dma_wait3A_324 : memref<1x1x2x128xi32, #tpu.memory_space<hbm>> -> memref<2x128xi32, #tpu.memory_space<hbm>>
      %dma_wait3A_326 = arith.constant 0 : i32
      %dma_wait3A_327 = arith.constant 0 : i32
      %dma_wait3A_328 = tpu.memref_slice %arg3[%add3A, %dma_wait3A_321, %dma_wait3A_326, %dma_wait3A_327] : memref<32x80x2x128xi32, #tpu.memory_space<hbm>> -> memref<1x1x2x128xi32, #tpu.memory_space<hbm>>
      %dma_wait3A_329 = tpu.memref_squeeze %dma_wait3A_328 : memref<1x1x2x128xi32, #tpu.memory_space<hbm>> -> memref<2x128xi32, #tpu.memory_space<hbm>>
      tpu.wait_dma2 semaphore(%arg17 : memref<!tpu.dma_semaphore, #tpu.memory_space<semaphore_mem>>) src(%dma_wait3A_329 : memref<2x128xi32, #tpu.memory_space<hbm>>) dst(%arg9 : memref<2x128xi32, #tpu.memory_space<vmem>>)
      %dma_start3A_330 = arith.constant 0 : i32
      %dma_start3A_331 = arith.constant 0 : i32
      %dma_start3A_332 = tpu.memref_slice %arg9[%dma_start3A_330, %dma_start3A_331] : memref<2x128xi32, #tpu.memory_space<vmem>> -> memref<1x128xi32, #tpu.memory_space<vmem>>
      %dma_start3A_333 = tpu.memref_squeeze %dma_start3A_332 : memref<1x128xi32, #tpu.memory_space<vmem>> -> memref<128xi32, #tpu.memory_space<vmem>>
      %dma_start3A_334 = arith.constant 0 : i32
      %dma_start3A_335 = arith.constant 0 : i32
      %dma_start3A_336 = tpu.memref_slice %arg2[%dma_start3A_334, %dma_start3A_335] : memref<10000x128xf32, #tpu.memory_space<hbm>> -> memref<10000x128xf32, #tpu.memory_space<hbm>>
      tpu.enqueue_indirect_dma source(%dma_start3A_336 : memref<10000x128xf32, #tpu.memory_space<hbm>>) target(%arg11 : memref<128x128xf32, #tpu.memory_space<vmem>>) offsets(%dma_start3A_333 : memref<128xi32, #tpu.memory_space<vmem>>) semaphore(%arg13 : memref<!tpu.dma_semaphore, #tpu.memory_space<semaphore_mem>>)
      %add3A_337 = arith.constant 2 : i32
      %add3A_338 = arith.addi %add3A_219, %add3A_337 : i32
      %dma_start3A_339 = arith.constant 0 : i32
      %dma_start3A_340 = arith.constant 0 : i32
      %dma_start3A_341 = tpu.memref_slice %arg3[%add3A, %add3A_338, %dma_start3A_339, %dma_start3A_340] : memref<32x80x2x128xi32, #tpu.memory_space<hbm>> -> memref<1x1x2x128xi32, #tpu.memory_space<hbm>>
      %dma_start3A_342 = tpu.memref_squeeze %dma_start3A_341 : memref<1x1x2x128xi32, #tpu.memory_space<hbm>> -> memref<2x128xi32, #tpu.memory_space<hbm>>
      %dma_start3A_343 = arith.constant 0 : i32
      %dma_start3A_344 = arith.constant 0 : i32
      %dma_start3A_345 = tpu.memref_slice %arg3[%add3A, %add3A_338, %dma_start3A_343, %dma_start3A_344] : memref<32x80x2x128xi32, #tpu.memory_space<hbm>> -> memref<1x1x2x128xi32, #tpu.memory_space<hbm>>
      %dma_start3A_346 = tpu.memref_squeeze %dma_start3A_345 : memref<1x1x2x128xi32, #tpu.memory_space<hbm>> -> memref<2x128xi32, #tpu.memory_space<hbm>>
      tpu.enqueue_dma source(%dma_start3A_346 : memref<2x128xi32, #tpu.memory_space<hbm>>) target(%arg10 : memref<2x128xi32, #tpu.memory_space<vmem>>) target_semaphore(%arg18 : memref<!tpu.dma_semaphore, #tpu.memory_space<semaphore_mem>>)
      %add3A_347 = arith.constant 2 : i32
      %add3A_348 = arith.addi %mul3A_88, %add3A_347 : i32
      %dma_wait3A_349 = arith.constant 0 : i32
      %dma_wait3A_350 = arith.constant 0 : i32
      %dma_wait3A_351 = tpu.memref_slice %arg7[%dma_wait3A_349, %dma_wait3A_350] : memref<2x128xi32, #tpu.memory_space<vmem>> -> memref<1x128xi32, #tpu.memory_space<vmem>>
      %dma_wait3A_352 = tpu.memref_squeeze %dma_wait3A_351 : memref<1x128xi32, #tpu.memory_space<vmem>> -> memref<128xi32, #tpu.memory_space<vmem>>
      %dma_wait3A_353 = arith.constant 0 : i32
      %dma_wait3A_354 = arith.constant 0 : i32
      %dma_wait3A_355 = tpu.memref_slice %arg2[%dma_wait3A_353, %dma_wait3A_354] : memref<10000x128xf32, #tpu.memory_space<hbm>> -> memref<10000x128xf32, #tpu.memory_space<hbm>>
      tpu.wait_indirect_dma semaphore(%arg13 : memref<!tpu.dma_semaphore, #tpu.memory_space<semaphore_mem>>) src(%dma_wait3A_355 : memref<10000x128xf32, #tpu.memory_space<hbm>>) dst(%arg11 : memref<128x128xf32, #tpu.memory_space<vmem>>)
      %dma_start3A_356 = arith.constant 1 : i32
      %dma_start3A_357 = arith.constant 0 : i32
      %dma_start3A_358 = tpu.memref_slice %arg9[%dma_start3A_356, %dma_start3A_357] : memref<2x128xi32, #tpu.memory_space<vmem>> -> memref<1x128xi32, #tpu.memory_space<vmem>>
      %dma_start3A_359 = tpu.memref_squeeze %dma_start3A_358 : memref<1x128xi32, #tpu.memory_space<vmem>> -> memref<128xi32, #tpu.memory_space<vmem>>
      %dma_start3A_360 = arith.constant 0 : i32
      %dma_start3A_361 = arith.constant 0 : i32
      %dma_start3A_362 = tpu.memref_slice %arg6[%dma_start3A_360, %dma_start3A_361] : memref<10240x128xf32, #tpu.memory_space<vmem_shared>> -> memref<10240x128xf32, #tpu.memory_space<vmem_shared>>
      tpu.enqueue_indirect_dma source(%arg11 : memref<128x128xf32, #tpu.memory_space<vmem>>) target(%dma_start3A_362 : memref<10240x128xf32, #tpu.memory_space<vmem_shared>>) offsets(%dma_start3A_359 : memref<128xi32, #tpu.memory_space<vmem>>) semaphore(%arg21 : memref<!tpu.dma_semaphore, #tpu.memory_space<semaphore_mem>>) {add = true}
      %get3A_363 = arith.constant 1 : i32
      %get3A_364 = arith.index_cast %get3A_363 : i32 to index
      %get3A_365 = arith.constant 0 : index
      %get3A_366 = tpu.vector_load %arg9[%get3A_364, %get3A_365] {strides = array<i32>} : memref<2x128xi32, #tpu.memory_space<vmem>>, vector<16xi32>,
      %shift_right_logical3A_367 = arith.constant 7 : i32
      %shift_right_logical3A_368 = vector.broadcast %shift_right_logical3A_367 : i32 to vector<16xi32>
      %shift_right_logical3A_369 = arith.shrui %get3A_366, %shift_right_logical3A_368 : vector<16xi32>
      %and3A_370 = arith.constant 127 : i32
      %and3A_371 = vector.broadcast %and3A_370 : i32 to vector<16xi32>
      %and3A_372 = arith.andi %get3A_366, %and3A_371 : vector<16xi32>
      tpu.vector_store_idx %arg24[%shift_right_logical3A_369, %and3A_372], %broadcast_in_dim3A_3 {add = true} : memref<80x128xf32, #tpu.memory_space<vmem>>[vector<16xi32>, vector<16xi32>], vector<16xf32>,
      %get3A_373 = arith.constant 1 : i32
      %get3A_374 = arith.index_cast %get3A_373 : i32 to index
      %get3A_375 = arith.constant 16 : index
      %get3A_376 = tpu.vector_load %arg9[%get3A_374, %get3A_375] {strides = array<i32>} : memref<2x128xi32, #tpu.memory_space<vmem>>, vector<16xi32>,
      %shift_right_logical3A_377 = arith.constant 7 : i32
      %shift_right_logical3A_378 = vector.broadcast %shift_right_logical3A_377 : i32 to vector<16xi32>
      %shift_right_logical3A_379 = arith.shrui %get3A_376, %shift_right_logical3A_378 : vector<16xi32>
      %and3A_380 = arith.constant 127 : i32
      %and3A_381 = vector.broadcast %and3A_380 : i32 to vector<16xi32>
      %and3A_382 = arith.andi %get3A_376, %and3A_381 : vector<16xi32>
      tpu.vector_store_idx %arg24[%shift_right_logical3A_379, %and3A_382], %broadcast_in_dim3A_3 {add = true} : memref<80x128xf32, #tpu.memory_space<vmem>>[vector<16xi32>, vector<16xi32>], vector<16xf32>,
      %get3A_383 = arith.constant 1 : i32
      %get3A_384 = arith.index_cast %get3A_383 : i32 to index
      %get3A_385 = arith.constant 32 : index
      %get3A_386 = tpu.vector_load %arg9[%get3A_384, %get3A_385] {strides = array<i32>} : memref<2x128xi32, #tpu.memory_space<vmem>>, vector<16xi32>,
      %shift_right_logical3A_387 = arith.constant 7 : i32
      %shift_right_logical3A_388 = vector.broadcast %shift_right_logical3A_387 : i32 to vector<16xi32>
      %shift_right_logical3A_389 = arith.shrui %get3A_386, %shift_right_logical3A_388 : vector<16xi32>
      %and3A_390 = arith.constant 127 : i32
      %and3A_391 = vector.broadcast %and3A_390 : i32 to vector<16xi32>
      %and3A_392 = arith.andi %get3A_386, %and3A_391 : vector<16xi32>
      tpu.vector_store_idx %arg24[%shift_right_logical3A_389, %and3A_392], %broadcast_in_dim3A_3 {add = true} : memref<80x128xf32, #tpu.memory_space<vmem>>[vector<16xi32>, vector<16xi32>], vector<16xf32>,
      %get3A_393 = arith.constant 1 : i32
      %get3A_394 = arith.index_cast %get3A_393 : i32 to index
      %get3A_395 = arith.constant 48 : index
      %get3A_396 = tpu.vector_load %arg9[%get3A_394, %get3A_395] {strides = array<i32>} : memref<2x128xi32, #tpu.memory_space<vmem>>, vector<16xi32>,
      %shift_right_logical3A_397 = arith.constant 7 : i32
      %shift_right_logical3A_398 = vector.broadcast %shift_right_logical3A_397 : i32 to vector<16xi32>
      %shift_right_logical3A_399 = arith.shrui %get3A_396, %shift_right_logical3A_398 : vector<16xi32>
      %and3A_400 = arith.constant 127 : i32
      %and3A_401 = vector.broadcast %and3A_400 : i32 to vector<16xi32>
      %and3A_402 = arith.andi %get3A_396, %and3A_401 : vector<16xi32>
      tpu.vector_store_idx %arg24[%shift_right_logical3A_399, %and3A_402], %broadcast_in_dim3A_3 {add = true} : memref<80x128xf32, #tpu.memory_space<vmem>>[vector<16xi32>, vector<16xi32>], vector<16xf32>,
      %get3A_403 = arith.constant 1 : i32
      %get3A_404 = arith.index_cast %get3A_403 : i32 to index
      %get3A_405 = arith.constant 64 : index
      %get3A_406 = tpu.vector_load %arg9[%get3A_404, %get3A_405] {strides = array<i32>} : memref<2x128xi32, #tpu.memory_space<vmem>>, vector<16xi32>,
      %shift_right_logical3A_407 = arith.constant 7 : i32
      %shift_right_logical3A_408 = vector.broadcast %shift_right_logical3A_407 : i32 to vector<16xi32>
      %shift_right_logical3A_409 = arith.shrui %get3A_406, %shift_right_logical3A_408 : vector<16xi32>
      %and3A_410 = arith.constant 127 : i32
      %and3A_411 = vector.broadcast %and3A_410 : i32 to vector<16xi32>
      %and3A_412 = arith.andi %get3A_406, %and3A_411 : vector<16xi32>
      tpu.vector_store_idx %arg24[%shift_right_logical3A_409, %and3A_412], %broadcast_in_dim3A_3 {add = true} : memref<80x128xf32, #tpu.memory_space<vmem>>[vector<16xi32>, vector<16xi32>], vector<16xf32>,
      %get3A_413 = arith.constant 1 : i32
      %get3A_414 = arith.index_cast %get3A_413 : i32 to index
      %get3A_415 = arith.constant 80 : index
      %get3A_416 = tpu.vector_load %arg9[%get3A_414, %get3A_415] {strides = array<i32>} : memref<2x128xi32, #tpu.memory_space<vmem>>, vector<16xi32>,
      %shift_right_logical3A_417 = arith.constant 7 : i32
      %shift_right_logical3A_418 = vector.broadcast %shift_right_logical3A_417 : i32 to vector<16xi32>
      %shift_right_logical3A_419 = arith.shrui %get3A_416, %shift_right_logical3A_418 : vector<16xi32>
      %and3A_420 = arith.constant 127 : i32
      %and3A_421 = vector.broadcast %and3A_420 : i32 to vector<16xi32>
      %and3A_422 = arith.andi %get3A_416, %and3A_421 : vector<16xi32>
      tpu.vector_store_idx %arg24[%shift_right_logical3A_419, %and3A_422], %broadcast_in_dim3A_3 {add = true} : memref<80x128xf32, #tpu.memory_space<vmem>>[vector<16xi32>, vector<16xi32>], vector<16xf32>,
      %get3A_423 = arith.constant 1 : i32
      %get3A_424 = arith.index_cast %get3A_423 : i32 to index
      %get3A_425 = arith.constant 96 : index
      %get3A_426 = tpu.vector_load %arg9[%get3A_424, %get3A_425] {strides = array<i32>} : memref<2x128xi32, #tpu.memory_space<vmem>>, vector<16xi32>,
      %shift_right_logical3A_427 = arith.constant 7 : i32
      %shift_right_logical3A_428 = vector.broadcast %shift_right_logical3A_427 : i32 to vector<16xi32>
      %shift_right_logical3A_429 = arith.shrui %get3A_426, %shift_right_logical3A_428 : vector<16xi32>
      %and3A_430 = arith.constant 127 : i32
      %and3A_431 = vector.broadcast %and3A_430 : i32 to vector<16xi32>
      %and3A_432 = arith.andi %get3A_426, %and3A_431 : vector<16xi32>
      tpu.vector_store_idx %arg24[%shift_right_logical3A_429, %and3A_432], %broadcast_in_dim3A_3 {add = true} : memref<80x128xf32, #tpu.memory_space<vmem>>[vector<16xi32>, vector<16xi32>], vector<16xf32>,
      %get3A_433 = arith.constant 1 : i32
      %get3A_434 = arith.index_cast %get3A_433 : i32 to index
      %get3A_435 = arith.constant 112 : index
      %get3A_436 = tpu.vector_load %arg9[%get3A_434, %get3A_435] {strides = array<i32>} : memref<2x128xi32, #tpu.memory_space<vmem>>, vector<16xi32>,
      %shift_right_logical3A_437 = arith.constant 7 : i32
      %shift_right_logical3A_438 = vector.broadcast %shift_right_logical3A_437 : i32 to vector<16xi32>
      %shift_right_logical3A_439 = arith.shrui %get3A_436, %shift_right_logical3A_438 : vector<16xi32>
      %and3A_440 = arith.constant 127 : i32
      %and3A_441 = vector.broadcast %and3A_440 : i32 to vector<16xi32>
      %and3A_442 = arith.andi %get3A_436, %and3A_441 : vector<16xi32>
      tpu.vector_store_idx %arg24[%shift_right_logical3A_439, %and3A_442], %broadcast_in_dim3A_3 {add = true} : memref<80x128xf32, #tpu.memory_space<vmem>>[vector<16xi32>, vector<16xi32>], vector<16xf32>,
      %dma_wait3A_443 = arith.constant 1 : i32
      %dma_wait3A_444 = arith.constant 0 : i32
      %dma_wait3A_445 = tpu.memref_slice %arg8[%dma_wait3A_443, %dma_wait3A_444] : memref<2x128xi32, #tpu.memory_space<vmem>> -> memref<1x128xi32, #tpu.memory_space<vmem>>
      %dma_wait3A_446 = tpu.memref_squeeze %dma_wait3A_445 : memref<1x128xi32, #tpu.memory_space<vmem>> -> memref<128xi32, #tpu.memory_space<vmem>>
      %dma_wait3A_447 = arith.constant 0 : i32
      %dma_wait3A_448 = arith.constant 0 : i32
      %dma_wait3A_449 = tpu.memref_slice %arg6[%dma_wait3A_447, %dma_wait3A_448] : memref<10240x128xf32, #tpu.memory_space<vmem_shared>> -> memref<10240x128xf32, #tpu.memory_space<vmem_shared>>
      tpu.wait_indirect_dma semaphore(%arg20 : memref<!tpu.dma_semaphore, #tpu.memory_space<semaphore_mem>>) src(%arg12 : memref<128x128xf32, #tpu.memory_space<vmem>>) dst(%dma_wait3A_449 : memref<10240x128xf32, #tpu.memory_space<vmem_shared>>)
      %dma_wait3A_450 = arith.constant 0 : i32
      %dma_wait3A_451 = arith.constant 0 : i32
      %dma_wait3A_452 = arith.constant 0 : i32
      %dma_wait3A_453 = tpu.memref_slice %arg3[%add3A, %dma_wait3A_450, %dma_wait3A_451, %dma_wait3A_452] : memref<32x80x2x128xi32, #tpu.memory_space<hbm>> -> memref<1x1x2x128xi32, #tpu.memory_space<hbm>>
      %dma_wait3A_454 = tpu.memref_squeeze %dma_wait3A_453 : memref<1x1x2x128xi32, #tpu.memory_space<hbm>> -> memref<2x128xi32, #tpu.memory_space<hbm>>
      %dma_wait3A_455 = arith.constant 0 : i32
      %dma_wait3A_456 = arith.constant 0 : i32
      %dma_wait3A_457 = tpu.memref_slice %arg3[%add3A, %dma_wait3A_450, %dma_wait3A_455, %dma_wait3A_456] : memref<32x80x2x128xi32, #tpu.memory_space<hbm>> -> memref<1x1x2x128xi32, #tpu.memory_space<hbm>>
      %dma_wait3A_458 = tpu.memref_squeeze %dma_wait3A_457 : memref<1x1x2x128xi32, #tpu.memory_space<hbm>> -> memref<2x128xi32, #tpu.memory_space<hbm>>
      tpu.wait_dma2 semaphore(%arg18 : memref<!tpu.dma_semaphore, #tpu.memory_space<semaphore_mem>>) src(%dma_wait3A_458 : memref<2x128xi32, #tpu.memory_space<hbm>>) dst(%arg10 : memref<2x128xi32, #tpu.memory_space<vmem>>)
      %dma_start3A_459 = arith.constant 0 : i32
      %dma_start3A_460 = arith.constant 0 : i32
      %dma_start3A_461 = tpu.memref_slice %arg10[%dma_start3A_459, %dma_start3A_460] : memref<2x128xi32, #tpu.memory_space<vmem>> -> memref<1x128xi32, #tpu.memory_space<vmem>>
      %dma_start3A_462 = tpu.memref_squeeze %dma_start3A_461 : memref<1x128xi32, #tpu.memory_space<vmem>> -> memref<128xi32, #tpu.memory_space<vmem>>
      %dma_start3A_463 = arith.constant 0 : i32
      %dma_start3A_464 = arith.constant 0 : i32
      %dma_start3A_465 = tpu.memref_slice %arg2[%dma_start3A_463, %dma_start3A_464] : memref<10000x128xf32, #tpu.memory_space<hbm>> -> memref<10000x128xf32, #tpu.memory_space<hbm>>
      tpu.enqueue_indirect_dma source(%dma_start3A_465 : memref<10000x128xf32, #tpu.memory_space<hbm>>) target(%arg12 : memref<128x128xf32, #tpu.memory_space<vmem>>) offsets(%dma_start3A_462 : memref<128xi32, #tpu.memory_space<vmem>>) semaphore(%arg14 : memref<!tpu.dma_semaphore, #tpu.memory_space<semaphore_mem>>)
      %convert_element_type3A_466 = arith.extui %lt3A_94 : i1 to i32
      %cond3A_467 = arith.constant 0 : i32
      %cond3A_468 = arith.cmpi ne, %convert_element_type3A_466, %cond3A_467 : i32
      scf.if %cond3A_468 {
        %add3A_571 = arith.constant 2 : i32
        %add3A_572 = arith.addi %add3A_348, %add3A_571 : i32
        %dma_start3A_573 = arith.constant 0 : i32
        %dma_start3A_574 = arith.constant 0 : i32
        %dma_start3A_575 = tpu.memref_slice %arg3[%add3A, %add3A_572, %dma_start3A_573, %dma_start3A_574] : memref<32x80x2x128xi32, #tpu.memory_space<hbm>> -> memref<1x1x2x128xi32, #tpu.memory_space<hbm>>
        %dma_start3A_576 = tpu.memref_squeeze %dma_start3A_575 : memref<1x1x2x128xi32, #tpu.memory_space<hbm>> -> memref<2x128xi32, #tpu.memory_space<hbm>>
        %dma_start3A_577 = arith.constant 0 : i32
        %dma_start3A_578 = arith.constant 0 : i32
        %dma_start3A_579 = tpu.memref_slice %arg3[%add3A, %add3A_572, %dma_start3A_577, %dma_start3A_578] : memref<32x80x2x128xi32, #tpu.memory_space<hbm>> -> memref<1x1x2x128xi32, #tpu.memory_space<hbm>>
        %dma_start3A_580 = tpu.memref_squeeze %dma_start3A_579 : memref<1x1x2x128xi32, #tpu.memory_space<hbm>> -> memref<2x128xi32, #tpu.memory_space<hbm>>
        tpu.enqueue_dma source(%dma_start3A_580 : memref<2x128xi32, #tpu.memory_space<hbm>>) target(%arg7 : memref<2x128xi32, #tpu.memory_space<vmem>>) target_semaphore(%arg15 : memref<!tpu.dma_semaphore, #tpu.memory_space<semaphore_mem>>)
      } else {
      }
      %add3A_469 = arith.constant 3 : i32
      %add3A_470 = arith.addi %mul3A_88, %add3A_469 : i32
      %dma_wait3A_471 = arith.constant 0 : i32
      %dma_wait3A_472 = arith.constant 0 : i32
      %dma_wait3A_473 = tpu.memref_slice %arg7[%dma_wait3A_471, %dma_wait3A_472] : memref<2x128xi32, #tpu.memory_space<vmem>> -> memref<1x128xi32, #tpu.memory_space<vmem>>
      %dma_wait3A_474 = tpu.memref_squeeze %dma_wait3A_473 : memref<1x128xi32, #tpu.memory_space<vmem>> -> memref<128xi32, #tpu.memory_space<vmem>>
      %dma_wait3A_475 = arith.constant 0 : i32
      %dma_wait3A_476 = arith.constant 0 : i32
      %dma_wait3A_477 = tpu.memref_slice %arg2[%dma_wait3A_475, %dma_wait3A_476] : memref<10000x128xf32, #tpu.memory_space<hbm>> -> memref<10000x128xf32, #tpu.memory_space<hbm>>
      tpu.wait_indirect_dma semaphore(%arg14 : memref<!tpu.dma_semaphore, #tpu.memory_space<semaphore_mem>>) src(%dma_wait3A_477 : memref<10000x128xf32, #tpu.memory_space<hbm>>) dst(%arg12 : memref<128x128xf32, #tpu.memory_space<vmem>>)
      %dma_start3A_478 = arith.constant 1 : i32
      %dma_start3A_479 = arith.constant 0 : i32
      %dma_start3A_480 = tpu.memref_slice %arg10[%dma_start3A_478, %dma_start3A_479] : memref<2x128xi32, #tpu.memory_space<vmem>> -> memref<1x128xi32, #tpu.memory_space<vmem>>
      %dma_start3A_481 = tpu.memref_squeeze %dma_start3A_480 : memref<1x128xi32, #tpu.memory_space<vmem>> -> memref<128xi32, #tpu.memory_space<vmem>>
      %dma_start3A_482 = arith.constant 0 : i32
      %dma_start3A_483 = arith.constant 0 : i32
      %dma_start3A_484 = tpu.memref_slice %arg6[%dma_start3A_482, %dma_start3A_483] : memref<10240x128xf32, #tpu.memory_space<vmem_shared>> -> memref<10240x128xf32, #tpu.memory_space<vmem_shared>>
      tpu.enqueue_indirect_dma source(%arg12 : memref<128x128xf32, #tpu.memory_space<vmem>>) target(%dma_start3A_484 : memref<10240x128xf32, #tpu.memory_space<vmem_shared>>) offsets(%dma_start3A_481 : memref<128xi32, #tpu.memory_space<vmem>>) semaphore(%arg22 : memref<!tpu.dma_semaphore, #tpu.memory_space<semaphore_mem>>) {add = true}
      %get3A_485 = arith.constant 1 : i32
      %get3A_486 = arith.index_cast %get3A_485 : i32 to index
      %get3A_487 = arith.constant 0 : index
      %get3A_488 = tpu.vector_load %arg10[%get3A_486, %get3A_487] {strides = array<i32>} : memref<2x128xi32, #tpu.memory_space<vmem>>, vector<16xi32>,
      %shift_right_logical3A_489 = arith.constant 7 : i32
      %shift_right_logical3A_490 = vector.broadcast %shift_right_logical3A_489 : i32 to vector<16xi32>
      %shift_right_logical3A_491 = arith.shrui %get3A_488, %shift_right_logical3A_490 : vector<16xi32>
      %and3A_492 = arith.constant 127 : i32
      %and3A_493 = vector.broadcast %and3A_492 : i32 to vector<16xi32>
      %and3A_494 = arith.andi %get3A_488, %and3A_493 : vector<16xi32>
      tpu.vector_store_idx %arg24[%shift_right_logical3A_491, %and3A_494], %broadcast_in_dim3A_3 {add = true} : memref<80x128xf32, #tpu.memory_space<vmem>>[vector<16xi32>, vector<16xi32>], vector<16xf32>,
      %get3A_495 = arith.constant 1 : i32
      %get3A_496 = arith.index_cast %get3A_495 : i32 to index
      %get3A_497 = arith.constant 16 : index
      %get3A_498 = tpu.vector_load %arg10[%get3A_496, %get3A_497] {strides = array<i32>} : memref<2x128xi32, #tpu.memory_space<vmem>>, vector<16xi32>,
      %shift_right_logical3A_499 = arith.constant 7 : i32
      %shift_right_logical3A_500 = vector.broadcast %shift_right_logical3A_499 : i32 to vector<16xi32>
      %shift_right_logical3A_501 = arith.shrui %get3A_498, %shift_right_logical3A_500 : vector<16xi32>
      %and3A_502 = arith.constant 127 : i32
      %and3A_503 = vector.broadcast %and3A_502 : i32 to vector<16xi32>
      %and3A_504 = arith.andi %get3A_498, %and3A_503 : vector<16xi32>
      tpu.vector_store_idx %arg24[%shift_right_logical3A_501, %and3A_504], %broadcast_in_dim3A_3 {add = true} : memref<80x128xf32, #tpu.memory_space<vmem>>[vector<16xi32>, vector<16xi32>], vector<16xf32>,
      %get3A_505 = arith.constant 1 : i32
      %get3A_506 = arith.index_cast %get3A_505 : i32 to index
      %get3A_507 = arith.constant 32 : index
      %get3A_508 = tpu.vector_load %arg10[%get3A_506, %get3A_507] {strides = array<i32>} : memref<2x128xi32, #tpu.memory_space<vmem>>, vector<16xi32>,
      %shift_right_logical3A_509 = arith.constant 7 : i32
      %shift_right_logical3A_510 = vector.broadcast %shift_right_logical3A_509 : i32 to vector<16xi32>
      %shift_right_logical3A_511 = arith.shrui %get3A_508, %shift_right_logical3A_510 : vector<16xi32>
      %and3A_512 = arith.constant 127 : i32
      %and3A_513 = vector.broadcast %and3A_512 : i32 to vector<16xi32>
      %and3A_514 = arith.andi %get3A_508, %and3A_513 : vector<16xi32>
      tpu.vector_store_idx %arg24[%shift_right_logical3A_511, %and3A_514], %broadcast_in_dim3A_3 {add = true} : memref<80x128xf32, #tpu.memory_space<vmem>>[vector<16xi32>, vector<16xi32>], vector<16xf32>,
      %get3A_515 = arith.constant 1 : i32
      %get3A_516 = arith.index_cast %get3A_515 : i32 to index
      %get3A_517 = arith.constant 48 : index
      %get3A_518 = tpu.vector_load %arg10[%get3A_516, %get3A_517] {strides = array<i32>} : memref<2x128xi32, #tpu.memory_space<vmem>>, vector<16xi32>,
      %shift_right_logical3A_519 = arith.constant 7 : i32
      %shift_right_logical3A_520 = vector.broadcast %shift_right_logical3A_519 : i32 to vector<16xi32>
      %shift_right_logical3A_521 = arith.shrui %get3A_518, %shift_right_logical3A_520 : vector<16xi32>
      %and3A_522 = arith.constant 127 : i32
      %and3A_523 = vector.broadcast %and3A_522 : i32 to vector<16xi32>
      %and3A_524 = arith.andi %get3A_518, %and3A_523 : vector<16xi32>
      tpu.vector_store_idx %arg24[%shift_right_logical3A_521, %and3A_524], %broadcast_in_dim3A_3 {add = true} : memref<80x128xf32, #tpu.memory_space<vmem>>[vector<16xi32>, vector<16xi32>], vector<16xf32>,
      %get3A_525 = arith.constant 1 : i32
      %get3A_526 = arith.index_cast %get3A_525 : i32 to index
      %get3A_527 = arith.constant 64 : index
      %get3A_528 = tpu.vector_load %arg10[%get3A_526, %get3A_527] {strides = array<i32>} : memref<2x128xi32, #tpu.memory_space<vmem>>, vector<16xi32>,
      %shift_right_logical3A_529 = arith.constant 7 : i32
      %shift_right_logical3A_530 = vector.broadcast %shift_right_logical3A_529 : i32 to vector<16xi32>
      %shift_right_logical3A_531 = arith.shrui %get3A_528, %shift_right_logical3A_530 : vector<16xi32>
      %and3A_532 = arith.constant 127 : i32
      %and3A_533 = vector.broadcast %and3A_532 : i32 to vector<16xi32>
      %and3A_534 = arith.andi %get3A_528, %and3A_533 : vector<16xi32>
      tpu.vector_store_idx %arg24[%shift_right_logical3A_531, %and3A_534], %broadcast_in_dim3A_3 {add = true} : memref<80x128xf32, #tpu.memory_space<vmem>>[vector<16xi32>, vector<16xi32>], vector<16xf32>,
      %get3A_535 = arith.constant 1 : i32
      %get3A_536 = arith.index_cast %get3A_535 : i32 to index
      %get3A_537 = arith.constant 80 : index
      %get3A_538 = tpu.vector_load %arg10[%get3A_536, %get3A_537] {strides = array<i32>} : memref<2x128xi32, #tpu.memory_space<vmem>>, vector<16xi32>,
      %shift_right_logical3A_539 = arith.constant 7 : i32
      %shift_right_logical3A_540 = vector.broadcast %shift_right_logical3A_539 : i32 to vector<16xi32>
      %shift_right_logical3A_541 = arith.shrui %get3A_538, %shift_right_logical3A_540 : vector<16xi32>
      %and3A_542 = arith.constant 127 : i32
      %and3A_543 = vector.broadcast %and3A_542 : i32 to vector<16xi32>
      %and3A_544 = arith.andi %get3A_538, %and3A_543 : vector<16xi32>
      tpu.vector_store_idx %arg24[%shift_right_logical3A_541, %and3A_544], %broadcast_in_dim3A_3 {add = true} : memref<80x128xf32, #tpu.memory_space<vmem>>[vector<16xi32>, vector<16xi32>], vector<16xf32>,
      %get3A_545 = arith.constant 1 : i32
      %get3A_546 = arith.index_cast %get3A_545 : i32 to index
      %get3A_547 = arith.constant 96 : index
      %get3A_548 = tpu.vector_load %arg10[%get3A_546, %get3A_547] {strides = array<i32>} : memref<2x128xi32, #tpu.memory_space<vmem>>, vector<16xi32>,
      %shift_right_logical3A_549 = arith.constant 7 : i32
      %shift_right_logical3A_550 = vector.broadcast %shift_right_logical3A_549 : i32 to vector<16xi32>
      %shift_right_logical3A_551 = arith.shrui %get3A_548, %shift_right_logical3A_550 : vector<16xi32>
      %and3A_552 = arith.constant 127 : i32
      %and3A_553 = vector.broadcast %and3A_552 : i32 to vector<16xi32>
      %and3A_554 = arith.andi %get3A_548, %and3A_553 : vector<16xi32>
      tpu.vector_store_idx %arg24[%shift_right_logical3A_551, %and3A_554], %broadcast_in_dim3A_3 {add = true} : memref<80x128xf32, #tpu.memory_space<vmem>>[vector<16xi32>, vector<16xi32>], vector<16xf32>,
      %get3A_555 = arith.constant 1 : i32
      %get3A_556 = arith.index_cast %get3A_555 : i32 to index
      %get3A_557 = arith.constant 112 : index
      %get3A_558 = tpu.vector_load %arg10[%get3A_556, %get3A_557] {strides = array<i32>} : memref<2x128xi32, #tpu.memory_space<vmem>>, vector<16xi32>,
      %shift_right_logical3A_559 = arith.constant 7 : i32
      %shift_right_logical3A_560 = vector.broadcast %shift_right_logical3A_559 : i32 to vector<16xi32>
      %shift_right_logical3A_561 = arith.shrui %get3A_558, %shift_right_logical3A_560 : vector<16xi32>
      %and3A_562 = arith.constant 127 : i32
      %and3A_563 = vector.broadcast %and3A_562 : i32 to vector<16xi32>
      %and3A_564 = arith.andi %get3A_558, %and3A_563 : vector<16xi32>
      tpu.vector_store_idx %arg24[%shift_right_logical3A_561, %and3A_564], %broadcast_in_dim3A_3 {add = true} : memref<80x128xf32, #tpu.memory_space<vmem>>[vector<16xi32>, vector<16xi32>], vector<16xf32>,
      %convert_element_type3A_565 = arith.extui %lt3A_94 : i1 to i32
      %cond3A_566 = arith.constant 0 : i32
      %cond3A_567 = arith.cmpi ne, %convert_element_type3A_565, %cond3A_566 : i32
      scf.if %cond3A_567 {
        %dma_wait3A_571 = arith.constant 1 : i32
        %dma_wait3A_572 = arith.constant 0 : i32
        %dma_wait3A_573 = tpu.memref_slice %arg9[%dma_wait3A_571, %dma_wait3A_572] : memref<2x128xi32, #tpu.memory_space<vmem>> -> memref<1x128xi32, #tpu.memory_space<vmem>>
        %dma_wait3A_574 = tpu.memref_squeeze %dma_wait3A_573 : memref<1x128xi32, #tpu.memory_space<vmem>> -> memref<128xi32, #tpu.memory_space<vmem>>
        %dma_wait3A_575 = arith.constant 0 : i32
        %dma_wait3A_576 = arith.constant 0 : i32
        %dma_wait3A_577 = tpu.memref_slice %arg6[%dma_wait3A_575, %dma_wait3A_576] : memref<10240x128xf32, #tpu.memory_space<vmem_shared>> -> memref<10240x128xf32, #tpu.memory_space<vmem_shared>>
        tpu.wait_indirect_dma semaphore(%arg21 : memref<!tpu.dma_semaphore, #tpu.memory_space<semaphore_mem>>) src(%arg11 : memref<128x128xf32, #tpu.memory_space<vmem>>) dst(%dma_wait3A_577 : memref<10240x128xf32, #tpu.memory_space<vmem_shared>>)
        %dma_wait3A_578 = arith.constant 0 : i32
        %dma_wait3A_579 = arith.constant 0 : i32
        %dma_wait3A_580 = arith.constant 0 : i32
        %dma_wait3A_581 = tpu.memref_slice %arg3[%add3A, %dma_wait3A_578, %dma_wait3A_579, %dma_wait3A_580] : memref<32x80x2x128xi32, #tpu.memory_space<hbm>> -> memref<1x1x2x128xi32, #tpu.memory_space<hbm>>
        %dma_wait3A_582 = tpu.memref_squeeze %dma_wait3A_581 : memref<1x1x2x128xi32, #tpu.memory_space<hbm>> -> memref<2x128xi32, #tpu.memory_space<hbm>>
        %dma_wait3A_583 = arith.constant 0 : i32
        %dma_wait3A_584 = arith.constant 0 : i32
        %dma_wait3A_585 = tpu.memref_slice %arg3[%add3A, %dma_wait3A_578, %dma_wait3A_583, %dma_wait3A_584] : memref<32x80x2x128xi32, #tpu.memory_space<hbm>> -> memref<1x1x2x128xi32, #tpu.memory_space<hbm>>
        %dma_wait3A_586 = tpu.memref_squeeze %dma_wait3A_585 : memref<1x1x2x128xi32, #tpu.memory_space<hbm>> -> memref<2x128xi32, #tpu.memory_space<hbm>>
        tpu.wait_dma2 semaphore(%arg15 : memref<!tpu.dma_semaphore, #tpu.memory_space<semaphore_mem>>) src(%dma_wait3A_586 : memref<2x128xi32, #tpu.memory_space<hbm>>) dst(%arg7 : memref<2x128xi32, #tpu.memory_space<vmem>>)
        %dma_start3A_587 = arith.constant 0 : i32
        %dma_start3A_588 = arith.constant 0 : i32
        %dma_start3A_589 = tpu.memref_slice %arg7[%dma_start3A_587, %dma_start3A_588] : memref<2x128xi32, #tpu.memory_space<vmem>> -> memref<1x128xi32, #tpu.memory_space<vmem>>
        %dma_start3A_590 = tpu.memref_squeeze %dma_start3A_589 : memref<1x128xi32, #tpu.memory_space<vmem>> -> memref<128xi32, #tpu.memory_space<vmem>>
        %dma_start3A_591 = arith.constant 0 : i32
        %dma_start3A_592 = arith.constant 0 : i32
        %dma_start3A_593 = tpu.memref_slice %arg2[%dma_start3A_591, %dma_start3A_592] : memref<10000x128xf32, #tpu.memory_space<hbm>> -> memref<10000x128xf32, #tpu.memory_space<hbm>>
        tpu.enqueue_indirect_dma source(%dma_start3A_593 : memref<10000x128xf32, #tpu.memory_space<hbm>>) target(%arg11 : memref<128x128xf32, #tpu.memory_space<vmem>>) offsets(%dma_start3A_590 : memref<128xi32, #tpu.memory_space<vmem>>) semaphore(%arg13 : memref<!tpu.dma_semaphore, #tpu.memory_space<semaphore_mem>>)
      } else {
      }
      %convert_element_type3A_568 = arith.extui %lt3A_94 : i1 to i32
      %cond3A_569 = arith.constant 0 : i32
      %cond3A_570 = arith.cmpi ne, %convert_element_type3A_568, %cond3A_569 : i32
      scf.if %cond3A_570 {
        %add3A_571 = arith.constant 2 : i32
        %add3A_572 = arith.addi %add3A_470, %add3A_571 : i32
        %dma_start3A_573 = arith.constant 0 : i32
        %dma_start3A_574 = arith.constant 0 : i32
        %dma_start3A_575 = tpu.memref_slice %arg3[%add3A, %add3A_572, %dma_start3A_573, %dma_start3A_574] : memref<32x80x2x128xi32, #tpu.memory_space<hbm>> -> memref<1x1x2x128xi32, #tpu.memory_space<hbm>>
        %dma_start3A_576 = tpu.memref_squeeze %dma_start3A_575 : memref<1x1x2x128xi32, #tpu.memory_space<hbm>> -> memref<2x128xi32, #tpu.memory_space<hbm>>
        %dma_start3A_577 = arith.constant 0 : i32
        %dma_start3A_578 = arith.constant 0 : i32
        %dma_start3A_579 = tpu.memref_slice %arg3[%add3A, %add3A_572, %dma_start3A_577, %dma_start3A_578] : memref<32x80x2x128xi32, #tpu.memory_space<hbm>> -> memref<1x1x2x128xi32, #tpu.memory_space<hbm>>
        %dma_start3A_580 = tpu.memref_squeeze %dma_start3A_579 : memref<1x1x2x128xi32, #tpu.memory_space<hbm>> -> memref<2x128xi32, #tpu.memory_space<hbm>>
        tpu.enqueue_dma source(%dma_start3A_580 : memref<2x128xi32, #tpu.memory_space<hbm>>) target(%arg8 : memref<2x128xi32, #tpu.memory_space<vmem>>) target_semaphore(%arg16 : memref<!tpu.dma_semaphore, #tpu.memory_space<semaphore_mem>>)
      } else {
      }
    }
    %scan3A_63 = arith.constant 20 : i32
    %dma_wait3A = arith.constant 1 : i32
    %dma_wait3A_64 = arith.constant 0 : i32
    %dma_wait3A_65 = tpu.memref_slice %arg9[%dma_wait3A, %dma_wait3A_64] : memref<2x128xi32, #tpu.memory_space<vmem>> -> memref<1x128xi32, #tpu.memory_space<vmem>>
    %dma_wait3A_66 = tpu.memref_squeeze %dma_wait3A_65 : memref<1x128xi32, #tpu.memory_space<vmem>> -> memref<128xi32, #tpu.memory_space<vmem>>
    %dma_wait3A_67 = arith.constant 0 : i32
    %dma_wait3A_68 = arith.constant 0 : i32
    %dma_wait3A_69 = tpu.memref_slice %arg6[%dma_wait3A_67, %dma_wait3A_68] : memref<10240x128xf32, #tpu.memory_space<vmem_shared>> -> memref<10240x128xf32, #tpu.memory_space<vmem_shared>>
    tpu.wait_indirect_dma semaphore(%arg21 : memref<!tpu.dma_semaphore, #tpu.memory_space<semaphore_mem>>) src(%arg11 : memref<128x128xf32, #tpu.memory_space<vmem>>) dst(%dma_wait3A_69 : memref<10240x128xf32, #tpu.memory_space<vmem_shared>>)
    %dma_wait3A_70 = arith.constant 1 : i32
    %dma_wait3A_71 = arith.constant 0 : i32
    %dma_wait3A_72 = tpu.memref_slice %arg10[%dma_wait3A_70, %dma_wait3A_71] : memref<2x128xi32, #tpu.memory_space<vmem>> -> memref<1x128xi32, #tpu.memory_space<vmem>>
    %dma_wait3A_73 = tpu.memref_squeeze %dma_wait3A_72 : memref<1x128xi32, #tpu.memory_space<vmem>> -> memref<128xi32, #tpu.memory_space<vmem>>
    %dma_wait3A_74 = arith.constant 0 : i32
    %dma_wait3A_75 = arith.constant 0 : i32
    %dma_wait3A_76 = tpu.memref_slice %arg6[%dma_wait3A_74, %dma_wait3A_75] : memref<10240x128xf32, #tpu.memory_space<vmem_shared>> -> memref<10240x128xf32, #tpu.memory_space<vmem_shared>>
    tpu.wait_indirect_dma semaphore(%arg22 : memref<!tpu.dma_semaphore, #tpu.memory_space<semaphore_mem>>) src(%arg12 : memref<128x128xf32, #tpu.memory_space<vmem>>) dst(%dma_wait3A_76 : memref<10240x128xf32, #tpu.memory_space<vmem_shared>>)
    "tpu.region"() ({
      %run_scoped3A_86 = tpu.sem_alloc : memref<!tpu.dma_semaphore, #tpu.memory_space<semaphore_mem>>
      %dma_start3A_87 = arith.constant 0 : i32
      %dma_start3A_88 = arith.constant 0 : i32
      %dma_start3A_89 = tpu.memref_slice %arg23[%dma_start3A_87, %dma_start3A_88] : memref<80x128xf32, #tpu.memory_space<vmem_shared>> -> memref<80x128xf32, #tpu.memory_space<vmem_shared>>
      tpu.enqueue_indirect_dma source(%arg24 : memref<80x128xf32, #tpu.memory_space<vmem>>) target(%dma_start3A_89 : memref<80x128xf32, #tpu.memory_space<vmem_shared>>) offsets(%arg25 : memref<80xi32, #tpu.memory_space<vmem>>) semaphore(%run_scoped3A_86 : memref<!tpu.dma_semaphore, #tpu.memory_space<semaphore_mem>>) {add = true}
      %dma_wait3A_90 = arith.constant 0 : i32
      %dma_wait3A_91 = arith.constant 0 : i32
      %dma_wait3A_92 = tpu.memref_slice %arg23[%dma_wait3A_90, %dma_wait3A_91] : memref<80x128xf32, #tpu.memory_space<vmem_shared>> -> memref<80x128xf32, #tpu.memory_space<vmem_shared>>
      tpu.wait_indirect_dma semaphore(%run_scoped3A_86 : memref<!tpu.dma_semaphore, #tpu.memory_space<semaphore_mem>>) src(%arg24 : memref<80x128xf32, #tpu.memory_space<vmem>>) dst(%dma_wait3A_92 : memref<80x128xf32, #tpu.memory_space<vmem_shared>>)
      tpu.yield
    }) : () -> ()
    %barrier3A_77 = arith.constant 0 : index
    tpu.barrier barrier_id(%barrier3A_77)
    %mul3A_78 = arith.constant 640 : i32
    %mul3A_79 = arith.muli %arg1, %mul3A_78 : i32
    %mul3A_80 = arith.constant 640 : i32
    %mul3A_81 = arith.muli %arg1, %mul3A_80 : i32
    "tpu.region"() ({
      %run_scoped3A_86 = tpu.sem_alloc : memref<!tpu.dma_semaphore, #tpu.memory_space<semaphore_mem>>
      %dma_start3A_87 = arith.constant 0 : i32
      %dma_start3A_88 = tpu.memref_slice %arg4[%arg0, %mul3A_81, %dma_start3A_87] : memref<2x10240x128xf32, #tpu.memory_space<hbm>> -> memref<1x640x128xf32, #tpu.memory_space<hbm>>
      %dma_start3A_89 = tpu.memref_squeeze %dma_start3A_88 : memref<1x640x128xf32, #tpu.memory_space<hbm>> -> memref<640x128xf32, #tpu.memory_space<hbm>>
      %dma_start3A_90 = arith.constant 0 : i32
      %dma_start3A_91 = tpu.memref_slice %arg6[%mul3A_79, %dma_start3A_90] : memref<10240x128xf32, #tpu.memory_space<vmem_shared>> -> memref<640x128xf32, #tpu.memory_space<vmem_shared>>
      tpu.enqueue_dma source(%dma_start3A_91 : memref<640x128xf32, #tpu.memory_space<vmem_shared>>) target(%dma_start3A_89 : memref<640x128xf32, #tpu.memory_space<hbm>>) target_semaphore(%run_scoped3A_86 : memref<!tpu.dma_semaphore, #tpu.memory_space<semaphore_mem>>)
      %dma_wait3A_92 = arith.constant 0 : i32
      %dma_wait3A_93 = tpu.memref_slice %arg4[%arg0, %mul3A_81, %dma_wait3A_92] : memref<2x10240x128xf32, #tpu.memory_space<hbm>> -> memref<1x640x128xf32, #tpu.memory_space<hbm>>
      %dma_wait3A_94 = tpu.memref_squeeze %dma_wait3A_93 : memref<1x640x128xf32, #tpu.memory_space<hbm>> -> memref<640x128xf32, #tpu.memory_space<hbm>>
      %dma_wait3A_95 = arith.constant 0 : i32
      %dma_wait3A_96 = tpu.memref_slice %arg6[%mul3A_79, %dma_wait3A_95] : memref<10240x128xf32, #tpu.memory_space<vmem_shared>> -> memref<640x128xf32, #tpu.memory_space<vmem_shared>>
      tpu.wait_dma2 semaphore(%run_scoped3A_86 : memref<!tpu.dma_semaphore, #tpu.memory_space<semaphore_mem>>) src(%dma_wait3A_96 : memref<640x128xf32, #tpu.memory_space<vmem_shared>>) dst(%dma_wait3A_94 : memref<640x128xf32, #tpu.memory_space<hbm>>)
      tpu.yield
    }) : () -> ()
    %lt3A = arith.constant 10 : i32
    %lt3A_82 = arith.cmpi slt, %arg1, %lt3A : i32
    %convert_element_type3A_83 = arith.extui %lt3A_82 : i1 to i32
    %cond3A_84 = arith.constant 0 : i32
    %cond3A_85 = arith.cmpi ne, %convert_element_type3A_83, %cond3A_84 : i32
    scf.if %cond3A_85 {
      %mul3A_86 = arith.constant 8 : i32
      %mul3A_87 = arith.muli %arg1, %mul3A_86 : i32
      %mul3A_88 = arith.constant 8 : i32
      %mul3A_89 = arith.muli %arg1, %mul3A_88 : i32
      "tpu.region"() ({
        %run_scoped3A_90 = tpu.sem_alloc : memref<!tpu.dma_semaphore, #tpu.memory_space<semaphore_mem>>
        %dma_start3A_91 = arith.constant 0 : i32
        %dma_start3A_92 = tpu.memref_slice %arg5[%arg0, %mul3A_89, %dma_start3A_91] : memref<2x80x128xf32, #tpu.memory_space<hbm>> -> memref<1x8x128xf32, #tpu.memory_space<hbm>>
        %dma_start3A_93 = tpu.memref_squeeze %dma_start3A_92 : memref<1x8x128xf32, #tpu.memory_space<hbm>> -> memref<8x128xf32, #tpu.memory_space<hbm>>
        %dma_start3A_94 = arith.constant 0 : i32
        %dma_start3A_95 = tpu.memref_slice %arg23[%mul3A_87, %dma_start3A_94] : memref<80x128xf32, #tpu.memory_space<vmem_shared>> -> memref<8x128xf32, #tpu.memory_space<vmem_shared>>
        tpu.enqueue_dma source(%dma_start3A_95 : memref<8x128xf32, #tpu.memory_space<vmem_shared>>) target(%dma_start3A_93 : memref<8x128xf32, #tpu.memory_space<hbm>>) target_semaphore(%run_scoped3A_90 : memref<!tpu.dma_semaphore, #tpu.memory_space<semaphore_mem>>)
        %dma_wait3A_96 = arith.constant 0 : i32
        %dma_wait3A_97 = tpu.memref_slice %arg5[%arg0, %mul3A_89, %dma_wait3A_96] : memref<2x80x128xf32, #tpu.memory_space<hbm>> -> memref<1x8x128xf32, #tpu.memory_space<hbm>>
        %dma_wait3A_98 = tpu.memref_squeeze %dma_wait3A_97 : memref<1x8x128xf32, #tpu.memory_space<hbm>> -> memref<8x128xf32, #tpu.memory_space<hbm>>
        %dma_wait3A_99 = arith.constant 0 : i32
        %dma_wait3A_100 = tpu.memref_slice %arg23[%mul3A_87, %dma_wait3A_99] : memref<80x128xf32, #tpu.memory_space<vmem_shared>> -> memref<8x128xf32, #tpu.memory_space<vmem_shared>>
        tpu.wait_dma2 semaphore(%run_scoped3A_90 : memref<!tpu.dma_semaphore, #tpu.memory_space<semaphore_mem>>) src(%dma_wait3A_100 : memref<8x128xf32, #tpu.memory_space<vmem_shared>>) dst(%dma_wait3A_98 : memref<8x128xf32, #tpu.memory_space<hbm>>)
        tpu.yield
      }) : () -> ()
    } else {
    }
    return
  }
}

#map = affine_map<(d0, d1) -> (0, 0)>
#map1 = affine_map<(d0, d1) -> (0, 0, 0, 0)>
#map2 = affine_map<(d0, d1) -> (0, 0, 0)>
module attributes {stable_mosaic.version = 14 : i64} {
  func.func @body(%arg0: i32, %arg1: i32, %arg2: memref<10000x128xf32, #tpu.memory_space<hbm>>, %arg3: memref<32x80x2x128xi32, #tpu.memory_space<hbm>>, %arg4: memref<2x10240x128xf32, #tpu.memory_space<hbm>>, %arg5: memref<10240x128xf32, #tpu.memory_space<vmem_shared>>, %arg6: memref<2x128xi32, #tpu.memory_space<vmem>>, %arg7: memref<2x128xi32, #tpu.memory_space<vmem>>, %arg8: memref<2x128xi32, #tpu.memory_space<vmem>>, %arg9: memref<2x128xi32, #tpu.memory_space<vmem>>, %arg10: memref<128x128xf32, #tpu.memory_space<vmem>>, %arg11: memref<128x128xf32, #tpu.memory_space<vmem>>, %arg12: memref<!tpu.dma_semaphore, #tpu.memory_space<semaphore_mem>>, %arg13: memref<!tpu.dma_semaphore, #tpu.memory_space<semaphore_mem>>, %arg14: memref<!tpu.dma_semaphore, #tpu.memory_space<semaphore_mem>>, %arg15: memref<!tpu.dma_semaphore, #tpu.memory_space<semaphore_mem>>, %arg16: memref<!tpu.dma_semaphore, #tpu.memory_space<semaphore_mem>>, %arg17: memref<!tpu.dma_semaphore, #tpu.memory_space<semaphore_mem>>, %arg18: memref<!tpu.dma_semaphore, #tpu.memory_space<semaphore_mem>>, %arg19: memref<!tpu.dma_semaphore, #tpu.memory_space<semaphore_mem>>, %arg20: memref<!tpu.dma_semaphore, #tpu.memory_space<semaphore_mem>>, %arg21: memref<!tpu.dma_semaphore, #tpu.memory_space<semaphore_mem>>) attributes {dimension_semantics = [#tpu.dimension_semantics<core_parallel>, #tpu.dimension_semantics<subcore_parallel>], iteration_bounds = array<i64: 2, 16>, scalar_prefetch = 0 : i64, scratch_operands = 17 : i64, tpu.core_type = #tpu.core_type<sc_vector_subcore>, window_params = [{transform_indices = #map}, {transform_indices = #map1}, {transform_indices = #map2}]} {
    %mul3A = arith.constant 16 : i32
    %mul3A_0 = arith.muli %arg0, %mul3A : i32
    %add3A = arith.addi %mul3A_0, %arg1 : i32
    %broadcast_in_dim3A = arith.constant 0.000000e+00 : f32
    %broadcast_in_dim3A_1 = vector.broadcast %broadcast_in_dim3A : f32 to vector<16xf32>
    %broadcast_in_dim3A_2 = arith.constant 1.000000e+00 : f32
    %broadcast_in_dim3A_3 = vector.broadcast %broadcast_in_dim3A_2 : f32 to vector<16xf32>
    %run_scoped3A = arith.constant 0 : i32
    "tpu.region"() ({
      %run_scoped3A_68 = tpu.sem_alloc : memref<!tpu.dma_semaphore, #tpu.memory_space<semaphore_mem>>
      %dma_start3A_69 = arith.constant 0 : i32
      %dma_start3A_70 = arith.constant 0 : i32
      %dma_start3A_71 = tpu.memref_slice %arg3[%add3A, %run_scoped3A, %dma_start3A_69, %dma_start3A_70] : memref<32x80x2x128xi32, #tpu.memory_space<hbm>> -> memref<1x1x2x128xi32, #tpu.memory_space<hbm>>
      %dma_start3A_72 = tpu.memref_squeeze %dma_start3A_71 : memref<1x1x2x128xi32, #tpu.memory_space<hbm>> -> memref<2x128xi32, #tpu.memory_space<hbm>>
      %dma_start3A_73 = arith.constant 0 : i32
      %dma_start3A_74 = arith.constant 0 : i32
      %dma_start3A_75 = tpu.memref_slice %arg3[%add3A, %run_scoped3A, %dma_start3A_73, %dma_start3A_74] : memref<32x80x2x128xi32, #tpu.memory_space<hbm>> -> memref<1x1x2x128xi32, #tpu.memory_space<hbm>>
      %dma_start3A_76 = tpu.memref_squeeze %dma_start3A_75 : memref<1x1x2x128xi32, #tpu.memory_space<hbm>> -> memref<2x128xi32, #tpu.memory_space<hbm>>
      tpu.enqueue_dma source(%dma_start3A_76 : memref<2x128xi32, #tpu.memory_space<hbm>>) target(%arg6 : memref<2x128xi32, #tpu.memory_space<vmem>>) target_semaphore(%run_scoped3A_68 : memref<!tpu.dma_semaphore, #tpu.memory_space<semaphore_mem>>)
      %dma_wait3A_77 = arith.constant 0 : i32
      %dma_wait3A_78 = arith.constant 0 : i32
      %dma_wait3A_79 = tpu.memref_slice %arg3[%add3A, %run_scoped3A, %dma_wait3A_77, %dma_wait3A_78] : memref<32x80x2x128xi32, #tpu.memory_space<hbm>> -> memref<1x1x2x128xi32, #tpu.memory_space<hbm>>
      %dma_wait3A_80 = tpu.memref_squeeze %dma_wait3A_79 : memref<1x1x2x128xi32, #tpu.memory_space<hbm>> -> memref<2x128xi32, #tpu.memory_space<hbm>>
      %dma_wait3A_81 = arith.constant 0 : i32
      %dma_wait3A_82 = arith.constant 0 : i32
      %dma_wait3A_83 = tpu.memref_slice %arg3[%add3A, %run_scoped3A, %dma_wait3A_81, %dma_wait3A_82] : memref<32x80x2x128xi32, #tpu.memory_space<hbm>> -> memref<1x1x2x128xi32, #tpu.memory_space<hbm>>
      %dma_wait3A_84 = tpu.memref_squeeze %dma_wait3A_83 : memref<1x1x2x128xi32, #tpu.memory_space<hbm>> -> memref<2x128xi32, #tpu.memory_space<hbm>>
      tpu.wait_dma2 semaphore(%run_scoped3A_68 : memref<!tpu.dma_semaphore, #tpu.memory_space<semaphore_mem>>) src(%dma_wait3A_84 : memref<2x128xi32, #tpu.memory_space<hbm>>) dst(%arg6 : memref<2x128xi32, #tpu.memory_space<vmem>>)
      tpu.yield
    }) : () -> ()
    %dma_start3A = arith.constant 0 : i32
    %dma_start3A_4 = arith.constant 0 : i32
    %dma_start3A_5 = tpu.memref_slice %arg6[%dma_start3A, %dma_start3A_4] : memref<2x128xi32, #tpu.memory_space<vmem>> -> memref<1x128xi32, #tpu.memory_space<vmem>>
    %dma_start3A_6 = tpu.memref_squeeze %dma_start3A_5 : memref<1x128xi32, #tpu.memory_space<vmem>> -> memref<128xi32, #tpu.memory_space<vmem>>
    %dma_start3A_7 = arith.constant 0 : i32
    %dma_start3A_8 = arith.constant 0 : i32
    %dma_start3A_9 = tpu.memref_slice %arg2[%dma_start3A_7, %dma_start3A_8] : memref<10000x128xf32, #tpu.memory_space<hbm>> -> memref<10000x128xf32, #tpu.memory_space<hbm>>
    tpu.enqueue_indirect_dma source(%dma_start3A_9 : memref<10000x128xf32, #tpu.memory_space<hbm>>) target(%arg10 : memref<128x128xf32, #tpu.memory_space<vmem>>) offsets(%dma_start3A_6 : memref<128xi32, #tpu.memory_space<vmem>>) semaphore(%arg12 : memref<!tpu.dma_semaphore, #tpu.memory_space<semaphore_mem>>)
    %dma_start3A_10 = arith.constant 1 : i32
    %dma_start3A_11 = arith.constant 0 : i32
    %dma_start3A_12 = arith.constant 0 : i32
    %dma_start3A_13 = tpu.memref_slice %arg3[%add3A, %dma_start3A_10, %dma_start3A_11, %dma_start3A_12] : memref<32x80x2x128xi32, #tpu.memory_space<hbm>> -> memref<1x1x2x128xi32, #tpu.memory_space<hbm>>
    %dma_start3A_14 = tpu.memref_squeeze %dma_start3A_13 : memref<1x1x2x128xi32, #tpu.memory_space<hbm>> -> memref<2x128xi32, #tpu.memory_space<hbm>>
    %dma_start3A_15 = arith.constant 0 : i32
    %dma_start3A_16 = arith.constant 0 : i32
    %dma_start3A_17 = tpu.memref_slice %arg3[%add3A, %dma_start3A_10, %dma_start3A_15, %dma_start3A_16] : memref<32x80x2x128xi32, #tpu.memory_space<hbm>> -> memref<1x1x2x128xi32, #tpu.memory_space<hbm>>
    %dma_start3A_18 = tpu.memref_squeeze %dma_start3A_17 : memref<1x1x2x128xi32, #tpu.memory_space<hbm>> -> memref<2x128xi32, #tpu.memory_space<hbm>>
    tpu.enqueue_dma source(%dma_start3A_18 : memref<2x128xi32, #tpu.memory_space<hbm>>) target(%arg7 : memref<2x128xi32, #tpu.memory_space<vmem>>) target_semaphore(%arg15 : memref<!tpu.dma_semaphore, #tpu.memory_space<semaphore_mem>>)
    %scan3A = arith.constant 0 : i32
    %scan3A_19 = arith.constant 0 : i32
    %scan3A_20 = arith.constant 128 : i32
    %scan3A_21 = arith.addi %scan3A_19, %scan3A_20 : i32
    %scan3A_22 = arith.constant 1 : i32
    scf.for %scan3A_68 = %scan3A_19 to %scan3A_21 step %scan3A_22  : i32 {
      %swap3A = arith.index_cast %scan3A_68 : i32 to index
      %swap3A_69 = arith.constant 0 : index
      %swap3A_70 = tpu.vector_load %arg11[%swap3A, %swap3A_69] {strides = array<i32>} : memref<128x128xf32, #tpu.memory_space<vmem>>, vector<16xf32>,
      tpu.vector_store %arg11[%swap3A, %swap3A_69], %broadcast_in_dim3A_1 {strides = array<i32>} : memref<128x128xf32, #tpu.memory_space<vmem>>, vector<16xf32>,
      %swap3A_71 = arith.index_cast %scan3A_68 : i32 to index
      %swap3A_72 = arith.constant 16 : index
      %swap3A_73 = tpu.vector_load %arg11[%swap3A_71, %swap3A_72] {strides = array<i32>} : memref<128x128xf32, #tpu.memory_space<vmem>>, vector<16xf32>,
      tpu.vector_store %arg11[%swap3A_71, %swap3A_72], %broadcast_in_dim3A_1 {strides = array<i32>} : memref<128x128xf32, #tpu.memory_space<vmem>>, vector<16xf32>,
      %swap3A_74 = arith.index_cast %scan3A_68 : i32 to index
      %swap3A_75 = arith.constant 32 : index
      %swap3A_76 = tpu.vector_load %arg11[%swap3A_74, %swap3A_75] {strides = array<i32>} : memref<128x128xf32, #tpu.memory_space<vmem>>, vector<16xf32>,
      tpu.vector_store %arg11[%swap3A_74, %swap3A_75], %broadcast_in_dim3A_1 {strides = array<i32>} : memref<128x128xf32, #tpu.memory_space<vmem>>, vector<16xf32>,
      %swap3A_77 = arith.index_cast %scan3A_68 : i32 to index
      %swap3A_78 = arith.constant 48 : index
      %swap3A_79 = tpu.vector_load %arg11[%swap3A_77, %swap3A_78] {strides = array<i32>} : memref<128x128xf32, #tpu.memory_space<vmem>>, vector<16xf32>,
      tpu.vector_store %arg11[%swap3A_77, %swap3A_78], %broadcast_in_dim3A_1 {strides = array<i32>} : memref<128x128xf32, #tpu.memory_space<vmem>>, vector<16xf32>,
      %swap3A_80 = arith.index_cast %scan3A_68 : i32 to index
      %swap3A_81 = arith.constant 64 : index
      %swap3A_82 = tpu.vector_load %arg11[%swap3A_80, %swap3A_81] {strides = array<i32>} : memref<128x128xf32, #tpu.memory_space<vmem>>, vector<16xf32>,
      tpu.vector_store %arg11[%swap3A_80, %swap3A_81], %broadcast_in_dim3A_1 {strides = array<i32>} : memref<128x128xf32, #tpu.memory_space<vmem>>, vector<16xf32>,
      %swap3A_83 = arith.index_cast %scan3A_68 : i32 to index
      %swap3A_84 = arith.constant 80 : index
      %swap3A_85 = tpu.vector_load %arg11[%swap3A_83, %swap3A_84] {strides = array<i32>} : memref<128x128xf32, #tpu.memory_space<vmem>>, vector<16xf32>,
      tpu.vector_store %arg11[%swap3A_83, %swap3A_84], %broadcast_in_dim3A_1 {strides = array<i32>} : memref<128x128xf32, #tpu.memory_space<vmem>>, vector<16xf32>,
      %swap3A_86 = arith.index_cast %scan3A_68 : i32 to index
      %swap3A_87 = arith.constant 96 : index
      %swap3A_88 = tpu.vector_load %arg11[%swap3A_86, %swap3A_87] {strides = array<i32>} : memref<128x128xf32, #tpu.memory_space<vmem>>, vector<16xf32>,
      tpu.vector_store %arg11[%swap3A_86, %swap3A_87], %broadcast_in_dim3A_1 {strides = array<i32>} : memref<128x128xf32, #tpu.memory_space<vmem>>, vector<16xf32>,
      %swap3A_89 = arith.index_cast %scan3A_68 : i32 to index
      %swap3A_90 = arith.constant 112 : index
      %swap3A_91 = tpu.vector_load %arg11[%swap3A_89, %swap3A_90] {strides = array<i32>} : memref<128x128xf32, #tpu.memory_space<vmem>>, vector<16xf32>,
      tpu.vector_store %arg11[%swap3A_89, %swap3A_90], %broadcast_in_dim3A_1 {strides = array<i32>} : memref<128x128xf32, #tpu.memory_space<vmem>>, vector<16xf32>,
    }
    %scan3A_23 = arith.constant 128 : i32
    %mul3A_24 = arith.constant 640 : i32
    %mul3A_25 = arith.muli %arg1, %mul3A_24 : i32
    %add3A_26 = arith.constant 0 : i32
    %add3A_27 = arith.addi %mul3A_25, %add3A_26 : i32
    "tpu.region"() ({
      %run_scoped3A_68 = tpu.sem_alloc : memref<!tpu.dma_semaphore, #tpu.memory_space<semaphore_mem>>
      %dma_start3A_69 = arith.constant 0 : i32
      %dma_start3A_70 = tpu.memref_slice %arg5[%add3A_27, %dma_start3A_69] : memref<10240x128xf32, #tpu.memory_space<vmem_shared>> -> memref<128x128xf32, #tpu.memory_space<vmem_shared>>
      %dma_start3A_71 = arith.constant 0 : i32
      %dma_start3A_72 = tpu.memref_slice %arg5[%add3A_27, %dma_start3A_71] : memref<10240x128xf32, #tpu.memory_space<vmem_shared>> -> memref<128x128xf32, #tpu.memory_space<vmem_shared>>
      tpu.enqueue_dma source(%arg11 : memref<128x128xf32, #tpu.memory_space<vmem>>) target(%dma_start3A_72 : memref<128x128xf32, #tpu.memory_space<vmem_shared>>) target_semaphore(%run_scoped3A_68 : memref<!tpu.dma_semaphore, #tpu.memory_space<semaphore_mem>>)
      %dma_wait3A_73 = arith.constant 0 : i32
      %dma_wait3A_74 = tpu.memref_slice %arg5[%add3A_27, %dma_wait3A_73] : memref<10240x128xf32, #tpu.memory_space<vmem_shared>> -> memref<128x128xf32, #tpu.memory_space<vmem_shared>>
      %dma_wait3A_75 = arith.constant 0 : i32
      %dma_wait3A_76 = tpu.memref_slice %arg5[%add3A_27, %dma_wait3A_75] : memref<10240x128xf32, #tpu.memory_space<vmem_shared>> -> memref<128x128xf32, #tpu.memory_space<vmem_shared>>
      tpu.wait_dma2 semaphore(%run_scoped3A_68 : memref<!tpu.dma_semaphore, #tpu.memory_space<semaphore_mem>>) src(%arg11 : memref<128x128xf32, #tpu.memory_space<vmem>>) dst(%dma_wait3A_76 : memref<128x128xf32, #tpu.memory_space<vmem_shared>>)
      tpu.yield
    }) : () -> ()
    %mul3A_28 = arith.constant 640 : i32
    %mul3A_29 = arith.muli %arg1, %mul3A_28 : i32
    %add3A_30 = arith.constant 128 : i32
    %add3A_31 = arith.addi %mul3A_29, %add3A_30 : i32
    "tpu.region"() ({
      %run_scoped3A_68 = tpu.sem_alloc : memref<!tpu.dma_semaphore, #tpu.memory_space<semaphore_mem>>
      %dma_start3A_69 = arith.constant 0 : i32
      %dma_start3A_70 = tpu.memref_slice %arg5[%add3A_31, %dma_start3A_69] : memref<10240x128xf32, #tpu.memory_space<vmem_shared>> -> memref<128x128xf32, #tpu.memory_space<vmem_shared>>
      %dma_start3A_71 = arith.constant 0 : i32
      %dma_start3A_72 = tpu.memref_slice %arg5[%add3A_31, %dma_start3A_71] : memref<10240x128xf32, #tpu.memory_space<vmem_shared>> -> memref<128x128xf32, #tpu.memory_space<vmem_shared>>
      tpu.enqueue_dma source(%arg11 : memref<128x128xf32, #tpu.memory_space<vmem>>) target(%dma_start3A_72 : memref<128x128xf32, #tpu.memory_space<vmem_shared>>) target_semaphore(%run_scoped3A_68 : memref<!tpu.dma_semaphore, #tpu.memory_space<semaphore_mem>>)
      %dma_wait3A_73 = arith.constant 0 : i32
      %dma_wait3A_74 = tpu.memref_slice %arg5[%add3A_31, %dma_wait3A_73] : memref<10240x128xf32, #tpu.memory_space<vmem_shared>> -> memref<128x128xf32, #tpu.memory_space<vmem_shared>>
      %dma_wait3A_75 = arith.constant 0 : i32
      %dma_wait3A_76 = tpu.memref_slice %arg5[%add3A_31, %dma_wait3A_75] : memref<10240x128xf32, #tpu.memory_space<vmem_shared>> -> memref<128x128xf32, #tpu.memory_space<vmem_shared>>
      tpu.wait_dma2 semaphore(%run_scoped3A_68 : memref<!tpu.dma_semaphore, #tpu.memory_space<semaphore_mem>>) src(%arg11 : memref<128x128xf32, #tpu.memory_space<vmem>>) dst(%dma_wait3A_76 : memref<128x128xf32, #tpu.memory_space<vmem_shared>>)
      tpu.yield
    }) : () -> ()
    %mul3A_32 = arith.constant 640 : i32
    %mul3A_33 = arith.muli %arg1, %mul3A_32 : i32
    %add3A_34 = arith.constant 256 : i32
    %add3A_35 = arith.addi %mul3A_33, %add3A_34 : i32
    "tpu.region"() ({
      %run_scoped3A_68 = tpu.sem_alloc : memref<!tpu.dma_semaphore, #tpu.memory_space<semaphore_mem>>
      %dma_start3A_69 = arith.constant 0 : i32
      %dma_start3A_70 = tpu.memref_slice %arg5[%add3A_35, %dma_start3A_69] : memref<10240x128xf32, #tpu.memory_space<vmem_shared>> -> memref<128x128xf32, #tpu.memory_space<vmem_shared>>
      %dma_start3A_71 = arith.constant 0 : i32
      %dma_start3A_72 = tpu.memref_slice %arg5[%add3A_35, %dma_start3A_71] : memref<10240x128xf32, #tpu.memory_space<vmem_shared>> -> memref<128x128xf32, #tpu.memory_space<vmem_shared>>
      tpu.enqueue_dma source(%arg11 : memref<128x128xf32, #tpu.memory_space<vmem>>) target(%dma_start3A_72 : memref<128x128xf32, #tpu.memory_space<vmem_shared>>) target_semaphore(%run_scoped3A_68 : memref<!tpu.dma_semaphore, #tpu.memory_space<semaphore_mem>>)
      %dma_wait3A_73 = arith.constant 0 : i32
      %dma_wait3A_74 = tpu.memref_slice %arg5[%add3A_35, %dma_wait3A_73] : memref<10240x128xf32, #tpu.memory_space<vmem_shared>> -> memref<128x128xf32, #tpu.memory_space<vmem_shared>>
      %dma_wait3A_75 = arith.constant 0 : i32
      %dma_wait3A_76 = tpu.memref_slice %arg5[%add3A_35, %dma_wait3A_75] : memref<10240x128xf32, #tpu.memory_space<vmem_shared>> -> memref<128x128xf32, #tpu.memory_space<vmem_shared>>
      tpu.wait_dma2 semaphore(%run_scoped3A_68 : memref<!tpu.dma_semaphore, #tpu.memory_space<semaphore_mem>>) src(%arg11 : memref<128x128xf32, #tpu.memory_space<vmem>>) dst(%dma_wait3A_76 : memref<128x128xf32, #tpu.memory_space<vmem_shared>>)
      tpu.yield
    }) : () -> ()
    %mul3A_36 = arith.constant 640 : i32
    %mul3A_37 = arith.muli %arg1, %mul3A_36 : i32
    %add3A_38 = arith.constant 384 : i32
    %add3A_39 = arith.addi %mul3A_37, %add3A_38 : i32
    "tpu.region"() ({
      %run_scoped3A_68 = tpu.sem_alloc : memref<!tpu.dma_semaphore, #tpu.memory_space<semaphore_mem>>
      %dma_start3A_69 = arith.constant 0 : i32
      %dma_start3A_70 = tpu.memref_slice %arg5[%add3A_39, %dma_start3A_69] : memref<10240x128xf32, #tpu.memory_space<vmem_shared>> -> memref<128x128xf32, #tpu.memory_space<vmem_shared>>
      %dma_start3A_71 = arith.constant 0 : i32
      %dma_start3A_72 = tpu.memref_slice %arg5[%add3A_39, %dma_start3A_71] : memref<10240x128xf32, #tpu.memory_space<vmem_shared>> -> memref<128x128xf32, #tpu.memory_space<vmem_shared>>
      tpu.enqueue_dma source(%arg11 : memref<128x128xf32, #tpu.memory_space<vmem>>) target(%dma_start3A_72 : memref<128x128xf32, #tpu.memory_space<vmem_shared>>) target_semaphore(%run_scoped3A_68 : memref<!tpu.dma_semaphore, #tpu.memory_space<semaphore_mem>>)
      %dma_wait3A_73 = arith.constant 0 : i32
      %dma_wait3A_74 = tpu.memref_slice %arg5[%add3A_39, %dma_wait3A_73] : memref<10240x128xf32, #tpu.memory_space<vmem_shared>> -> memref<128x128xf32, #tpu.memory_space<vmem_shared>>
      %dma_wait3A_75 = arith.constant 0 : i32
      %dma_wait3A_76 = tpu.memref_slice %arg5[%add3A_39, %dma_wait3A_75] : memref<10240x128xf32, #tpu.memory_space<vmem_shared>> -> memref<128x128xf32, #tpu.memory_space<vmem_shared>>
      tpu.wait_dma2 semaphore(%run_scoped3A_68 : memref<!tpu.dma_semaphore, #tpu.memory_space<semaphore_mem>>) src(%arg11 : memref<128x128xf32, #tpu.memory_space<vmem>>) dst(%dma_wait3A_76 : memref<128x128xf32, #tpu.memory_space<vmem_shared>>)
      tpu.yield
    }) : () -> ()
    %mul3A_40 = arith.constant 640 : i32
    %mul3A_41 = arith.muli %arg1, %mul3A_40 : i32
    %add3A_42 = arith.constant 512 : i32
    %add3A_43 = arith.addi %mul3A_41, %add3A_42 : i32
    "tpu.region"() ({
      %run_scoped3A_68 = tpu.sem_alloc : memref<!tpu.dma_semaphore, #tpu.memory_space<semaphore_mem>>
      %dma_start3A_69 = arith.constant 0 : i32
      %dma_start3A_70 = tpu.memref_slice %arg5[%add3A_43, %dma_start3A_69] : memref<10240x128xf32, #tpu.memory_space<vmem_shared>> -> memref<128x128xf32, #tpu.memory_space<vmem_shared>>
      %dma_start3A_71 = arith.constant 0 : i32
      %dma_start3A_72 = tpu.memref_slice %arg5[%add3A_43, %dma_start3A_71] : memref<10240x128xf32, #tpu.memory_space<vmem_shared>> -> memref<128x128xf32, #tpu.memory_space<vmem_shared>>
      tpu.enqueue_dma source(%arg11 : memref<128x128xf32, #tpu.memory_space<vmem>>) target(%dma_start3A_72 : memref<128x128xf32, #tpu.memory_space<vmem_shared>>) target_semaphore(%run_scoped3A_68 : memref<!tpu.dma_semaphore, #tpu.memory_space<semaphore_mem>>)
      %dma_wait3A_73 = arith.constant 0 : i32
      %dma_wait3A_74 = tpu.memref_slice %arg5[%add3A_43, %dma_wait3A_73] : memref<10240x128xf32, #tpu.memory_space<vmem_shared>> -> memref<128x128xf32, #tpu.memory_space<vmem_shared>>
      %dma_wait3A_75 = arith.constant 0 : i32
      %dma_wait3A_76 = tpu.memref_slice %arg5[%add3A_43, %dma_wait3A_75] : memref<10240x128xf32, #tpu.memory_space<vmem_shared>> -> memref<128x128xf32, #tpu.memory_space<vmem_shared>>
      tpu.wait_dma2 semaphore(%run_scoped3A_68 : memref<!tpu.dma_semaphore, #tpu.memory_space<semaphore_mem>>) src(%arg11 : memref<128x128xf32, #tpu.memory_space<vmem>>) dst(%dma_wait3A_76 : memref<128x128xf32, #tpu.memory_space<vmem_shared>>)
      tpu.yield
    }) : () -> ()
    %barrier3A = arith.constant 0 : index
    tpu.barrier barrier_id(%barrier3A)
    %scan3A_44 = arith.constant 0 : i32
    %scan3A_45 = arith.constant 0 : i32
    %scan3A_46 = arith.constant 20 : i32
    %scan3A_47 = arith.addi %scan3A_45, %scan3A_46 : i32
    %scan3A_48 = arith.constant 1 : i32
    scf.for %scan3A_68 = %scan3A_45 to %scan3A_47 step %scan3A_48  : i32 {
      %mul3A_69 = arith.constant 4 : i32
      %mul3A_70 = arith.muli %scan3A_68, %mul3A_69 : i32
      %eq3A = arith.constant 0 : i32
      %eq3A_71 = arith.cmpi eq, %scan3A_68, %eq3A : i32
      %add3A_72 = arith.constant 4 : i32
      %add3A_73 = arith.addi %mul3A_70, %add3A_72 : i32
      %lt3A = arith.constant 80 : i32
      %lt3A_74 = arith.cmpi slt, %add3A_73, %lt3A : i32
      %add3A_75 = arith.constant 0 : i32
      %add3A_76 = arith.addi %mul3A_70, %add3A_75 : i32
      %dma_wait3A_77 = arith.constant 0 : i32
      %dma_wait3A_78 = arith.constant 0 : i32
      %dma_wait3A_79 = tpu.memref_slice %arg6[%dma_wait3A_77, %dma_wait3A_78] : memref<2x128xi32, #tpu.memory_space<vmem>> -> memref<1x128xi32, #tpu.memory_space<vmem>>
      %dma_wait3A_80 = tpu.memref_squeeze %dma_wait3A_79 : memref<1x128xi32, #tpu.memory_space<vmem>> -> memref<128xi32, #tpu.memory_space<vmem>>
      %dma_wait3A_81 = arith.constant 0 : i32
      %dma_wait3A_82 = arith.constant 0 : i32
      %dma_wait3A_83 = tpu.memref_slice %arg2[%dma_wait3A_81, %dma_wait3A_82] : memref<10000x128xf32, #tpu.memory_space<hbm>> -> memref<10000x128xf32, #tpu.memory_space<hbm>>
      tpu.wait_indirect_dma semaphore(%arg12 : memref<!tpu.dma_semaphore, #tpu.memory_space<semaphore_mem>>) src(%dma_wait3A_83 : memref<10000x128xf32, #tpu.memory_space<hbm>>) dst(%arg10 : memref<128x128xf32, #tpu.memory_space<vmem>>)
      %dma_start3A_84 = arith.constant 1 : i32
      %dma_start3A_85 = arith.constant 0 : i32
      %dma_start3A_86 = tpu.memref_slice %arg6[%dma_start3A_84, %dma_start3A_85] : memref<2x128xi32, #tpu.memory_space<vmem>> -> memref<1x128xi32, #tpu.memory_space<vmem>>
      %dma_start3A_87 = tpu.memref_squeeze %dma_start3A_86 : memref<1x128xi32, #tpu.memory_space<vmem>> -> memref<128xi32, #tpu.memory_space<vmem>>
      %dma_start3A_88 = arith.constant 0 : i32
      %dma_start3A_89 = arith.constant 0 : i32
      %dma_start3A_90 = tpu.memref_slice %arg5[%dma_start3A_88, %dma_start3A_89] : memref<10240x128xf32, #tpu.memory_space<vmem_shared>> -> memref<10240x128xf32, #tpu.memory_space<vmem_shared>>
      tpu.enqueue_indirect_dma source(%arg10 : memref<128x128xf32, #tpu.memory_space<vmem>>) target(%dma_start3A_90 : memref<10240x128xf32, #tpu.memory_space<vmem_shared>>) offsets(%dma_start3A_87 : memref<128xi32, #tpu.memory_space<vmem>>) semaphore(%arg18 : memref<!tpu.dma_semaphore, #tpu.memory_space<semaphore_mem>>) {add = true}
      %not3A = arith.constant true
      %not3A_91 = arith.xori %eq3A_71, %not3A : i1
      %convert_element_type3A = arith.extui %not3A_91 : i1 to i32
      %cond3A = arith.constant 0 : i32
      %cond3A_92 = arith.cmpi ne, %convert_element_type3A, %cond3A : i32
      scf.if %cond3A_92 {
        %dma_wait3A_232 = arith.constant 1 : i32
        %dma_wait3A_233 = arith.constant 0 : i32
        %dma_wait3A_234 = tpu.memref_slice %arg9[%dma_wait3A_232, %dma_wait3A_233] : memref<2x128xi32, #tpu.memory_space<vmem>> -> memref<1x128xi32, #tpu.memory_space<vmem>>
        %dma_wait3A_235 = tpu.memref_squeeze %dma_wait3A_234 : memref<1x128xi32, #tpu.memory_space<vmem>> -> memref<128xi32, #tpu.memory_space<vmem>>
        %dma_wait3A_236 = arith.constant 0 : i32
        %dma_wait3A_237 = arith.constant 0 : i32
        %dma_wait3A_238 = tpu.memref_slice %arg5[%dma_wait3A_236, %dma_wait3A_237] : memref<10240x128xf32, #tpu.memory_space<vmem_shared>> -> memref<10240x128xf32, #tpu.memory_space<vmem_shared>>
        tpu.wait_indirect_dma semaphore(%arg21 : memref<!tpu.dma_semaphore, #tpu.memory_space<semaphore_mem>>) src(%arg11 : memref<128x128xf32, #tpu.memory_space<vmem>>) dst(%dma_wait3A_238 : memref<10240x128xf32, #tpu.memory_space<vmem_shared>>)
      } else {
      }
      %dma_wait3A_93 = arith.constant 0 : i32
      %dma_wait3A_94 = arith.constant 0 : i32
      %dma_wait3A_95 = arith.constant 0 : i32
      %dma_wait3A_96 = tpu.memref_slice %arg3[%add3A, %dma_wait3A_93, %dma_wait3A_94, %dma_wait3A_95] : memref<32x80x2x128xi32, #tpu.memory_space<hbm>> -> memref<1x1x2x128xi32, #tpu.memory_space<hbm>>
      %dma_wait3A_97 = tpu.memref_squeeze %dma_wait3A_96 : memref<1x1x2x128xi32, #tpu.memory_space<hbm>> -> memref<2x128xi32, #tpu.memory_space<hbm>>
      %dma_wait3A_98 = arith.constant 0 : i32
      %dma_wait3A_99 = arith.constant 0 : i32
      %dma_wait3A_100 = tpu.memref_slice %arg3[%add3A, %dma_wait3A_93, %dma_wait3A_98, %dma_wait3A_99] : memref<32x80x2x128xi32, #tpu.memory_space<hbm>> -> memref<1x1x2x128xi32, #tpu.memory_space<hbm>>
      %dma_wait3A_101 = tpu.memref_squeeze %dma_wait3A_100 : memref<1x1x2x128xi32, #tpu.memory_space<hbm>> -> memref<2x128xi32, #tpu.memory_space<hbm>>
      tpu.wait_dma2 semaphore(%arg15 : memref<!tpu.dma_semaphore, #tpu.memory_space<semaphore_mem>>) src(%dma_wait3A_101 : memref<2x128xi32, #tpu.memory_space<hbm>>) dst(%arg7 : memref<2x128xi32, #tpu.memory_space<vmem>>)
      %dma_start3A_102 = arith.constant 0 : i32
      %dma_start3A_103 = arith.constant 0 : i32
      %dma_start3A_104 = tpu.memref_slice %arg7[%dma_start3A_102, %dma_start3A_103] : memref<2x128xi32, #tpu.memory_space<vmem>> -> memref<1x128xi32, #tpu.memory_space<vmem>>
      %dma_start3A_105 = tpu.memref_squeeze %dma_start3A_104 : memref<1x128xi32, #tpu.memory_space<vmem>> -> memref<128xi32, #tpu.memory_space<vmem>>
      %dma_start3A_106 = arith.constant 0 : i32
      %dma_start3A_107 = arith.constant 0 : i32
      %dma_start3A_108 = tpu.memref_slice %arg2[%dma_start3A_106, %dma_start3A_107] : memref<10000x128xf32, #tpu.memory_space<hbm>> -> memref<10000x128xf32, #tpu.memory_space<hbm>>
      tpu.enqueue_indirect_dma source(%dma_start3A_108 : memref<10000x128xf32, #tpu.memory_space<hbm>>) target(%arg11 : memref<128x128xf32, #tpu.memory_space<vmem>>) offsets(%dma_start3A_105 : memref<128xi32, #tpu.memory_space<vmem>>) semaphore(%arg13 : memref<!tpu.dma_semaphore, #tpu.memory_space<semaphore_mem>>)
      %add3A_109 = arith.constant 2 : i32
      %add3A_110 = arith.addi %add3A_76, %add3A_109 : i32
      %dma_start3A_111 = arith.constant 0 : i32
      %dma_start3A_112 = arith.constant 0 : i32
      %dma_start3A_113 = tpu.memref_slice %arg3[%add3A, %add3A_110, %dma_start3A_111, %dma_start3A_112] : memref<32x80x2x128xi32, #tpu.memory_space<hbm>> -> memref<1x1x2x128xi32, #tpu.memory_space<hbm>>
      %dma_start3A_114 = tpu.memref_squeeze %dma_start3A_113 : memref<1x1x2x128xi32, #tpu.memory_space<hbm>> -> memref<2x128xi32, #tpu.memory_space<hbm>>
      %dma_start3A_115 = arith.constant 0 : i32
      %dma_start3A_116 = arith.constant 0 : i32
      %dma_start3A_117 = tpu.memref_slice %arg3[%add3A, %add3A_110, %dma_start3A_115, %dma_start3A_116] : memref<32x80x2x128xi32, #tpu.memory_space<hbm>> -> memref<1x1x2x128xi32, #tpu.memory_space<hbm>>
      %dma_start3A_118 = tpu.memref_squeeze %dma_start3A_117 : memref<1x1x2x128xi32, #tpu.memory_space<hbm>> -> memref<2x128xi32, #tpu.memory_space<hbm>>
      tpu.enqueue_dma source(%dma_start3A_118 : memref<2x128xi32, #tpu.memory_space<hbm>>) target(%arg8 : memref<2x128xi32, #tpu.memory_space<vmem>>) target_semaphore(%arg16 : memref<!tpu.dma_semaphore, #tpu.memory_space<semaphore_mem>>)
      %add3A_119 = arith.constant 1 : i32
      %add3A_120 = arith.addi %mul3A_70, %add3A_119 : i32
      %dma_wait3A_121 = arith.constant 0 : i32
      %dma_wait3A_122 = arith.constant 0 : i32
      %dma_wait3A_123 = tpu.memref_slice %arg6[%dma_wait3A_121, %dma_wait3A_122] : memref<2x128xi32, #tpu.memory_space<vmem>> -> memref<1x128xi32, #tpu.memory_space<vmem>>
      %dma_wait3A_124 = tpu.memref_squeeze %dma_wait3A_123 : memref<1x128xi32, #tpu.memory_space<vmem>> -> memref<128xi32, #tpu.memory_space<vmem>>
      %dma_wait3A_125 = arith.constant 0 : i32
      %dma_wait3A_126 = arith.constant 0 : i32
      %dma_wait3A_127 = tpu.memref_slice %arg2[%dma_wait3A_125, %dma_wait3A_126] : memref<10000x128xf32, #tpu.memory_space<hbm>> -> memref<10000x128xf32, #tpu.memory_space<hbm>>
      tpu.wait_indirect_dma semaphore(%arg13 : memref<!tpu.dma_semaphore, #tpu.memory_space<semaphore_mem>>) src(%dma_wait3A_127 : memref<10000x128xf32, #tpu.memory_space<hbm>>) dst(%arg11 : memref<128x128xf32, #tpu.memory_space<vmem>>)
      %dma_start3A_128 = arith.constant 1 : i32
      %dma_start3A_129 = arith.constant 0 : i32
      %dma_start3A_130 = tpu.memref_slice %arg7[%dma_start3A_128, %dma_start3A_129] : memref<2x128xi32, #tpu.memory_space<vmem>> -> memref<1x128xi32, #tpu.memory_space<vmem>>
      %dma_start3A_131 = tpu.memref_squeeze %dma_start3A_130 : memref<1x128xi32, #tpu.memory_space<vmem>> -> memref<128xi32, #tpu.memory_space<vmem>>
      %dma_start3A_132 = arith.constant 0 : i32
      %dma_start3A_133 = arith.constant 0 : i32
      %dma_start3A_134 = tpu.memref_slice %arg5[%dma_start3A_132, %dma_start3A_133] : memref<10240x128xf32, #tpu.memory_space<vmem_shared>> -> memref<10240x128xf32, #tpu.memory_space<vmem_shared>>
      tpu.enqueue_indirect_dma source(%arg11 : memref<128x128xf32, #tpu.memory_space<vmem>>) target(%dma_start3A_134 : memref<10240x128xf32, #tpu.memory_space<vmem_shared>>) offsets(%dma_start3A_131 : memref<128xi32, #tpu.memory_space<vmem>>) semaphore(%arg19 : memref<!tpu.dma_semaphore, #tpu.memory_space<semaphore_mem>>) {add = true}
      %dma_wait3A_135 = arith.constant 1 : i32
      %dma_wait3A_136 = arith.constant 0 : i32
      %dma_wait3A_137 = tpu.memref_slice %arg6[%dma_wait3A_135, %dma_wait3A_136] : memref<2x128xi32, #tpu.memory_space<vmem>> -> memref<1x128xi32, #tpu.memory_space<vmem>>
      %dma_wait3A_138 = tpu.memref_squeeze %dma_wait3A_137 : memref<1x128xi32, #tpu.memory_space<vmem>> -> memref<128xi32, #tpu.memory_space<vmem>>
      %dma_wait3A_139 = arith.constant 0 : i32
      %dma_wait3A_140 = arith.constant 0 : i32
      %dma_wait3A_141 = tpu.memref_slice %arg5[%dma_wait3A_139, %dma_wait3A_140] : memref<10240x128xf32, #tpu.memory_space<vmem_shared>> -> memref<10240x128xf32, #tpu.memory_space<vmem_shared>>
      tpu.wait_indirect_dma semaphore(%arg18 : memref<!tpu.dma_semaphore, #tpu.memory_space<semaphore_mem>>) src(%arg10 : memref<128x128xf32, #tpu.memory_space<vmem>>) dst(%dma_wait3A_141 : memref<10240x128xf32, #tpu.memory_space<vmem_shared>>)
      %dma_wait3A_142 = arith.constant 0 : i32
      %dma_wait3A_143 = arith.constant 0 : i32
      %dma_wait3A_144 = arith.constant 0 : i32
      %dma_wait3A_145 = tpu.memref_slice %arg3[%add3A, %dma_wait3A_142, %dma_wait3A_143, %dma_wait3A_144] : memref<32x80x2x128xi32, #tpu.memory_space<hbm>> -> memref<1x1x2x128xi32, #tpu.memory_space<hbm>>
      %dma_wait3A_146 = tpu.memref_squeeze %dma_wait3A_145 : memref<1x1x2x128xi32, #tpu.memory_space<hbm>> -> memref<2x128xi32, #tpu.memory_space<hbm>>
      %dma_wait3A_147 = arith.constant 0 : i32
      %dma_wait3A_148 = arith.constant 0 : i32
      %dma_wait3A_149 = tpu.memref_slice %arg3[%add3A, %dma_wait3A_142, %dma_wait3A_147, %dma_wait3A_148] : memref<32x80x2x128xi32, #tpu.memory_space<hbm>> -> memref<1x1x2x128xi32, #tpu.memory_space<hbm>>
      %dma_wait3A_150 = tpu.memref_squeeze %dma_wait3A_149 : memref<1x1x2x128xi32, #tpu.memory_space<hbm>> -> memref<2x128xi32, #tpu.memory_space<hbm>>
      tpu.wait_dma2 semaphore(%arg16 : memref<!tpu.dma_semaphore, #tpu.memory_space<semaphore_mem>>) src(%dma_wait3A_150 : memref<2x128xi32, #tpu.memory_space<hbm>>) dst(%arg8 : memref<2x128xi32, #tpu.memory_space<vmem>>)
      %dma_start3A_151 = arith.constant 0 : i32
      %dma_start3A_152 = arith.constant 0 : i32
      %dma_start3A_153 = tpu.memref_slice %arg8[%dma_start3A_151, %dma_start3A_152] : memref<2x128xi32, #tpu.memory_space<vmem>> -> memref<1x128xi32, #tpu.memory_space<vmem>>
      %dma_start3A_154 = tpu.memref_squeeze %dma_start3A_153 : memref<1x128xi32, #tpu.memory_space<vmem>> -> memref<128xi32, #tpu.memory_space<vmem>>
      %dma_start3A_155 = arith.constant 0 : i32
      %dma_start3A_156 = arith.constant 0 : i32
      %dma_start3A_157 = tpu.memref_slice %arg2[%dma_start3A_155, %dma_start3A_156] : memref<10000x128xf32, #tpu.memory_space<hbm>> -> memref<10000x128xf32, #tpu.memory_space<hbm>>
      tpu.enqueue_indirect_dma source(%dma_start3A_157 : memref<10000x128xf32, #tpu.memory_space<hbm>>) target(%arg10 : memref<128x128xf32, #tpu.memory_space<vmem>>) offsets(%dma_start3A_154 : memref<128xi32, #tpu.memory_space<vmem>>) semaphore(%arg12 : memref<!tpu.dma_semaphore, #tpu.memory_space<semaphore_mem>>)
      %add3A_158 = arith.constant 2 : i32
      %add3A_159 = arith.addi %add3A_120, %add3A_158 : i32
      %dma_start3A_160 = arith.constant 0 : i32
      %dma_start3A_161 = arith.constant 0 : i32
      %dma_start3A_162 = tpu.memref_slice %arg3[%add3A, %add3A_159, %dma_start3A_160, %dma_start3A_161] : memref<32x80x2x128xi32, #tpu.memory_space<hbm>> -> memref<1x1x2x128xi32, #tpu.memory_space<hbm>>
      %dma_start3A_163 = tpu.memref_squeeze %dma_start3A_162 : memref<1x1x2x128xi32, #tpu.memory_space<hbm>> -> memref<2x128xi32, #tpu.memory_space<hbm>>
      %dma_start3A_164 = arith.constant 0 : i32
      %dma_start3A_165 = arith.constant 0 : i32
      %dma_start3A_166 = tpu.memref_slice %arg3[%add3A, %add3A_159, %dma_start3A_164, %dma_start3A_165] : memref<32x80x2x128xi32, #tpu.memory_space<hbm>> -> memref<1x1x2x128xi32, #tpu.memory_space<hbm>>
      %dma_start3A_167 = tpu.memref_squeeze %dma_start3A_166 : memref<1x1x2x128xi32, #tpu.memory_space<hbm>> -> memref<2x128xi32, #tpu.memory_space<hbm>>
      tpu.enqueue_dma source(%dma_start3A_167 : memref<2x128xi32, #tpu.memory_space<hbm>>) target(%arg9 : memref<2x128xi32, #tpu.memory_space<vmem>>) target_semaphore(%arg17 : memref<!tpu.dma_semaphore, #tpu.memory_space<semaphore_mem>>)
      %add3A_168 = arith.constant 2 : i32
      %add3A_169 = arith.addi %mul3A_70, %add3A_168 : i32
      %dma_wait3A_170 = arith.constant 0 : i32
      %dma_wait3A_171 = arith.constant 0 : i32
      %dma_wait3A_172 = tpu.memref_slice %arg6[%dma_wait3A_170, %dma_wait3A_171] : memref<2x128xi32, #tpu.memory_space<vmem>> -> memref<1x128xi32, #tpu.memory_space<vmem>>
      %dma_wait3A_173 = tpu.memref_squeeze %dma_wait3A_172 : memref<1x128xi32, #tpu.memory_space<vmem>> -> memref<128xi32, #tpu.memory_space<vmem>>
      %dma_wait3A_174 = arith.constant 0 : i32
      %dma_wait3A_175 = arith.constant 0 : i32
      %dma_wait3A_176 = tpu.memref_slice %arg2[%dma_wait3A_174, %dma_wait3A_175] : memref<10000x128xf32, #tpu.memory_space<hbm>> -> memref<10000x128xf32, #tpu.memory_space<hbm>>
      tpu.wait_indirect_dma semaphore(%arg12 : memref<!tpu.dma_semaphore, #tpu.memory_space<semaphore_mem>>) src(%dma_wait3A_176 : memref<10000x128xf32, #tpu.memory_space<hbm>>) dst(%arg10 : memref<128x128xf32, #tpu.memory_space<vmem>>)
      %dma_start3A_177 = arith.constant 1 : i32
      %dma_start3A_178 = arith.constant 0 : i32
      %dma_start3A_179 = tpu.memref_slice %arg8[%dma_start3A_177, %dma_start3A_178] : memref<2x128xi32, #tpu.memory_space<vmem>> -> memref<1x128xi32, #tpu.memory_space<vmem>>
      %dma_start3A_180 = tpu.memref_squeeze %dma_start3A_179 : memref<1x128xi32, #tpu.memory_space<vmem>> -> memref<128xi32, #tpu.memory_space<vmem>>
      %dma_start3A_181 = arith.constant 0 : i32
      %dma_start3A_182 = arith.constant 0 : i32
      %dma_start3A_183 = tpu.memref_slice %arg5[%dma_start3A_181, %dma_start3A_182] : memref<10240x128xf32, #tpu.memory_space<vmem_shared>> -> memref<10240x128xf32, #tpu.memory_space<vmem_shared>>
      tpu.enqueue_indirect_dma source(%arg10 : memref<128x128xf32, #tpu.memory_space<vmem>>) target(%dma_start3A_183 : memref<10240x128xf32, #tpu.memory_space<vmem_shared>>) offsets(%dma_start3A_180 : memref<128xi32, #tpu.memory_space<vmem>>) semaphore(%arg20 : memref<!tpu.dma_semaphore, #tpu.memory_space<semaphore_mem>>) {add = true}
      %dma_wait3A_184 = arith.constant 1 : i32
      %dma_wait3A_185 = arith.constant 0 : i32
      %dma_wait3A_186 = tpu.memref_slice %arg7[%dma_wait3A_184, %dma_wait3A_185] : memref<2x128xi32, #tpu.memory_space<vmem>> -> memref<1x128xi32, #tpu.memory_space<vmem>>
      %dma_wait3A_187 = tpu.memref_squeeze %dma_wait3A_186 : memref<1x128xi32, #tpu.memory_space<vmem>> -> memref<128xi32, #tpu.memory_space<vmem>>
      %dma_wait3A_188 = arith.constant 0 : i32
      %dma_wait3A_189 = arith.constant 0 : i32
      %dma_wait3A_190 = tpu.memref_slice %arg5[%dma_wait3A_188, %dma_wait3A_189] : memref<10240x128xf32, #tpu.memory_space<vmem_shared>> -> memref<10240x128xf32, #tpu.memory_space<vmem_shared>>
      tpu.wait_indirect_dma semaphore(%arg19 : memref<!tpu.dma_semaphore, #tpu.memory_space<semaphore_mem>>) src(%arg11 : memref<128x128xf32, #tpu.memory_space<vmem>>) dst(%dma_wait3A_190 : memref<10240x128xf32, #tpu.memory_space<vmem_shared>>)
      %dma_wait3A_191 = arith.constant 0 : i32
      %dma_wait3A_192 = arith.constant 0 : i32
      %dma_wait3A_193 = arith.constant 0 : i32
      %dma_wait3A_194 = tpu.memref_slice %arg3[%add3A, %dma_wait3A_191, %dma_wait3A_192, %dma_wait3A_193] : memref<32x80x2x128xi32, #tpu.memory_space<hbm>> -> memref<1x1x2x128xi32, #tpu.memory_space<hbm>>
      %dma_wait3A_195 = tpu.memref_squeeze %dma_wait3A_194 : memref<1x1x2x128xi32, #tpu.memory_space<hbm>> -> memref<2x128xi32, #tpu.memory_space<hbm>>
      %dma_wait3A_196 = arith.constant 0 : i32
      %dma_wait3A_197 = arith.constant 0 : i32
      %dma_wait3A_198 = tpu.memref_slice %arg3[%add3A, %dma_wait3A_191, %dma_wait3A_196, %dma_wait3A_197] : memref<32x80x2x128xi32, #tpu.memory_space<hbm>> -> memref<1x1x2x128xi32, #tpu.memory_space<hbm>>
      %dma_wait3A_199 = tpu.memref_squeeze %dma_wait3A_198 : memref<1x1x2x128xi32, #tpu.memory_space<hbm>> -> memref<2x128xi32, #tpu.memory_space<hbm>>
      tpu.wait_dma2 semaphore(%arg17 : memref<!tpu.dma_semaphore, #tpu.memory_space<semaphore_mem>>) src(%dma_wait3A_199 : memref<2x128xi32, #tpu.memory_space<hbm>>) dst(%arg9 : memref<2x128xi32, #tpu.memory_space<vmem>>)
      %dma_start3A_200 = arith.constant 0 : i32
      %dma_start3A_201 = arith.constant 0 : i32
      %dma_start3A_202 = tpu.memref_slice %arg9[%dma_start3A_200, %dma_start3A_201] : memref<2x128xi32, #tpu.memory_space<vmem>> -> memref<1x128xi32, #tpu.memory_space<vmem>>
      %dma_start3A_203 = tpu.memref_squeeze %dma_start3A_202 : memref<1x128xi32, #tpu.memory_space<vmem>> -> memref<128xi32, #tpu.memory_space<vmem>>
      %dma_start3A_204 = arith.constant 0 : i32
      %dma_start3A_205 = arith.constant 0 : i32
      %dma_start3A_206 = tpu.memref_slice %arg2[%dma_start3A_204, %dma_start3A_205] : memref<10000x128xf32, #tpu.memory_space<hbm>> -> memref<10000x128xf32, #tpu.memory_space<hbm>>
      tpu.enqueue_indirect_dma source(%dma_start3A_206 : memref<10000x128xf32, #tpu.memory_space<hbm>>) target(%arg11 : memref<128x128xf32, #tpu.memory_space<vmem>>) offsets(%dma_start3A_203 : memref<128xi32, #tpu.memory_space<vmem>>) semaphore(%arg13 : memref<!tpu.dma_semaphore, #tpu.memory_space<semaphore_mem>>)
      %convert_element_type3A_207 = arith.extui %lt3A_74 : i1 to i32
      %cond3A_208 = arith.constant 0 : i32
      %cond3A_209 = arith.cmpi ne, %convert_element_type3A_207, %cond3A_208 : i32
      scf.if %cond3A_209 {
        %add3A_232 = arith.constant 2 : i32
        %add3A_233 = arith.addi %add3A_169, %add3A_232 : i32
        %dma_start3A_234 = arith.constant 0 : i32
        %dma_start3A_235 = arith.constant 0 : i32
        %dma_start3A_236 = tpu.memref_slice %arg3[%add3A, %add3A_233, %dma_start3A_234, %dma_start3A_235] : memref<32x80x2x128xi32, #tpu.memory_space<hbm>> -> memref<1x1x2x128xi32, #tpu.memory_space<hbm>>
        %dma_start3A_237 = tpu.memref_squeeze %dma_start3A_236 : memref<1x1x2x128xi32, #tpu.memory_space<hbm>> -> memref<2x128xi32, #tpu.memory_space<hbm>>
        %dma_start3A_238 = arith.constant 0 : i32
        %dma_start3A_239 = arith.constant 0 : i32
        %dma_start3A_240 = tpu.memref_slice %arg3[%add3A, %add3A_233, %dma_start3A_238, %dma_start3A_239] : memref<32x80x2x128xi32, #tpu.memory_space<hbm>> -> memref<1x1x2x128xi32, #tpu.memory_space<hbm>>
        %dma_start3A_241 = tpu.memref_squeeze %dma_start3A_240 : memref<1x1x2x128xi32, #tpu.memory_space<hbm>> -> memref<2x128xi32, #tpu.memory_space<hbm>>
        tpu.enqueue_dma source(%dma_start3A_241 : memref<2x128xi32, #tpu.memory_space<hbm>>) target(%arg6 : memref<2x128xi32, #tpu.memory_space<vmem>>) target_semaphore(%arg14 : memref<!tpu.dma_semaphore, #tpu.memory_space<semaphore_mem>>)
      } else {
      }
      %add3A_210 = arith.constant 3 : i32
      %add3A_211 = arith.addi %mul3A_70, %add3A_210 : i32
      %dma_wait3A_212 = arith.constant 0 : i32
      %dma_wait3A_213 = arith.constant 0 : i32
      %dma_wait3A_214 = tpu.memref_slice %arg6[%dma_wait3A_212, %dma_wait3A_213] : memref<2x128xi32, #tpu.memory_space<vmem>> -> memref<1x128xi32, #tpu.memory_space<vmem>>
      %dma_wait3A_215 = tpu.memref_squeeze %dma_wait3A_214 : memref<1x128xi32, #tpu.memory_space<vmem>> -> memref<128xi32, #tpu.memory_space<vmem>>
      %dma_wait3A_216 = arith.constant 0 : i32
      %dma_wait3A_217 = arith.constant 0 : i32
      %dma_wait3A_218 = tpu.memref_slice %arg2[%dma_wait3A_216, %dma_wait3A_217] : memref<10000x128xf32, #tpu.memory_space<hbm>> -> memref<10000x128xf32, #tpu.memory_space<hbm>>
      tpu.wait_indirect_dma semaphore(%arg13 : memref<!tpu.dma_semaphore, #tpu.memory_space<semaphore_mem>>) src(%dma_wait3A_218 : memref<10000x128xf32, #tpu.memory_space<hbm>>) dst(%arg11 : memref<128x128xf32, #tpu.memory_space<vmem>>)
      %dma_start3A_219 = arith.constant 1 : i32
      %dma_start3A_220 = arith.constant 0 : i32
      %dma_start3A_221 = tpu.memref_slice %arg9[%dma_start3A_219, %dma_start3A_220] : memref<2x128xi32, #tpu.memory_space<vmem>> -> memref<1x128xi32, #tpu.memory_space<vmem>>
      %dma_start3A_222 = tpu.memref_squeeze %dma_start3A_221 : memref<1x128xi32, #tpu.memory_space<vmem>> -> memref<128xi32, #tpu.memory_space<vmem>>
      %dma_start3A_223 = arith.constant 0 : i32
      %dma_start3A_224 = arith.constant 0 : i32
      %dma_start3A_225 = tpu.memref_slice %arg5[%dma_start3A_223, %dma_start3A_224] : memref<10240x128xf32, #tpu.memory_space<vmem_shared>> -> memref<10240x128xf32, #tpu.memory_space<vmem_shared>>
      tpu.enqueue_indirect_dma source(%arg11 : memref<128x128xf32, #tpu.memory_space<vmem>>) target(%dma_start3A_225 : memref<10240x128xf32, #tpu.memory_space<vmem_shared>>) offsets(%dma_start3A_222 : memref<128xi32, #tpu.memory_space<vmem>>) semaphore(%arg21 : memref<!tpu.dma_semaphore, #tpu.memory_space<semaphore_mem>>) {add = true}
      %convert_element_type3A_226 = arith.extui %lt3A_74 : i1 to i32
      %cond3A_227 = arith.constant 0 : i32
      %cond3A_228 = arith.cmpi ne, %convert_element_type3A_226, %cond3A_227 : i32
      scf.if %cond3A_228 {
        %dma_wait3A_232 = arith.constant 1 : i32
        %dma_wait3A_233 = arith.constant 0 : i32
        %dma_wait3A_234 = tpu.memref_slice %arg8[%dma_wait3A_232, %dma_wait3A_233] : memref<2x128xi32, #tpu.memory_space<vmem>> -> memref<1x128xi32, #tpu.memory_space<vmem>>
        %dma_wait3A_235 = tpu.memref_squeeze %dma_wait3A_234 : memref<1x128xi32, #tpu.memory_space<vmem>> -> memref<128xi32, #tpu.memory_space<vmem>>
        %dma_wait3A_236 = arith.constant 0 : i32
        %dma_wait3A_237 = arith.constant 0 : i32
        %dma_wait3A_238 = tpu.memref_slice %arg5[%dma_wait3A_236, %dma_wait3A_237] : memref<10240x128xf32, #tpu.memory_space<vmem_shared>> -> memref<10240x128xf32, #tpu.memory_space<vmem_shared>>
        tpu.wait_indirect_dma semaphore(%arg20 : memref<!tpu.dma_semaphore, #tpu.memory_space<semaphore_mem>>) src(%arg10 : memref<128x128xf32, #tpu.memory_space<vmem>>) dst(%dma_wait3A_238 : memref<10240x128xf32, #tpu.memory_space<vmem_shared>>)
        %dma_wait3A_239 = arith.constant 0 : i32
        %dma_wait3A_240 = arith.constant 0 : i32
        %dma_wait3A_241 = arith.constant 0 : i32
        %dma_wait3A_242 = tpu.memref_slice %arg3[%add3A, %dma_wait3A_239, %dma_wait3A_240, %dma_wait3A_241] : memref<32x80x2x128xi32, #tpu.memory_space<hbm>> -> memref<1x1x2x128xi32, #tpu.memory_space<hbm>>
        %dma_wait3A_243 = tpu.memref_squeeze %dma_wait3A_242 : memref<1x1x2x128xi32, #tpu.memory_space<hbm>> -> memref<2x128xi32, #tpu.memory_space<hbm>>
        %dma_wait3A_244 = arith.constant 0 : i32
        %dma_wait3A_245 = arith.constant 0 : i32
        %dma_wait3A_246 = tpu.memref_slice %arg3[%add3A, %dma_wait3A_239, %dma_wait3A_244, %dma_wait3A_245] : memref<32x80x2x128xi32, #tpu.memory_space<hbm>> -> memref<1x1x2x128xi32, #tpu.memory_space<hbm>>
        %dma_wait3A_247 = tpu.memref_squeeze %dma_wait3A_246 : memref<1x1x2x128xi32, #tpu.memory_space<hbm>> -> memref<2x128xi32, #tpu.memory_space<hbm>>
        tpu.wait_dma2 semaphore(%arg14 : memref<!tpu.dma_semaphore, #tpu.memory_space<semaphore_mem>>) src(%dma_wait3A_247 : memref<2x128xi32, #tpu.memory_space<hbm>>) dst(%arg6 : memref<2x128xi32, #tpu.memory_space<vmem>>)
        %dma_start3A_248 = arith.constant 0 : i32
        %dma_start3A_249 = arith.constant 0 : i32
        %dma_start3A_250 = tpu.memref_slice %arg6[%dma_start3A_248, %dma_start3A_249] : memref<2x128xi32, #tpu.memory_space<vmem>> -> memref<1x128xi32, #tpu.memory_space<vmem>>
        %dma_start3A_251 = tpu.memref_squeeze %dma_start3A_250 : memref<1x128xi32, #tpu.memory_space<vmem>> -> memref<128xi32, #tpu.memory_space<vmem>>
        %dma_start3A_252 = arith.constant 0 : i32
        %dma_start3A_253 = arith.constant 0 : i32
        %dma_start3A_254 = tpu.memref_slice %arg2[%dma_start3A_252, %dma_start3A_253] : memref<10000x128xf32, #tpu.memory_space<hbm>> -> memref<10000x128xf32, #tpu.memory_space<hbm>>
        tpu.enqueue_indirect_dma source(%dma_start3A_254 : memref<10000x128xf32, #tpu.memory_space<hbm>>) target(%arg10 : memref<128x128xf32, #tpu.memory_space<vmem>>) offsets(%dma_start3A_251 : memref<128xi32, #tpu.memory_space<vmem>>) semaphore(%arg12 : memref<!tpu.dma_semaphore, #tpu.memory_space<semaphore_mem>>)
      } else {
      }
      %convert_element_type3A_229 = arith.extui %lt3A_74 : i1 to i32
      %cond3A_230 = arith.constant 0 : i32
      %cond3A_231 = arith.cmpi ne, %convert_element_type3A_229, %cond3A_230 : i32
      scf.if %cond3A_231 {
        %add3A_232 = arith.constant 2 : i32
        %add3A_233 = arith.addi %add3A_211, %add3A_232 : i32
        %dma_start3A_234 = arith.constant 0 : i32
        %dma_start3A_235 = arith.constant 0 : i32
        %dma_start3A_236 = tpu.memref_slice %arg3[%add3A, %add3A_233, %dma_start3A_234, %dma_start3A_235] : memref<32x80x2x128xi32, #tpu.memory_space<hbm>> -> memref<1x1x2x128xi32, #tpu.memory_space<hbm>>
        %dma_start3A_237 = tpu.memref_squeeze %dma_start3A_236 : memref<1x1x2x128xi32, #tpu.memory_space<hbm>> -> memref<2x128xi32, #tpu.memory_space<hbm>>
        %dma_start3A_238 = arith.constant 0 : i32
        %dma_start3A_239 = arith.constant 0 : i32
        %dma_start3A_240 = tpu.memref_slice %arg3[%add3A, %add3A_233, %dma_start3A_238, %dma_start3A_239] : memref<32x80x2x128xi32, #tpu.memory_space<hbm>> -> memref<1x1x2x128xi32, #tpu.memory_space<hbm>>
        %dma_start3A_241 = tpu.memref_squeeze %dma_start3A_240 : memref<1x1x2x128xi32, #tpu.memory_space<hbm>> -> memref<2x128xi32, #tpu.memory_space<hbm>>
        tpu.enqueue_dma source(%dma_start3A_241 : memref<2x128xi32, #tpu.memory_space<hbm>>) target(%arg7 : memref<2x128xi32, #tpu.memory_space<vmem>>) target_semaphore(%arg15 : memref<!tpu.dma_semaphore, #tpu.memory_space<semaphore_mem>>)
      } else {
      }
    }
    %scan3A_49 = arith.constant 20 : i32
    %dma_wait3A = arith.constant 1 : i32
    %dma_wait3A_50 = arith.constant 0 : i32
    %dma_wait3A_51 = tpu.memref_slice %arg8[%dma_wait3A, %dma_wait3A_50] : memref<2x128xi32, #tpu.memory_space<vmem>> -> memref<1x128xi32, #tpu.memory_space<vmem>>
    %dma_wait3A_52 = tpu.memref_squeeze %dma_wait3A_51 : memref<1x128xi32, #tpu.memory_space<vmem>> -> memref<128xi32, #tpu.memory_space<vmem>>
    %dma_wait3A_53 = arith.constant 0 : i32
    %dma_wait3A_54 = arith.constant 0 : i32
    %dma_wait3A_55 = tpu.memref_slice %arg5[%dma_wait3A_53, %dma_wait3A_54] : memref<10240x128xf32, #tpu.memory_space<vmem_shared>> -> memref<10240x128xf32, #tpu.memory_space<vmem_shared>>
    tpu.wait_indirect_dma semaphore(%arg20 : memref<!tpu.dma_semaphore, #tpu.memory_space<semaphore_mem>>) src(%arg10 : memref<128x128xf32, #tpu.memory_space<vmem>>) dst(%dma_wait3A_55 : memref<10240x128xf32, #tpu.memory_space<vmem_shared>>)
    %dma_wait3A_56 = arith.constant 1 : i32
    %dma_wait3A_57 = arith.constant 0 : i32
    %dma_wait3A_58 = tpu.memref_slice %arg9[%dma_wait3A_56, %dma_wait3A_57] : memref<2x128xi32, #tpu.memory_space<vmem>> -> memref<1x128xi32, #tpu.memory_space<vmem>>
    %dma_wait3A_59 = tpu.memref_squeeze %dma_wait3A_58 : memref<1x128xi32, #tpu.memory_space<vmem>> -> memref<128xi32, #tpu.memory_space<vmem>>
    %dma_wait3A_60 = arith.constant 0 : i32
    %dma_wait3A_61 = arith.constant 0 : i32
    %dma_wait3A_62 = tpu.memref_slice %arg5[%dma_wait3A_60, %dma_wait3A_61] : memref<10240x128xf32, #tpu.memory_space<vmem_shared>> -> memref<10240x128xf32, #tpu.memory_space<vmem_shared>>
    tpu.wait_indirect_dma semaphore(%arg21 : memref<!tpu.dma_semaphore, #tpu.memory_space<semaphore_mem>>) src(%arg11 : memref<128x128xf32, #tpu.memory_space<vmem>>) dst(%dma_wait3A_62 : memref<10240x128xf32, #tpu.memory_space<vmem_shared>>)
    %barrier3A_63 = arith.constant 0 : index
    tpu.barrier barrier_id(%barrier3A_63)
    %mul3A_64 = arith.constant 640 : i32
    %mul3A_65 = arith.muli %arg1, %mul3A_64 : i32
    %mul3A_66 = arith.constant 640 : i32
    %mul3A_67 = arith.muli %arg1, %mul3A_66 : i32
    "tpu.region"() ({
      %run_scoped3A_68 = tpu.sem_alloc : memref<!tpu.dma_semaphore, #tpu.memory_space<semaphore_mem>>
      %dma_start3A_69 = arith.constant 0 : i32
      %dma_start3A_70 = tpu.memref_slice %arg4[%arg0, %mul3A_67, %dma_start3A_69] : memref<2x10240x128xf32, #tpu.memory_space<hbm>> -> memref<1x640x128xf32, #tpu.memory_space<hbm>>
      %dma_start3A_71 = tpu.memref_squeeze %dma_start3A_70 : memref<1x640x128xf32, #tpu.memory_space<hbm>> -> memref<640x128xf32, #tpu.memory_space<hbm>>
      %dma_start3A_72 = arith.constant 0 : i32
      %dma_start3A_73 = tpu.memref_slice %arg5[%mul3A_65, %dma_start3A_72] : memref<10240x128xf32, #tpu.memory_space<vmem_shared>> -> memref<640x128xf32, #tpu.memory_space<vmem_shared>>
      tpu.enqueue_dma source(%dma_start3A_73 : memref<640x128xf32, #tpu.memory_space<vmem_shared>>) target(%dma_start3A_71 : memref<640x128xf32, #tpu.memory_space<hbm>>) target_semaphore(%run_scoped3A_68 : memref<!tpu.dma_semaphore, #tpu.memory_space<semaphore_mem>>)
      %dma_wait3A_74 = arith.constant 0 : i32
      %dma_wait3A_75 = tpu.memref_slice %arg4[%arg0, %mul3A_67, %dma_wait3A_74] : memref<2x10240x128xf32, #tpu.memory_space<hbm>> -> memref<1x640x128xf32, #tpu.memory_space<hbm>>
      %dma_wait3A_76 = tpu.memref_squeeze %dma_wait3A_75 : memref<1x640x128xf32, #tpu.memory_space<hbm>> -> memref<640x128xf32, #tpu.memory_space<hbm>>
      %dma_wait3A_77 = arith.constant 0 : i32
      %dma_wait3A_78 = tpu.memref_slice %arg5[%mul3A_65, %dma_wait3A_77] : memref<10240x128xf32, #tpu.memory_space<vmem_shared>> -> memref<640x128xf32, #tpu.memory_space<vmem_shared>>
      tpu.wait_dma2 semaphore(%run_scoped3A_68 : memref<!tpu.dma_semaphore, #tpu.memory_space<semaphore_mem>>) src(%dma_wait3A_78 : memref<640x128xf32, #tpu.memory_space<vmem_shared>>) dst(%dma_wait3A_76 : memref<640x128xf32, #tpu.memory_space<hbm>>)
      tpu.yield
    }) : () -> ()
    return
  }
}

module attributes {stable_mosaic.version = 14 : i64} {
  func.func @_dense_body(%arg0: i32, %arg1: memref<2000x128xf32, #tpu.memory_space<vmem>>, %arg2: memref<2x2000x128xf32, #tpu.memory_space<vmem>>, %arg3: memref<2000x1xf32, #tpu.memory_space<vmem>>, %arg4: memref<128x128xf32, #tpu.memory_space<vmem>>, %arg5: memref<128x128xf32, #tpu.memory_space<vmem>>, %arg6: memref<1x128xf32, #tpu.memory_space<vmem>>, %arg7: memref<2000x128xf32, #tpu.memory_space<vmem>>) attributes {dimension_semantics = [#tpu.dimension_semantics<arbitrary>], iteration_bounds = array<i64: 5>, scalar_prefetch = 0 : i64, scratch_operands = 0 : i64, tpu.core_type = #tpu.core_type<tc>, window_params = [{transform_indices = @transform_0, window_bounds = array<i64: 2000, 128>}, {transform_indices = @transform_1, window_bounds = array<i64: 2, 2000, 128>}, {transform_indices = @transform_2, window_bounds = array<i64: 2000, 1>}, {pipeline_mode = #tpu.pipeline_mode<synchronous>, transform_indices = @transform_3, window_bounds = array<i64: 128, 128>}, {pipeline_mode = #tpu.pipeline_mode<synchronous>, transform_indices = @transform_4, window_bounds = array<i64: 128, 128>}, {pipeline_mode = #tpu.pipeline_mode<synchronous>, transform_indices = @transform_5, window_bounds = array<i64: 1, 128>}, {transform_indices = @transform_6, window_bounds = array<i64: 2000, 128>}]} {
    %get3A = arith.constant 0 : index
    %get3A_0 = arith.constant 0 : index
    %get3A_1 = vector.load %arg3[%get3A, %get3A_0] : memref<2000x1xf32, #tpu.memory_space<vmem>>, vector<2000x1xf32>
    %max3A = arith.constant 1.000000e+00 : f32
    %max3A_2 = vector.broadcast %max3A : f32 to vector<2000x1xf32>
    %max3A_3 = arith.maximumf %get3A_1, %max3A_2 : vector<2000x1xf32>
    %get3A_4 = arith.constant 0 : index
    %get3A_5 = arith.constant 0 : index
    %get3A_6 = arith.constant 0 : index
    %get3A_7 = vector.load %arg2[%get3A_4, %get3A_5, %get3A_6] : memref<2x2000x128xf32, #tpu.memory_space<vmem>>, vector<1x2000x128xf32>
    %get3A_8 = vector.shape_cast %get3A_7 : vector<1x2000x128xf32> to vector<2000x128xf32>
    %get3A_9 = arith.constant 1 : index
    %get3A_10 = arith.constant 0 : index
    %get3A_11 = arith.constant 0 : index
    %get3A_12 = vector.load %arg2[%get3A_9, %get3A_10, %get3A_11] : memref<2x2000x128xf32, #tpu.memory_space<vmem>>, vector<1x2000x128xf32>
    %get3A_13 = vector.shape_cast %get3A_12 : vector<1x2000x128xf32> to vector<2000x128xf32>
    %add3A = arith.addf %get3A_8, %get3A_13 : vector<2000x128xf32>
    %div3A = vector.broadcast %max3A_3 : vector<2000x1xf32> to vector<2000x128xf32>
    %div3A_14 = arith.divf %add3A, %div3A : vector<2000x128xf32>
    %get3A_15 = arith.constant 0 : index
    %get3A_16 = arith.constant 0 : index
    %get3A_17 = vector.load %arg5[%get3A_15, %get3A_16] : memref<128x128xf32, #tpu.memory_space<vmem>>, vector<128x128xf32>
    %dot_general3A = arith.constant dense<0.000000e+00> : vector<2000x128xf32>
    %dot_general3A_18 = tpu.matmul %div3A_14, %get3A_17, %dot_general3A {dimension_numbers = #tpu.dot_dimension_numbers<[1], [0], [0], [1], [0, 0, 1, 1], [], []>, transpose_lhs_hint = false} : vector<2000x128xf32>, vector<128x128xf32>, vector<2000x128xf32> -> vector<2000x128xf32>
    %get3A_19 = arith.constant 0 : index
    %get3A_20 = arith.constant 0 : index
    %get3A_21 = vector.load %arg1[%get3A_19, %get3A_20] : memref<2000x128xf32, #tpu.memory_space<vmem>>, vector<2000x128xf32>
    %get3A_22 = arith.constant 0 : index
    %get3A_23 = arith.constant 0 : index
    %get3A_24 = vector.load %arg4[%get3A_22, %get3A_23] : memref<128x128xf32, #tpu.memory_space<vmem>>, vector<128x128xf32>
    %dot_general3A_25 = arith.constant dense<0.000000e+00> : vector<2000x128xf32>
    %dot_general3A_26 = tpu.matmul %get3A_21, %get3A_24, %dot_general3A_25 {dimension_numbers = #tpu.dot_dimension_numbers<[1], [0], [0], [1], [0, 0, 1, 1], [], []>, transpose_lhs_hint = false} : vector<2000x128xf32>, vector<128x128xf32>, vector<2000x128xf32> -> vector<2000x128xf32>
    %add3A_27 = arith.addf %dot_general3A_26, %dot_general3A_18 : vector<2000x128xf32>
    %get3A_28 = arith.constant 0 : index
    %get3A_29 = arith.constant 0 : index
    %get3A_30 = vector.load %arg6[%get3A_28, %get3A_29] : memref<1x128xf32, #tpu.memory_space<vmem>>, vector<1x128xf32>
    %add3A_31 = vector.broadcast %get3A_30 : vector<1x128xf32> to vector<2000x128xf32>
    %add3A_32 = arith.addf %add3A_27, %add3A_31 : vector<2000x128xf32>
    %max3A_33 = arith.constant 0.000000e+00 : f32
    %max3A_34 = vector.broadcast %max3A_33 : f32 to vector<2000x128xf32>
    %max3A_35 = arith.maximumf %add3A_32, %max3A_34 : vector<2000x128xf32>
    %mul3A = arith.mulf %max3A_35, %max3A_35 : vector<2000x128xf32>
    %reduce_sum3A = arith.constant dense<0.000000e+00> : vector<2000xf32>
    %reduce_sum3A_36 = vector.multi_reduction <add>, %mul3A, %reduce_sum3A [1] : vector<2000x128xf32> to vector<2000xf32>
    %broadcast_in_dim3A = vector.shape_cast %reduce_sum3A_36 : vector<2000xf32> to vector<2000x1xf32>
    %sqrt3A = math.sqrt %broadcast_in_dim3A : vector<2000x1xf32>
    %max3A_37 = arith.constant 9.99999996E-13 : f32
    %max3A_38 = vector.broadcast %max3A_37 : f32 to vector<2000x1xf32>
    %max3A_39 = arith.maximumf %sqrt3A, %max3A_38 : vector<2000x1xf32>
    %div3A_40 = vector.broadcast %max3A_39 : vector<2000x1xf32> to vector<2000x128xf32>
    %div3A_41 = arith.divf %max3A_35, %div3A_40 : vector<2000x128xf32>
    %swap3A = arith.constant 0 : index
    %swap3A_42 = arith.constant 0 : index
    %swap3A_43 = vector.load %arg7[%swap3A, %swap3A_42] : memref<2000x128xf32, #tpu.memory_space<vmem>>, vector<2000x128xf32>
    tpu.vector_store %arg7[%swap3A, %swap3A_42], %div3A_41 {strides = array<i32>} : memref<2000x128xf32, #tpu.memory_space<vmem>>, vector<2000x128xf32>,
    return
  }
  func.func @transform_0(%arg0: i32) -> (i32, i32) {
    %c0_i32 = arith.constant 0 : i32
    %c0_i32_0 = arith.constant 0 : i32
    return %arg0, %c0_i32 : i32, i32
  }
  func.func @transform_1(%arg0: i32) -> (i32, i32, i32) {
    %c0_i32 = arith.constant 0 : i32
    %c0_i32_0 = arith.constant 0 : i32
    %c0_i32_1 = arith.constant 0 : i32
    return %c0_i32, %arg0, %c0_i32_0 : i32, i32, i32
  }
  func.func @transform_2(%arg0: i32) -> (i32, i32) {
    %c0_i32 = arith.constant 0 : i32
    %c0_i32_0 = arith.constant 0 : i32
    return %arg0, %c0_i32 : i32, i32
  }
  func.func @transform_3(%arg0: i32) -> (i32, i32) {
    %c0_i32 = arith.constant 0 : i32
    %c0_i32_0 = arith.constant 0 : i32
    %c0_i32_1 = arith.constant 0 : i32
    return %c0_i32, %c0_i32_0 : i32, i32
  }
  func.func @transform_4(%arg0: i32) -> (i32, i32) {
    %c0_i32 = arith.constant 0 : i32
    %c0_i32_0 = arith.constant 0 : i32
    %c0_i32_1 = arith.constant 0 : i32
    return %c0_i32, %c0_i32_0 : i32, i32
  }
  func.func @transform_5(%arg0: i32) -> (i32, i32) {
    %c0_i32 = arith.constant 0 : i32
    %c0_i32_0 = arith.constant 0 : i32
    %c0_i32_1 = arith.constant 0 : i32
    return %c0_i32, %c0_i32_0 : i32, i32
  }
  func.func @transform_6(%arg0: i32) -> (i32, i32) {
    %c0_i32 = arith.constant 0 : i32
    %c0_i32_0 = arith.constant 0 : i32
    return %arg0, %c0_i32 : i32, i32
  }
}

module attributes {stable_mosaic.version = 14 : i64} {
  func.func @_dense_body(%arg0: i32, %arg1: memref<2000x128xf32, #tpu.memory_space<vmem>>, %arg2: memref<2x2000x128xf32, #tpu.memory_space<vmem>>, %arg3: memref<2000x1xf32, #tpu.memory_space<vmem>>, %arg4: memref<128x128xf32, #tpu.memory_space<vmem>>, %arg5: memref<128x128xf32, #tpu.memory_space<vmem>>, %arg6: memref<1x128xf32, #tpu.memory_space<vmem>>, %arg7: memref<2000x128xf32, #tpu.memory_space<vmem>>) attributes {dimension_semantics = [#tpu.dimension_semantics<arbitrary>], iteration_bounds = array<i64: 5>, scalar_prefetch = 0 : i64, scratch_operands = 0 : i64, tpu.core_type = #tpu.core_type<tc>, window_params = [{transform_indices = @transform_0, window_bounds = array<i64: 2000, 128>}, {transform_indices = @transform_1, window_bounds = array<i64: 2, 2000, 128>}, {transform_indices = @transform_2, window_bounds = array<i64: 2000, 1>}, {pipeline_mode = #tpu.pipeline_mode<synchronous>, transform_indices = @transform_3, window_bounds = array<i64: 128, 128>}, {pipeline_mode = #tpu.pipeline_mode<synchronous>, transform_indices = @transform_4, window_bounds = array<i64: 128, 128>}, {pipeline_mode = #tpu.pipeline_mode<synchronous>, transform_indices = @transform_5, window_bounds = array<i64: 1, 128>}, {transform_indices = @transform_6, window_bounds = array<i64: 2000, 128>}]} {
    %get3A = arith.constant 0 : index
    %get3A_0 = arith.constant 0 : index
    %get3A_1 = vector.load %arg3[%get3A, %get3A_0] : memref<2000x1xf32, #tpu.memory_space<vmem>>, vector<2000x1xf32>
    %max3A = arith.constant 1.000000e+00 : f32
    %max3A_2 = vector.broadcast %max3A : f32 to vector<2000x1xf32>
    %max3A_3 = arith.maximumf %get3A_1, %max3A_2 : vector<2000x1xf32>
    %get3A_4 = arith.constant 0 : index
    %get3A_5 = arith.constant 0 : index
    %get3A_6 = arith.constant 0 : index
    %get3A_7 = vector.load %arg2[%get3A_4, %get3A_5, %get3A_6] : memref<2x2000x128xf32, #tpu.memory_space<vmem>>, vector<1x2000x128xf32>
    %get3A_8 = vector.shape_cast %get3A_7 : vector<1x2000x128xf32> to vector<2000x128xf32>
    %get3A_9 = arith.constant 1 : index
    %get3A_10 = arith.constant 0 : index
    %get3A_11 = arith.constant 0 : index
    %get3A_12 = vector.load %arg2[%get3A_9, %get3A_10, %get3A_11] : memref<2x2000x128xf32, #tpu.memory_space<vmem>>, vector<1x2000x128xf32>
    %get3A_13 = vector.shape_cast %get3A_12 : vector<1x2000x128xf32> to vector<2000x128xf32>
    %add3A = arith.addf %get3A_8, %get3A_13 : vector<2000x128xf32>
    %div3A = vector.broadcast %max3A_3 : vector<2000x1xf32> to vector<2000x128xf32>
    %div3A_14 = arith.divf %add3A, %div3A : vector<2000x128xf32>
    %get3A_15 = arith.constant 0 : index
    %get3A_16 = arith.constant 0 : index
    %get3A_17 = vector.load %arg5[%get3A_15, %get3A_16] : memref<128x128xf32, #tpu.memory_space<vmem>>, vector<128x128xf32>
    %dot_general3A = arith.constant dense<0.000000e+00> : vector<2000x128xf32>
    %dot_general3A_18 = tpu.matmul %div3A_14, %get3A_17, %dot_general3A {dimension_numbers = #tpu.dot_dimension_numbers<[1], [0], [0], [1], [0, 0, 1, 1], [], []>, transpose_lhs_hint = false} : vector<2000x128xf32>, vector<128x128xf32>, vector<2000x128xf32> -> vector<2000x128xf32>
    %get3A_19 = arith.constant 0 : index
    %get3A_20 = arith.constant 0 : index
    %get3A_21 = vector.load %arg1[%get3A_19, %get3A_20] : memref<2000x128xf32, #tpu.memory_space<vmem>>, vector<2000x128xf32>
    %get3A_22 = arith.constant 0 : index
    %get3A_23 = arith.constant 0 : index
    %get3A_24 = vector.load %arg4[%get3A_22, %get3A_23] : memref<128x128xf32, #tpu.memory_space<vmem>>, vector<128x128xf32>
    %dot_general3A_25 = arith.constant dense<0.000000e+00> : vector<2000x128xf32>
    %dot_general3A_26 = tpu.matmul %get3A_21, %get3A_24, %dot_general3A_25 {dimension_numbers = #tpu.dot_dimension_numbers<[1], [0], [0], [1], [0, 0, 1, 1], [], []>, transpose_lhs_hint = false} : vector<2000x128xf32>, vector<128x128xf32>, vector<2000x128xf32> -> vector<2000x128xf32>
    %add3A_27 = arith.addf %dot_general3A_26, %dot_general3A_18 : vector<2000x128xf32>
    %get3A_28 = arith.constant 0 : index
    %get3A_29 = arith.constant 0 : index
    %get3A_30 = vector.load %arg6[%get3A_28, %get3A_29] : memref<1x128xf32, #tpu.memory_space<vmem>>, vector<1x128xf32>
    %add3A_31 = vector.broadcast %get3A_30 : vector<1x128xf32> to vector<2000x128xf32>
    %add3A_32 = arith.addf %add3A_27, %add3A_31 : vector<2000x128xf32>
    %max3A_33 = arith.constant 0.000000e+00 : f32
    %max3A_34 = vector.broadcast %max3A_33 : f32 to vector<2000x128xf32>
    %max3A_35 = arith.maximumf %add3A_32, %max3A_34 : vector<2000x128xf32>
    %mul3A = arith.mulf %max3A_35, %max3A_35 : vector<2000x128xf32>
    %reduce_sum3A = arith.constant dense<0.000000e+00> : vector<2000xf32>
    %reduce_sum3A_36 = vector.multi_reduction <add>, %mul3A, %reduce_sum3A [1] : vector<2000x128xf32> to vector<2000xf32>
    %broadcast_in_dim3A = vector.shape_cast %reduce_sum3A_36 : vector<2000xf32> to vector<2000x1xf32>
    %sqrt3A = math.sqrt %broadcast_in_dim3A : vector<2000x1xf32>
    %max3A_37 = arith.constant 9.99999996E-13 : f32
    %max3A_38 = vector.broadcast %max3A_37 : f32 to vector<2000x1xf32>
    %max3A_39 = arith.maximumf %sqrt3A, %max3A_38 : vector<2000x1xf32>
    %div3A_40 = vector.broadcast %max3A_39 : vector<2000x1xf32> to vector<2000x128xf32>
    %div3A_41 = arith.divf %max3A_35, %div3A_40 : vector<2000x128xf32>
    %swap3A = arith.constant 0 : index
    %swap3A_42 = arith.constant 0 : index
    %swap3A_43 = vector.load %arg7[%swap3A, %swap3A_42] : memref<2000x128xf32, #tpu.memory_space<vmem>>, vector<2000x128xf32>
    tpu.vector_store %arg7[%swap3A, %swap3A_42], %div3A_41 {strides = array<i32>} : memref<2000x128xf32, #tpu.memory_space<vmem>>, vector<2000x128xf32>,
    return
  }
  func.func @transform_0(%arg0: i32) -> (i32, i32) {
    %c0_i32 = arith.constant 0 : i32
    %c0_i32_0 = arith.constant 0 : i32
    return %arg0, %c0_i32 : i32, i32
  }
  func.func @transform_1(%arg0: i32) -> (i32, i32, i32) {
    %c0_i32 = arith.constant 0 : i32
    %c0_i32_0 = arith.constant 0 : i32
    %c0_i32_1 = arith.constant 0 : i32
    return %c0_i32, %arg0, %c0_i32_0 : i32, i32, i32
  }
  func.func @transform_2(%arg0: i32) -> (i32, i32) {
    %c0_i32 = arith.constant 0 : i32
    %c0_i32_0 = arith.constant 0 : i32
    return %arg0, %c0_i32 : i32, i32
  }
  func.func @transform_3(%arg0: i32) -> (i32, i32) {
    %c0_i32 = arith.constant 0 : i32
    %c0_i32_0 = arith.constant 0 : i32
    %c0_i32_1 = arith.constant 0 : i32
    return %c0_i32, %c0_i32_0 : i32, i32
  }
  func.func @transform_4(%arg0: i32) -> (i32, i32) {
    %c0_i32 = arith.constant 0 : i32
    %c0_i32_0 = arith.constant 0 : i32
    %c0_i32_1 = arith.constant 0 : i32
    return %c0_i32, %c0_i32_0 : i32, i32
  }
  func.func @transform_5(%arg0: i32) -> (i32, i32) {
    %c0_i32 = arith.constant 0 : i32
    %c0_i32_0 = arith.constant 0 : i32
    %c0_i32_1 = arith.constant 0 : i32
    return %c0_i32, %c0_i32_0 : i32, i32
  }
  func.func @transform_6(%arg0: i32) -> (i32, i32) {
    %c0_i32 = arith.constant 0 : i32
    %c0_i32_0 = arith.constant 0 : i32
    return %arg0, %c0_i32 : i32, i32
  }
}

</mosaic_0001>

<sc_bundles>
// kernel: kernel.11.cloned.1.call-start
scs
__scs_entry_jumppad:
0x0: {  	(pc) =	sbr.rel $0x88, $3  }
0x1: {  	(tag) =	ssettag $0x0;
	lr =	simm.s32 $0x1  }
0x2: {  	[smem:$0x3F9C] =	sst lr;
	_ =	strace $0xD0000000  }
0x3: {  	_ = 	snop  }
0x4: {  	_ = 	snop  }
0x5: {  	_ = 	snop  }
0x6: {  	_ = 	snop  }
0x7: {  	_ = 	snop  }
__scs_overlays_trampoline_lowered:
0x8: {  	[smem:$0x3FAB] =	sst s0  }
0x9: {  	[smem:$0x3FAC] =	sst s1  }
0xa: {  	[smem:$0x3FAD] =	sst s2  }
0xb: {  	[smem:$0x3FAE] =	sst s3  }
0xc: {  	[smem:$0x3FAF] =	sst s4  }
0xd: {  	[smem:$0x3FB0] =	sst s5  }
0xe: {  	[smem:$0x3FB1] =	sst s6  }
0xf: {  	[smem:$0x3FB2] =	sst s7  }
0x10: {  	[smem:$0x3FB3] =	sst s8  }
0x11: {  	[smem:$0x3FB4] =	sst s9;
	s0 =	simm.s32 @!p0 $0x0  }
0x12: {  	s1 =	sld [smem:$0x3F9A];
	s0 =	simm.s32 @p0 $0x1  }
0x13: {  	[smem:$0x3FB5] =	sst s0;
	s0 =	simm.s32 @!p1 $0x0  }
0x14: {  	s2 =	sld [smem:$0x3F99];
	s0 =	simm.s32 @p1 $0x1  }
0x15: {  	[smem:$0x3FB6] =	sst s0;
	s0 =	simm.s32 @!p2 $0x0  }
0x16: {  	s3 =	sld [smem:$0x3FDB];
	s0 =	simm.s32 @p2 $0x1  }
0x17: {  	s4 =	simm.s32 $0x1BF5;
	[smem:$0x3FB8] =	sst s0  }
0x18: {  	s0 =	sld [smem:$0x3F9B];
	_ =	swait.ge [sflag:s4], $0x0  }
0x19: {  	s7 =	sld [smem:$0x3F9C]  }
0x1a: {  	s8 =	sadd.s32 $0xFFFFE003, lr  }
0x1b: {  	s9 =	sadd.s32 $0xFFFFFEF7, lr;
	s5 =	simm.s32 $0xFFFFFFFF;
	p2 =	slt.u32 s8, $0xFFFFF086  }
0x1c: {  	p1 =	slt.u32 s9, $0xF7A;
	s5 =	simm.s32 @!p2 $0x0  }
0x1d: {  	s5 =	simm.s32 @p1 $0x1;
	p0 =	seq.s32 s7, s2  }
0x1e: {  	s7 =	smul.u32 @!p0 $0xF7A, s2;
	p2 =	seq.s32 @!p0 s5, $0x0  }
0x1f: {  	s9 =	smul.u32 $0xF7A, s1;
	s8 =	simm.s32 @!p0 $0x1BF5;
	p2 =	por !p2, p0  }
0x20: {  	[sflag:s8] =	ssyncset.s32 @!p0 $0xFFFFF086;
	s6 =	sadd.s32 @!p0 s3, s7;
	s7 =	simm.s32 @!p0 $0x108  }
0x21: {  	s3 =	sadd.s32 s3, s9;
	s6 =	sadd.s32 @!p0 $0x88, s6;
	s7 =	simm.s32 @p2 $0x1082  }
0x22: {  	[simem:s7], [sflag:s8] =	dma.local @!p0 [hbm:s6], $0xF7A  }
0x23: {  	s9 =	sor.u32 $0xD0000000, s2;
	s6 =	simm.s32 $0x108;
	_ =	swait.ge @!p0 [sflag:s8], $0x0  }
0x24: {  	s3 =	sadd.s32 $0x88, s3;
	s6 =	simm.s32 @!p1 $0x1082;
	[sflag:s4] =	ssyncset.s32 $0xFFFFF086  }
0x25: {  	[simem:s6], [sflag:s4] =	dma.local [hbm:s3], $0xF7A  }
0x26: {  	[smem:$0x3F9C] =	sst s1;
	(tag) =	ssettag s2;
	_ =	strace s9  }
0x27: {  	s1 =	sld [smem:$0x3FAC]  }
0x28: {  	s2 =	sld [smem:$0x3FAD]  }
0x29: {  	s4 =	sld [smem:$0x3FAF]  }
0x2a: {  	p0 =	seq.s32 s5, $0x0;
	s5 =	sld [smem:$0x3FB0]  }
0x2b: {  	s6 =	sld [smem:$0x3FB1]  }
0x2c: {  	s7 =	sld [smem:$0x3FB2]  }
0x2d: {  	s3 =	simm.s32 $0x108;
	s8 =	sld [smem:$0x3FB3]  }
0x2e: {  	s3 =	simm.s32 @!p0 $0x1082;
	s9 =	sld [smem:$0x3FB4]  }
0x2f: {  	lr =	sadd.s32 s0, s3;
	s0 =	sld [smem:$0x3FAB]  }
0x30: {  	s3 =	sld [smem:$0x3FAE]  }
0x31: {  	[smem:$0x3FB7] =	sst s10  }
0x32: {  	s10 =	sld [smem:$0x3FB5];
	_ =	sdelay $0x3  }
0x33: {  	p0 =	seq.s32 s10, $0x1;
	s10 =	sld [smem:$0x3FB7];
	_ =	sdelay $0x3  }
0x34: {  	[smem:$0x3FB7] =	sst s10  }
0x35: {  	s10 =	sld [smem:$0x3FB6];
	_ =	sdelay $0x3  }
0x36: {  	p1 =	seq.s32 s10, $0x1;
	s10 =	sld [smem:$0x3FB7];
	_ =	sdelay $0x3  }
0x37: {  	[smem:$0x3FB7] =	sst s10  }
0x38: {  	s10 =	sld [smem:$0x3FB8]  }
0x39: {  	_ = 	snop;
	(pc) =	sbr.ind lr, $3  }
0x3a: {  	_ = 	snop  }
0x3b: {  	_ = 	snop  }
0x3c: {  	p2 =	seq.s32 s10, $0x1;
	s10 =	sld [smem:$0x3FB7]  }
0x3d: {  	_ =	shalt  }
0x3e: {  	_ =	shalt  }
0x3f: {  	_ =	shalt  }
0x40: {  	_ =	shalt  }
0x41: {  	_ =	shalt  }
0x42: {  	_ =	shalt  }
0x43: {  	_ =	shalt  }
0x44: {  	_ =	shalt  }
0x45: {  	_ =	shalt  }
0x46: {  	_ =	shalt  }
0x47: {  	_ =	shalt  }
0x48: {  	_ =	shalt  }
0x49: {  	_ =	shalt  }
0x4a: {  	_ =	shalt  }
0x4b: {  	_ =	shalt  }
0x4c: {  	_ =	shalt  }
0x4d: {  	_ =	shalt  }
0x4e: {  	_ =	shalt  }
0x4f: {  	_ =	shalt  }
0x50: {  	_ =	shalt  }
0x51: {  	_ =	shalt  }
0x52: {  	_ =	shalt  }
0x53: {  	_ =	shalt  }
0x54: {  	_ =	shalt  }
0x55: {  	_ =	shalt  }
0x56: {  	_ =	shalt  }
0x57: {  	_ =	shalt  }
0x58: {  	_ =	shalt  }
0x59: {  	_ =	shalt  }
0x5a: {  	_ =	shalt  }
0x5b: {  	_ =	shalt  }
0x5c: {  	_ =	shalt  }
0x5d: {  	_ =	shalt  }
0x5e: {  	_ =	shalt  }
0x5f: {  	_ =	shalt  }
0x60: {  	_ =	shalt  }
0x61: {  	_ =	shalt  }
0x62: {  	_ =	shalt  }
0x63: {  	_ =	shalt  }
0x64: {  	_ =	shalt  }
0x65: {  	_ =	shalt  }
0x66: {  	_ =	shalt  }
0x67: {  	_ =	shalt  }
0x68: {  	_ =	shalt  }
0x69: {  	_ =	shalt  }
0x6a: {  	_ =	shalt  }
0x6b: {  	_ =	shalt  }
0x6c: {  	_ =	shalt  }
0x6d: {  	_ =	shalt  }
0x6e: {  	_ =	shalt  }
0x6f: {  	_ =	shalt  }
0x70: {  	_ =	shalt  }
0x71: {  	_ =	shalt  }
0x72: {  	_ =	shalt  }
0x73: {  	_ =	shalt  }
0x74: {  	_ =	shalt  }
0x75: {  	_ =	shalt  }
0x76: {  	_ =	shalt  }
0x77: {  	_ =	shalt  }
0x78: {  	_ =	shalt  }
0x79: {  	_ =	shalt  }
0x7a: {  	_ =	shalt  }
0x7b: {  	_ =	shalt  }
0x7c: {  	_ =	shalt  }
0x7d: {  	_ =	shalt  }
0x7e: {  	_ =	shalt  }
0x7f: {  	_ =	shalt  }
0x80: {  	_ =	shalt  }
0x81: {  	_ =	shalt  }
0x82: {  	_ =	shalt  }
0x83: {  	_ =	shalt  }
0x84: {  	_ =	shalt  }
0x85: {  	_ =	shalt  }
0x86: {  	_ =	shalt  }
0x87: {  	_ =	shalt  }
.Lfunc_end0:
.L_simem_size_0:
called_computation.1_lowered:
.L_overlay_start_0:
0x88: {  	s2 =	sld [smem:$0x3FD9]  }
0x89: {  	s3 =	sld [smem:$0x3FFE];
	_ =	sdelay $0x1  }
0x8a: {  	s1 =	srdreg.scid  }
0x8b: {  	s0 =	sand.u32 $0x1, s1  }
0x8c: {  	s17 =	sshll.u32 s0, $0xA;
	s2 =	sadd.s32 s3, s2  }
0x8d: {  	s2 =	sadd.s32 s2, s17  }
0x8e: {  	[smem:$0x3FC3] =	sst s2  }
0x8f: {  	_ = 	snop  }
0x90: {  	s2 =	sld [smem:$0x3FD0];
	(tm) =	ssettm $0x1  }
0x91: {  	s18 =	sld [smem:$0x3FFB];
	_ =	sdelay $0x3  }
0x92: {  	_ =	strace s18  }
0x93: {  	s3 =	sld [smem:$0x3FFC];
	_ =	sdelay $0x3  }
0x94: {  	_ =	strace s3  }
0x95: {  	s3 =	sld [smem:$0x3FFD];
	_ =	sdelay $0x3  }
0x96: {  	_ =	strace s3  }
0x97: {  	_ =	strace $0x8FFFFFFF  }
0x98: {  	s19 =	sld [smem:$0x3FDB];
	_ =	sdelay $0x1  }
0x99: {  	s4 =	simm.s32 $_scs_section_size  }
0x9a: {  	s5 =	simm.s32 $_size__tile_overlayer_lowered;
	s6 =	simm.s32 $_tile_overlayer_lowered  }
0x9b: {  	s22 =	simm.s32 $0x1BFF;
	s21 =	sshll.u32 s6, $0x1;
	s3 =	sadd.s32 s4, s19  }
0x9c: {  	s7 =	simm.s32 $0x0;
	s20 =	sshll.u32 s5, $0x1;
	s5 =	sadd.s32 s21, s3  }
0x9d: {  	[timem:s7], [sflag:s22] =	dma.local [hbm:s5], s20  }
0x9e: {  	_ =	swait.ge [sflag:s22], s20  }
0x9f: {  	s4 =	ssub.s32 $0x0, s20;
	[sflag:s22] =	ssyncset.done $0x0  }
0xa0: {  	[sflag:s22] =	ssyncadd.s32 s4;
	_ =	sdelay $0x1  }
0xa1: {  	s23 =	simm.s32 $0x1B8B  }
0xa2: {  	_ =	swait.ge [sflag:s23], $0x1  }
0xa3: {  	[sflag:s23] =	ssyncset.done $0x0  }
0xa4: {  	s25 =	simm.s32 $0x1B8E;
	s24 =	sld [smem:$0x3FFE];
	[sflag:s23] =	ssyncadd.s32 $0xFFFFFFFF  }
0xa5: {  	s26 =	simm.s32 $execute0_lowered;
	[smem:$0x3FD2] =	sst s25  }
0xa6: {  	s5 =	sshll.u32 s26, $0x1;
	_ =	strace $0x80000049;
	[dreg:$0x1] =	wrdreg $0xFFFFFFFF  }
0xa7: {  	s28 =	simm.s32 $_size_execute0_lowered;
	s3 =	sadd.s32 s3, s5;
	[dreg:$0x0] =	wrdreg $0x0  }
0xa8: {  	s5 =	sshll.u32 s28, $0x1;
	[dreg:$0x2] =	wrdreg s3  }
0xa9: {  	[dreg:$0x3] =	wrdreg s5  }
0xaa: {  	[dreg:$0x4] =	wrdreg $0xC0  }
0xab: {  	_ =	task [dreg:s7], $0x5FFFF  }
0xac: {  	[dreg:$0x1] =	wrdreg $0xFFFFFFFF  }
0xad: {  	[dreg:$0x0] =	wrdreg $0x60  }
0xae: {  	[dreg:$0x2] =	wrdreg s2  }
0xaf: {  	[dreg:$0x3] =	wrdreg s24  }
0xb0: {  	[dreg:$0x4] =	wrdreg $0x0  }
0xb1: {  	[dreg:$0x5] =	wrdreg $0x9  }
0xb2: {  	_ =	task.clear_ibuf [dreg:s7], $0x6FFFF;
	_ =	strace $0x90000049  }
0xb3: {  	s29 =	simm.s32 $0x9;
	_ =	strace $0x8000004B  }
0xb4: {  	_ =	swait.ge [sflag:s29], $0x1  }
0xb5: {  	[sflag:s29] =	ssyncadd.s32 $0xFFFFFFFF  }
0xb6: {  	_ =	strace $0x9000004B  }
0xb7: {  	_ =	sfence  }
0xb8: {  	s30 =	sld [smem:$0x0];
	_ =	sdelay $0x2  }
0xb9: {  	s31 =	sshll.u32 s1, $0xD;
	s1 =	sshrl.u32 s1, $0x2  }
0xba: {  	s3 =	sand.u32 $0x4000, s31;
	s1 =	sadd.s32 s1, s30  }
0xbb: {  	s0 =	sor.u32 s3, s0;
	s1 =	sshll.u32 s1, $0x11  }
0xbc: {  	s0 =	sor.u32 s1, s0  }
0xbd: {  	s0 =	sadd.s32 $0x8F2B, s0  }
0xbe: {  	[sflag:s0] =	ssyncadd.remote.s32 $0x1  }
0xbf: {  	_ =	sfence.sel $0xFFFF  }
0xc0: {  	[dreg:$0x0] =	wrdreg $0xFFFFFFFF;
	(pc) =	sbr.abs _section_cstart, $3  }
0xc1: {  	[dreg:$0x1] =	wrdreg $0xFFFFFFFF  }
0xc2: {  	_ =	task.clear_ibuf [dreg:s7], $0x2FFFF;
	_ =	strace $0x9FFFFFFF  }
0xc3: {  	(tm) =	ssettm $0x7FFFFFFF  }
tec
execute0_lowered:
.L_overlay_start_1:
0x0: {  	(tag) =	ssettag $0x1  }
0x1: {  	s0 =	rddreg [dreg:$0x0]  }
0x2: {  	s1 =	rddreg [dreg:$0x1];
	s2 =	srdreg.scid  }
0x3: {  	s3 =	rddreg [dreg:$0x2];
	s10 =	stileid.u32  }
0x4: {  	s4 =	simm.s32 $0x0;
	s28 =	simm.s32 $0x14200;
	s6 =	smul.u32 $0x14000, s10  }
0x5: {  	s29 =	simm.s32 $0x2;
	s30 =	simm.s32 $0x14180;
	s8 =	smul.u32 $0x50000, s10  }
0x6: {  	s31 =	simm.s32 $0x7;
	s2 =	sand.u32 $0x1, s2;
	s16 =	smul.u32 $0x5000, s10  }
0x7: {  	[smem:$0x7FF] =	sst s4;
	s13 =	sadd.s32 $0x2600, s1;
	s5 =	smul.u32 $0x140000, s2  }
0x8: {  	s7 =	sshll.u32 s2, $0x4;
	_ =	strace $0x8000004A;
	s14 =	ssub.s32 $0x2, s2  }
0x9: {  	s2 =	smul.u32 $0x50000, s2;
	s12 =	sor.u32 s10, s7;
	s9 =	sshrl.u32 s14, $0x1  }
0xa: {  	s15 =	sshrl.u32 s8, $0x2;
	s8 =	simm.s32 $0x8;
	s10 =	simm.s32 $0x9  }
0xb: {  	s5 =	sadd.s32 s6, s5;
	s6 =	smul.u32 $0x5000, s12;
	s2 =	sadd.s32 s16, s2  }
0xc: {  	s12 =	simm.s32 $0x3;
	s5 =	sshrl.u32 s5, $0x3;
	s21 =	sor.u32 $0x500, s2  }
0xd: {  	s24 =	sor.u32 $0x400, s2;
	s25 =	sor.u32 $0x300, s2;
	s2 =	sor.u32 $0x200, s2  }
0xe: {  	s1 =	sadd.s32 s5, s1;
	s6 =	sshrl.u32 s6, $0x3;
	s5 =	ssub.s32 s14, s9  }
0xf: {  	s23 =	sshrl.u32 s21, $0x3;
	s26 =	sshrl.u32 s2, $0x3;
	s21 =	simm.s32 $0x14400  }
0x10: {  	s2 =	simm.s32 $0x14300;
	s9 =	simm.s32 $0x14380;
	s11 =	sadd.s32 s13, s6  }
0x11: {  	s6 =	sadd.s32 s15, s3;
	s1 =	sadd.s32 $0x16600, s1;
	s22 =	smax.u32 s5, $0x1  }
0x12: {  	s14 =	sadd.s32 s23, s13;
	s5 =	sshrl.u32 s25, $0x3;
	[dreg:$0x4] =	wrdreg s11  }
0x13: {  	s23 =	simm.s32 $0x18400;
	s25 =	simm.s32 $0x14080;
	[dreg:$0x6] =	wrdreg s6  }
0x14: {  	s17 =	sadd.s32 $0x20, s11;
	s18 =	sadd.s32 $0x4000, s6;
	[dreg:$0xb] =	wrdreg s1  }
0x15: {  	s19 =	sadd.s32 $0x8000, s6;
	s20 =	sadd.s32 $0xC000, s6;
	[dreg:$0xc] =	wrdreg s22  }
0x16: {  	s6 =	sadd.s32 $0x10000, s6;
	s1 =	sshrl.u32 s24, $0x3;
	[dreg:$0x5] =	wrdreg s17  }
0x17: {  	s16 =	sadd.s32 s5, s13;
	s22 =	simm.s32 $0x14100;
	[dreg:$0x7] =	wrdreg s18  }
.Ltmp0:
0x18: {  	s24 =	simm.s32 $0x1;
	[dreg:$0x8] =	wrdreg s19;
	(pc) =	sbr.rel .LBB2_1-.Ltmp0, $4  }
0x19: {  	s5 =	simm.s32 $0x6;
	s11 =	simm.s32 $0x0;
	[dreg:$0x9] =	wrdreg s20  }
0x1a: {  	[dreg:$0xa] =	wrdreg s6;
	s15 =	sadd.s32 s1, s13;
	s17 =	sadd.s32 s26, s13  }
0x1b: {  	s18 =	simm.s32 $0x14000;
	s19 =	simm.s32 $0xB;
	s20 =	simm.s32 $0x80  }
0x1c: {  	v0 =	vimm.f32 $0.0e+00;
	s26 =	simm.s32 $0x4;
	s1 =	simm.s32 $0x5;
	s6 =	simm.s32 $0x14280  }
.LBB2_6:
0x1d: {  	_ =	swait.ge [sflag:s29], $0x4000  }
0x1e: {  	[sflag:s29] =	ssyncset.done $0x0  }
0x1f: {  	[sflag:s29] =	ssyncadd.s32 $0xFFFFC000  }
0x20: {  	[spmem:s3] =	stream.indirect.scatter.add.f32 [tilespmem:s23], [sflag:$0xA], $0x80, s9, s20, $0xb8;
	[tilespmem:$0x1C400] =	vst v63  }
0x21: {  	_ =	swait.ge [sflag:s10], $0x4000  }
0x22: {  	[sflag:s10] =	ssyncset.done $0x0  }
0x23: {  	s7 =	simm.s32 $0xA;
	[sflag:s10] =	ssyncadd.s32 $0xFFFFC000  }
0x24: {  	_ =	swait.ge [sflag:s7], $0x4000  }
0x25: {  	[sflag:s7] =	ssyncset.done $0x0  }
0x26: {  	[sflag:s7] =	ssyncadd.s32 $0xFFFFC000  }
0x27: {  	s13 =	stileid.u32;
	[bflag:$0x0] =	sbarrier.arrive $0xFFFF  }
0x28: {  	s7 =	sshll.u32 s13, $0x6;
	s11 =	rddreg [dreg:$0x6]  }
0x29: {  	s7 =	sor.u32 $0x1C0B, s7;
	s13 =	rddreg [dreg:$0xb];
	s11 =	sshrl.u32 s11, $0x3  }
0x2a: {  	[hbm:s13], [sflag:s7] =	dma.local [spmem:s11], $0x2800  }
0x2b: {  	_ =	swait.ge [sflag:s19], $0x2800  }
0x2c: {  	s7 =	rddreg [dreg:$0xd]  }
0x2d: {  	s13 =	rddreg [dreg:$0xc];
	s11 =	sadd.s32 $0x1, s7  }
0x2e: {  	p0 =	sne.s32 s11, s13  }
.Ltmp1:
0x2f: {  	_ = 	snop;
	(pc) =	sbr.rel @!p0 .LBB2_7-.Ltmp1, $3  }
0x30: {  	_ =	sdelay $0x1  }
0x31: {  	[sflag:s19] =	ssyncset.done $0x0  }
0x32: {  	[sflag:s19] =	ssyncadd.s32 $0xFFFFD800  }
.LBB2_1:
0x33: {  	[dreg:$0xd] =	wrdreg s11  }
0x34: {  	s7 =	rddreg [dreg:$0x4]  }
0x35: {  	[tilespmem:s18], [sflag:$0xB] =	stream.linear.gather [hbm4b:s7+s4], $0x100, $0x38;
	[tilespmem:$0x1C400] =	vst v63  }
0x36: {  	_ =	swait.ge [sflag:s19], $0x100  }
0x37: {  	[sflag:s19] =	ssyncset.done $0x0  }
0x38: {  	[sflag:s19] =	ssyncadd.s32 $0xFFFFFF00  }
0x39: {  	[tilespmem:s21], [sflag:$0x1] =	stream.indirect.gather [hbm4b:s0+s20], $0x80, s18, s20, $0xb8;
	[tilespmem:$0x1C400] =	vst v63  }
0x3a: {  	s11 =	simm.s32 $0x0;
	s7 =	simm.s32 $0x200;
	s13 =	rddreg [dreg:$0x5]  }
0x3b: {  	[tilespmem:s22], [sflag:$0x4] =	stream.linear.gather [hbm4b:s13+s4], $0x100, $0x38;
	[tilespmem:$0x1C400] =	vst v63  }
.LBB2_2:
0x3c: {  	p0 =	sne.s32 s7, $0xFE00;
	[tilespmem:s11+$0x18470] =	vst v0  }
0x3d: {  	[tilespmem:s11+$0x18400] =	vst v0  }
0x3e: {  	[tilespmem:s11+$0x18410] =	vst v0  }
.Ltmp2:
0x3f: {  	[tilespmem:s11+$0x18420] =	vst v0;
	(pc) =	sbr.rel @p0 .LBB2_2-.Ltmp2, $4  }
0x40: {  	[tilespmem:s11+$0x18430] =	vst v0  }
0x41: {  	[tilespmem:s11+$0x18440] =	vst v0  }
0x42: {  	[tilespmem:s11+$0x18450] =	vst v0  }
0x43: {  	[tilespmem:s11+$0x18460] =	vst v0;
	s11 =	sshra.s32 s7, $0x2;
	s7 =	sadd.s32 $0x200, s7  }
0x44: {  	[tilespmem:s11+$0x18470] =	vst v0  }
0x45: {  	[tilespmem:s11+$0x18400] =	vst v0  }
0x46: {  	[tilespmem:s11+$0x18410] =	vst v0  }
0x47: {  	[tilespmem:s11+$0x18420] =	vst v0  }
0x48: {  	[tilespmem:s11+$0x18430] =	vst v0  }
0x49: {  	[tilespmem:s11+$0x18440] =	vst v0  }
0x4a: {  	[tilespmem:s11+$0x18450] =	vst v0  }
0x4b: {  	[tilespmem:s11+$0x18460] =	vst v0;
	s7 =	rddreg [dreg:$0x6]  }
0x4c: {  	[spmem:s7] =	stream.linear.scatter [tilespmem:s23], [sflag:$0xB], $0x4000, $0x38;
	[tilespmem:$0x1C400] =	vst v63  }
0x4d: {  	_ =	swait.ge [sflag:s19], $0x4000  }
0x4e: {  	[sflag:s19] =	ssyncset.done $0x0  }
0x4f: {  	s11 =	rddreg [dreg:$0x7];
	[sflag:s19] =	ssyncadd.s32 $0xFFFFC000  }
0x50: {  	[spmem:s11] =	stream.linear.scatter [tilespmem:s23], [sflag:$0xB], $0x4000, $0x38;
	[tilespmem:$0x1C400] =	vst v63  }
0x51: {  	_ =	swait.ge [sflag:s19], $0x4000  }
0x52: {  	[sflag:s19] =	ssyncset.done $0x0  }
0x53: {  	s13 =	rddreg [dreg:$0x8];
	[sflag:s19] =	ssyncadd.s32 $0xFFFFC000  }
0x54: {  	[spmem:s13] =	stream.linear.scatter [tilespmem:s23], [sflag:$0xB], $0x4000, $0x38;
	[tilespmem:$0x1C400] =	vst v63  }
0x55: {  	_ =	swait.ge [sflag:s19], $0x4000  }
0x56: {  	[sflag:s19] =	ssyncset.done $0x0  }
0x57: {  	s11 =	rddreg [dreg:$0x9];
	[sflag:s19] =	ssyncadd.s32 $0xFFFFC000  }
0x58: {  	[spmem:s11] =	stream.linear.scatter [tilespmem:s23], [sflag:$0xB], $0x4000, $0x38;
	[tilespmem:$0x1C400] =	vst v63  }
0x59: {  	_ =	swait.ge [sflag:s19], $0x4000  }
0x5a: {  	[sflag:s19] =	ssyncset.done $0x0  }
0x5b: {  	s13 =	rddreg [dreg:$0xa];
	[sflag:s19] =	ssyncadd.s32 $0xFFFFC000  }
0x5c: {  	[spmem:s13] =	stream.linear.scatter [tilespmem:s23], [sflag:$0xB], $0x4000, $0x38;
	[tilespmem:$0x1C400] =	vst v63  }
0x5d: {  	_ =	swait.ge [sflag:s19], $0x4000  }
0x5e: {  	[sflag:s19] =	ssyncset.done $0x0  }
0x5f: {  	[sflag:s19] =	ssyncadd.s32 $0xFFFFC000  }
0x60: {  	s11 =	simm.s32 $0x0;
	[bflag:$0x0] =	sbarrier.arrive $0xFFFF  }
.LBB2_4:
0x61: {  	_ =	swait.ge [sflag:s24], $0x4000  }
0x62: {  	p0 =	seq.s32 s11, $0x0;
	[sflag:s24] =	ssyncset.done $0x0  }
0x63: {  	s7 =	simm.s32 @!p0 $0xA;
	[sflag:s24] =	ssyncadd.s32 $0xFFFFC000  }
0x64: {  	[spmem:s3] =	stream.indirect.scatter.add.f32 [tilespmem:s21], [sflag:$0x7], $0x80, s25, s20, $0xb8;
	[tilespmem:$0x1C400] =	vst v63  }
0x65: {  	_ =	swait.ge @!p0 [sflag:s7], $0x4000  }
0x66: {  	[sflag:s7] =	ssyncset.done @!p0 $0x0  }
0x67: {  	[sflag:s7] =	ssyncadd.s32 @!p0 $0xFFFFC000  }
0x68: {  	_ =	swait.ge [sflag:s26], $0x100  }
0x69: {  	[sflag:s26] =	ssyncset.done $0x0  }
0x6a: {  	[sflag:s26] =	ssyncadd.s32 $0xFFFFFF00  }
0x6b: {  	[tilespmem:s23], [sflag:$0x2] =	stream.indirect.gather [hbm4b:s0+s20], $0x80, s22, s20, $0xb8;
	[tilespmem:$0x1C400] =	vst v63  }
0x6c: {  	s13 =	sadd.s32 s11, s17  }
0x6d: {  	[tilespmem:s28], [sflag:$0x5] =	stream.linear.gather [hbm4b:s13+s4], $0x100, $0x38;
	[tilespmem:$0x1C400] =	vst v63  }
0x6e: {  	_ =	swait.ge [sflag:s29], $0x4000  }
0x6f: {  	[sflag:s29] =	ssyncset.done $0x0  }
0x70: {  	[sflag:s29] =	ssyncadd.s32 $0xFFFFC000  }
0x71: {  	[spmem:s3] =	stream.indirect.scatter.add.f32 [tilespmem:s23], [sflag:$0x8], $0x80, s30, s20, $0xb8;
	[tilespmem:$0x1C400] =	vst v63  }
0x72: {  	_ =	swait.ge [sflag:s31], $0x4000  }
0x73: {  	[sflag:s31] =	ssyncset.done $0x0  }
0x74: {  	[sflag:s31] =	ssyncadd.s32 $0xFFFFC000  }
0x75: {  	_ =	swait.ge [sflag:s1], $0x100  }
0x76: {  	[sflag:s1] =	ssyncset.done $0x0  }
0x77: {  	[sflag:s1] =	ssyncadd.s32 $0xFFFFFF00  }
0x78: {  	[tilespmem:s21], [sflag:$0x1] =	stream.indirect.gather [hbm4b:s0+s20], $0x80, s28, s20, $0xb8;
	[tilespmem:$0x1C400] =	vst v63  }
0x79: {  	s13 =	sadd.s32 s11, s16  }
0x7a: {  	[tilespmem:s2], [sflag:$0x6] =	stream.linear.gather [hbm4b:s13+s4], $0x100, $0x38;
	[tilespmem:$0x1C400] =	vst v63  }
0x7b: {  	_ =	swait.ge [sflag:s24], $0x4000  }
0x7c: {  	[sflag:s24] =	ssyncset.done $0x0  }
0x7d: {  	[sflag:s24] =	ssyncadd.s32 $0xFFFFC000  }
0x7e: {  	[spmem:s3] =	stream.indirect.scatter.add.f32 [tilespmem:s21], [sflag:$0x9], $0x80, s6, s20, $0xb8;
	[tilespmem:$0x1C400] =	vst v63  }
0x7f: {  	_ =	swait.ge [sflag:s8], $0x4000  }
0x80: {  	p0 =	seq.s32 s11, $0x980;
	[sflag:s8] =	ssyncset.done $0x0  }
.Ltmp3:
0x81: {  	[sflag:s8] =	ssyncadd.s32 $0xFFFFC000;
	(pc) =	sbr.rel @p0 .LBB2_6-.Ltmp3, $4  }
0x82: {  	_ =	swait.ge [sflag:s5], $0x100  }
0x83: {  	[sflag:s5] =	ssyncset.done $0x0  }
0x84: {  	[sflag:s5] =	ssyncadd.s32 $0xFFFFFF00  }
0x85: {  	[tilespmem:s23], [sflag:$0x2] =	stream.indirect.gather [hbm4b:s0+s20], $0x80, s2, s20, $0xb8;
	[tilespmem:$0x1C400] =	vst v63  }
0x86: {  	s7 =	sadd.s32 s11, s15  }
0x87: {  	[tilespmem:s18], [sflag:$0x3] =	stream.linear.gather [hbm4b:s7+s4], $0x100, $0x38;
	[tilespmem:$0x1C400] =	vst v63  }
0x88: {  	_ =	swait.ge [sflag:s29], $0x4000  }
0x89: {  	[sflag:s29] =	ssyncset.done $0x0  }
0x8a: {  	[sflag:s29] =	ssyncadd.s32 $0xFFFFC000  }
0x8b: {  	[spmem:s3] =	stream.indirect.scatter.add.f32 [tilespmem:s23], [sflag:$0xA], $0x80, s9, s20, $0xb8;
	[tilespmem:$0x1C400] =	vst v63  }
0x8c: {  	_ =	swait.ge [sflag:s10], $0x4000  }
0x8d: {  	[sflag:s10] =	ssyncset.done $0x0  }
0x8e: {  	[sflag:s10] =	ssyncadd.s32 $0xFFFFC000  }
0x8f: {  	_ =	swait.ge [sflag:s12], $0x100  }
.Ltmp4:
0x90: {  	[sflag:s12] =	ssyncset.done $0x0;
	(pc) =	sbr.rel .LBB2_4-.Ltmp4, $4  }
0x91: {  	[sflag:s12] =	ssyncadd.s32 $0xFFFFFF00  }
0x92: {  	[tilespmem:s21], [sflag:$0x1] =	stream.indirect.gather [hbm4b:s0+s20], $0x80, s18, s20, $0xb8;
	[tilespmem:$0x1C400] =	vst v63  }
0x93: {  	s13 =	sadd.s32 s11, s14;
	s11 =	sadd.s32 $0x80, s11  }
0x94: {  	[tilespmem:s22], [sflag:$0x4] =	stream.linear.gather [hbm4b:s13+s4], $0x100, $0x38;
	[tilespmem:$0x1C400] =	vst v63  }
.LBB2_7:
0x95: {  	_ =	sfence.sel $0x180000  }
0x96: {  	[bflag:$0x0] =	sbarrier.arrive $0xFFFF  }
0x97: {  	_ =	strace $0x9000004A  }
0x98: {  	s0 =	stileid.u32;
	[bflag:$0x2] =	sbarrier.arrive $0xFFFF  }
0x99: {  	p0 =	sne.s32 s0, $0x0;
	s0 =	rddreg [dreg:$0x3]  }
0x9a: {  	s0 =	sadd.s32 @!p0 $0x100000, s0  }
0x9b: {  	[sflag:s0] =	ssyncadd.tile.s32 @!p0 $0x1;
	_ =	shalt  }
.Lfunc_end2:
_tile_overlayer_lowered:
.L_overlay_start_2:
0x9c: {  	(tag) =	ssettag $0x2  }
0x9d: {  	s0 =	rddreg [dreg:$0x0];
	s2 =	stileid.u32  }
0x9e: {  	s1 =	rddreg [dreg:$0x1];
	p0 =	sne.s32 s2, $0x0  }
0x9f: {  	s3 =	rddreg [dreg:$0x2];
	[bflag:$0x3] =	sbarrier.arrive $0xFFFF;
	s2 =	simm.s32 @!p0 $0x1C0B  }
0xa0: {  	[timem:s3], [sflag:s2] =	dma.local @!p0 [hbm:s0], s1  }
0xa1: {  	s0 =	simm.s32 @!p0 $0xB  }
0xa2: {  	_ =	swait.ge @!p0 [sflag:s0], s1  }
0xa3: {  	s1 =	ssub.s32 @!p0 $0x0, s1;
	[sflag:s0] =	ssyncset.done @!p0 $0x0  }
0xa4: {  	[sflag:s0] =	ssyncadd.s32 @!p0 s1  }
0xa5: {  	[bflag:$0x3] =	sbarrier.arrive $0xFFFF  }
0xa6: {  	_ =	shalt  }

// kernel: kernel.14.cloned.1.call-start
scs
__scs_entry_jumppad:
0x0: {  	(pc) =	sbr.rel $0x88, $3  }
0x1: {  	(tag) =	ssettag $0x0;
	lr =	simm.s32 $0x1  }
0x2: {  	[smem:$0x3F9C] =	sst lr;
	_ =	strace $0xD0000000  }
0x3: {  	_ = 	snop  }
0x4: {  	_ = 	snop  }
0x5: {  	_ = 	snop  }
0x6: {  	_ = 	snop  }
0x7: {  	_ = 	snop  }
__scs_overlays_trampoline_lowered:
0x8: {  	[smem:$0x3FAB] =	sst s0  }
0x9: {  	[smem:$0x3FAC] =	sst s1  }
0xa: {  	[smem:$0x3FAD] =	sst s2  }
0xb: {  	[smem:$0x3FAE] =	sst s3  }
0xc: {  	[smem:$0x3FAF] =	sst s4  }
0xd: {  	[smem:$0x3FB0] =	sst s5  }
0xe: {  	[smem:$0x3FB1] =	sst s6  }
0xf: {  	[smem:$0x3FB2] =	sst s7  }
0x10: {  	[smem:$0x3FB3] =	sst s8  }
0x11: {  	[smem:$0x3FB4] =	sst s9;
	s0 =	simm.s32 @!p0 $0x0  }
0x12: {  	s1 =	sld [smem:$0x3F9A];
	s0 =	simm.s32 @p0 $0x1  }
0x13: {  	[smem:$0x3FB5] =	sst s0;
	s0 =	simm.s32 @!p1 $0x0  }
0x14: {  	s2 =	sld [smem:$0x3F99];
	s0 =	simm.s32 @p1 $0x1  }
0x15: {  	[smem:$0x3FB6] =	sst s0;
	s0 =	simm.s32 @!p2 $0x0  }
0x16: {  	s3 =	sld [smem:$0x3FDB];
	s0 =	simm.s32 @p2 $0x1  }
0x17: {  	s4 =	simm.s32 $0x1BF5;
	[smem:$0x3FB8] =	sst s0  }
0x18: {  	s0 =	sld [smem:$0x3F9B];
	_ =	swait.ge [sflag:s4], $0x0  }
0x19: {  	s7 =	sld [smem:$0x3F9C]  }
0x1a: {  	s8 =	sadd.s32 $0xFFFFE003, lr  }
0x1b: {  	s9 =	sadd.s32 $0xFFFFFEF7, lr;
	s5 =	simm.s32 $0xFFFFFFFF;
	p2 =	slt.u32 s8, $0xFFFFF086  }
0x1c: {  	p1 =	slt.u32 s9, $0xF7A;
	s5 =	simm.s32 @!p2 $0x0  }
0x1d: {  	s5 =	simm.s32 @p1 $0x1;
	p0 =	seq.s32 s7, s2  }
0x1e: {  	s7 =	smul.u32 @!p0 $0xF7A, s2;
	p2 =	seq.s32 @!p0 s5, $0x0  }
0x1f: {  	s9 =	smul.u32 $0xF7A, s1;
	s8 =	simm.s32 @!p0 $0x1BF5;
	p2 =	por !p2, p0  }
0x20: {  	[sflag:s8] =	ssyncset.s32 @!p0 $0xFFFFF086;
	s6 =	sadd.s32 @!p0 s3, s7;
	s7 =	simm.s32 @!p0 $0x108  }
0x21: {  	s3 =	sadd.s32 s3, s9;
	s6 =	sadd.s32 @!p0 $0x88, s6;
	s7 =	simm.s32 @p2 $0x1082  }
0x22: {  	[simem:s7], [sflag:s8] =	dma.local @!p0 [hbm:s6], $0xF7A  }
0x23: {  	s9 =	sor.u32 $0xD0000000, s2;
	s6 =	simm.s32 $0x108;
	_ =	swait.ge @!p0 [sflag:s8], $0x0  }
0x24: {  	s3 =	sadd.s32 $0x88, s3;
	s6 =	simm.s32 @!p1 $0x1082;
	[sflag:s4] =	ssyncset.s32 $0xFFFFF086  }
0x25: {  	[simem:s6], [sflag:s4] =	dma.local [hbm:s3], $0xF7A  }
0x26: {  	[smem:$0x3F9C] =	sst s1;
	(tag) =	ssettag s2;
	_ =	strace s9  }
0x27: {  	s1 =	sld [smem:$0x3FAC]  }
0x28: {  	s2 =	sld [smem:$0x3FAD]  }
0x29: {  	s4 =	sld [smem:$0x3FAF]  }
0x2a: {  	p0 =	seq.s32 s5, $0x0;
	s5 =	sld [smem:$0x3FB0]  }
0x2b: {  	s6 =	sld [smem:$0x3FB1]  }
0x2c: {  	s7 =	sld [smem:$0x3FB2]  }
0x2d: {  	s3 =	simm.s32 $0x108;
	s8 =	sld [smem:$0x3FB3]  }
0x2e: {  	s3 =	simm.s32 @!p0 $0x1082;
	s9 =	sld [smem:$0x3FB4]  }
0x2f: {  	lr =	sadd.s32 s0, s3;
	s0 =	sld [smem:$0x3FAB]  }
0x30: {  	s3 =	sld [smem:$0x3FAE]  }
0x31: {  	[smem:$0x3FB7] =	sst s10  }
0x32: {  	s10 =	sld [smem:$0x3FB5];
	_ =	sdelay $0x3  }
0x33: {  	p0 =	seq.s32 s10, $0x1;
	s10 =	sld [smem:$0x3FB7];
	_ =	sdelay $0x3  }
0x34: {  	[smem:$0x3FB7] =	sst s10  }
0x35: {  	s10 =	sld [smem:$0x3FB6];
	_ =	sdelay $0x3  }
0x36: {  	p1 =	seq.s32 s10, $0x1;
	s10 =	sld [smem:$0x3FB7];
	_ =	sdelay $0x3  }
0x37: {  	[smem:$0x3FB7] =	sst s10  }
0x38: {  	s10 =	sld [smem:$0x3FB8]  }
0x39: {  	_ = 	snop;
	(pc) =	sbr.ind lr, $3  }
0x3a: {  	_ = 	snop  }
0x3b: {  	_ = 	snop  }
0x3c: {  	p2 =	seq.s32 s10, $0x1;
	s10 =	sld [smem:$0x3FB7]  }
0x3d: {  	_ =	shalt  }
0x3e: {  	_ =	shalt  }
0x3f: {  	_ =	shalt  }
0x40: {  	_ =	shalt  }
0x41: {  	_ =	shalt  }
0x42: {  	_ =	shalt  }
0x43: {  	_ =	shalt  }
0x44: {  	_ =	shalt  }
0x45: {  	_ =	shalt  }
0x46: {  	_ =	shalt  }
0x47: {  	_ =	shalt  }
0x48: {  	_ =	shalt  }
0x49: {  	_ =	shalt  }
0x4a: {  	_ =	shalt  }
0x4b: {  	_ =	shalt  }
0x4c: {  	_ =	shalt  }
0x4d: {  	_ =	shalt  }
0x4e: {  	_ =	shalt  }
0x4f: {  	_ =	shalt  }
0x50: {  	_ =	shalt  }
0x51: {  	_ =	shalt  }
0x52: {  	_ =	shalt  }
0x53: {  	_ =	shalt  }
0x54: {  	_ =	shalt  }
0x55: {  	_ =	shalt  }
0x56: {  	_ =	shalt  }
0x57: {  	_ =	shalt  }
0x58: {  	_ =	shalt  }
0x59: {  	_ =	shalt  }
0x5a: {  	_ =	shalt  }
0x5b: {  	_ =	shalt  }
0x5c: {  	_ =	shalt  }
0x5d: {  	_ =	shalt  }
0x5e: {  	_ =	shalt  }
0x5f: {  	_ =	shalt  }
0x60: {  	_ =	shalt  }
0x61: {  	_ =	shalt  }
0x62: {  	_ =	shalt  }
0x63: {  	_ =	shalt  }
0x64: {  	_ =	shalt  }
0x65: {  	_ =	shalt  }
0x66: {  	_ =	shalt  }
0x67: {  	_ =	shalt  }
0x68: {  	_ =	shalt  }
0x69: {  	_ =	shalt  }
0x6a: {  	_ =	shalt  }
0x6b: {  	_ =	shalt  }
0x6c: {  	_ =	shalt  }
0x6d: {  	_ =	shalt  }
0x6e: {  	_ =	shalt  }
0x6f: {  	_ =	shalt  }
0x70: {  	_ =	shalt  }
0x71: {  	_ =	shalt  }
0x72: {  	_ =	shalt  }
0x73: {  	_ =	shalt  }
0x74: {  	_ =	shalt  }
0x75: {  	_ =	shalt  }
0x76: {  	_ =	shalt  }
0x77: {  	_ =	shalt  }
0x78: {  	_ =	shalt  }
0x79: {  	_ =	shalt  }
0x7a: {  	_ =	shalt  }
0x7b: {  	_ =	shalt  }
0x7c: {  	_ =	shalt  }
0x7d: {  	_ =	shalt  }
0x7e: {  	_ =	shalt  }
0x7f: {  	_ =	shalt  }
0x80: {  	_ =	shalt  }
0x81: {  	_ =	shalt  }
0x82: {  	_ =	shalt  }
0x83: {  	_ =	shalt  }
0x84: {  	_ =	shalt  }
0x85: {  	_ =	shalt  }
0x86: {  	_ =	shalt  }
0x87: {  	_ =	shalt  }
.Lfunc_end0:
.L_simem_size_0:
called_computation.2_lowered:
.L_overlay_start_0:
0x88: {  	s2 =	sld [smem:$0x3FD9]  }
0x89: {  	s3 =	sld [smem:$0x3FFE];
	_ =	sdelay $0x1  }
0x8a: {  	s1 =	srdreg.scid  }
0x8b: {  	s0 =	sand.u32 $0x1, s1  }
0x8c: {  	s17 =	sshll.u32 s0, $0xA;
	s2 =	sadd.s32 s3, s2  }
0x8d: {  	s2 =	sadd.s32 s2, s17  }
0x8e: {  	[smem:$0x3FC3] =	sst s2  }
0x8f: {  	_ = 	snop  }
0x90: {  	s2 =	sld [smem:$0x3FD0];
	(tm) =	ssettm $0x1  }
0x91: {  	s18 =	sld [smem:$0x3FFB];
	_ =	sdelay $0x3  }
0x92: {  	_ =	strace s18  }
0x93: {  	s3 =	sld [smem:$0x3FFC];
	_ =	sdelay $0x3  }
0x94: {  	_ =	strace s3  }
0x95: {  	s3 =	sld [smem:$0x3FFD];
	_ =	sdelay $0x3  }
0x96: {  	_ =	strace s3  }
0x97: {  	_ =	strace $0x8FFFFFFF  }
0x98: {  	s19 =	sld [smem:$0x3FDB];
	_ =	sdelay $0x1  }
0x99: {  	s4 =	simm.s32 $_scs_section_size  }
0x9a: {  	s5 =	simm.s32 $_size__tile_overlayer_lowered;
	s6 =	simm.s32 $_tile_overlayer_lowered  }
0x9b: {  	s22 =	simm.s32 $0x1BFF;
	s21 =	sshll.u32 s6, $0x1;
	s3 =	sadd.s32 s4, s19  }
0x9c: {  	s7 =	simm.s32 $0x0;
	s20 =	sshll.u32 s5, $0x1;
	s5 =	sadd.s32 s21, s3  }
0x9d: {  	[timem:s7], [sflag:s22] =	dma.local [hbm:s5], s20  }
0x9e: {  	_ =	swait.ge [sflag:s22], s20  }
0x9f: {  	s4 =	ssub.s32 $0x0, s20;
	[sflag:s22] =	ssyncset.done $0x0  }
0xa0: {  	[sflag:s22] =	ssyncadd.s32 s4;
	_ =	sdelay $0x1  }
0xa1: {  	s23 =	simm.s32 $0x1B8B  }
0xa2: {  	_ =	swait.ge [sflag:s23], $0x1  }
0xa3: {  	[sflag:s23] =	ssyncset.done $0x0  }
0xa4: {  	s25 =	simm.s32 $0x1B8E;
	s24 =	sld [smem:$0x3FFE];
	[sflag:s23] =	ssyncadd.s32 $0xFFFFFFFF  }
0xa5: {  	s26 =	simm.s32 $execute0_lowered;
	[smem:$0x3FD2] =	sst s25  }
0xa6: {  	s5 =	sshll.u32 s26, $0x1;
	_ =	strace $0x8000004C;
	[dreg:$0x1] =	wrdreg $0xFFFFFFFF  }
0xa7: {  	s28 =	simm.s32 $_size_execute0_lowered;
	s3 =	sadd.s32 s3, s5;
	[dreg:$0x0] =	wrdreg $0x0  }
0xa8: {  	s5 =	sshll.u32 s28, $0x1;
	[dreg:$0x2] =	wrdreg s3  }
0xa9: {  	[dreg:$0x3] =	wrdreg s5  }
0xaa: {  	[dreg:$0x4] =	wrdreg $0xC0  }
0xab: {  	_ =	task [dreg:s7], $0x5FFFF  }
0xac: {  	[dreg:$0x1] =	wrdreg $0xFFFFFFFF  }
0xad: {  	[dreg:$0x0] =	wrdreg $0x60  }
0xae: {  	[dreg:$0x2] =	wrdreg s2  }
0xaf: {  	[dreg:$0x3] =	wrdreg s24  }
0xb0: {  	[dreg:$0x4] =	wrdreg $0x0  }
0xb1: {  	[dreg:$0x5] =	wrdreg $0x9  }
0xb2: {  	_ =	task.clear_ibuf [dreg:s7], $0x6FFFF;
	_ =	strace $0x9000004C  }
0xb3: {  	s29 =	simm.s32 $0x9;
	_ =	strace $0x8000004E  }
0xb4: {  	_ =	swait.ge [sflag:s29], $0x1  }
0xb5: {  	[sflag:s29] =	ssyncadd.s32 $0xFFFFFFFF  }
0xb6: {  	_ =	strace $0x9000004E  }
0xb7: {  	_ =	sfence  }
0xb8: {  	s30 =	sld [smem:$0x0];
	_ =	sdelay $0x2  }
0xb9: {  	s31 =	sshll.u32 s1, $0xD;
	s1 =	sshrl.u32 s1, $0x2  }
0xba: {  	s3 =	sand.u32 $0x4000, s31;
	s1 =	sadd.s32 s1, s30  }
0xbb: {  	s0 =	sor.u32 s3, s0;
	s1 =	sshll.u32 s1, $0x11  }
0xbc: {  	s0 =	sor.u32 s1, s0  }
0xbd: {  	s0 =	sadd.s32 $0x8F2B, s0  }
0xbe: {  	[sflag:s0] =	ssyncadd.remote.s32 $0x1  }
0xbf: {  	_ =	sfence.sel $0xFFFF  }
0xc0: {  	[dreg:$0x0] =	wrdreg $0xFFFFFFFF;
	(pc) =	sbr.abs _section_cstart, $3  }
0xc1: {  	[dreg:$0x1] =	wrdreg $0xFFFFFFFF  }
0xc2: {  	_ =	task.clear_ibuf [dreg:s7], $0x2FFFF;
	_ =	strace $0x9FFFFFFF  }
0xc3: {  	(tm) =	ssettm $0x7FFFFFFF  }
tec
execute0_lowered:
.L_overlay_start_1:
0x0: {  	(tag) =	ssettag $0x1  }
0x1: {  	s0 =	rddreg [dreg:$0x0]  }
0x2: {  	s1 =	rddreg [dreg:$0x1];
	s2 =	srdreg.scid  }
0x3: {  	s3 =	rddreg [dreg:$0x2];
	s10 =	stileid.u32  }
0x4: {  	s4 =	simm.s32 $0x0;
	s28 =	simm.s32 $0x14200;
	s6 =	smul.u32 $0x14000, s10  }
0x5: {  	s29 =	simm.s32 $0x2;
	s30 =	simm.s32 $0x14180;
	s8 =	smul.u32 $0x50000, s10  }
0x6: {  	s31 =	simm.s32 $0x7;
	s2 =	sand.u32 $0x1, s2;
	s16 =	smul.u32 $0x5000, s10  }
0x7: {  	[smem:$0x7FF] =	sst s4;
	s13 =	sadd.s32 $0x2600, s1;
	s5 =	smul.u32 $0x140000, s2  }
0x8: {  	s7 =	sshll.u32 s2, $0x4;
	_ =	strace $0x8000004D;
	s14 =	ssub.s32 $0x2, s2  }
0x9: {  	s2 =	smul.u32 $0x50000, s2;
	s12 =	sor.u32 s10, s7;
	s9 =	sshrl.u32 s14, $0x1  }
0xa: {  	s15 =	sshrl.u32 s8, $0x2;
	s8 =	simm.s32 $0x8;
	s10 =	simm.s32 $0x9  }
0xb: {  	s5 =	sadd.s32 s6, s5;
	s6 =	smul.u32 $0x5000, s12;
	s2 =	sadd.s32 s16, s2  }
0xc: {  	s12 =	simm.s32 $0x3;
	s5 =	sshrl.u32 s5, $0x3;
	s21 =	sor.u32 $0x500, s2  }
0xd: {  	s24 =	sor.u32 $0x400, s2;
	s25 =	sor.u32 $0x300, s2;
	s2 =	sor.u32 $0x200, s2  }
0xe: {  	s1 =	sadd.s32 s5, s1;
	s6 =	sshrl.u32 s6, $0x3;
	s5 =	ssub.s32 s14, s9  }
0xf: {  	s23 =	sshrl.u32 s21, $0x3;
	s26 =	sshrl.u32 s2, $0x3;
	s21 =	simm.s32 $0x14400  }
0x10: {  	s2 =	simm.s32 $0x14300;
	s9 =	simm.s32 $0x14380;
	s11 =	sadd.s32 s13, s6  }
0x11: {  	s6 =	sadd.s32 s15, s3;
	s1 =	sadd.s32 $0x16600, s1;
	s22 =	smax.u32 s5, $0x1  }
0x12: {  	s14 =	sadd.s32 s23, s13;
	s5 =	sshrl.u32 s25, $0x3;
	[dreg:$0x4] =	wrdreg s11  }
0x13: {  	s23 =	simm.s32 $0x18400;
	s25 =	simm.s32 $0x14080;
	[dreg:$0x6] =	wrdreg s6  }
0x14: {  	s17 =	sadd.s32 $0x20, s11;
	s18 =	sadd.s32 $0x4000, s6;
	[dreg:$0xb] =	wrdreg s1  }
0x15: {  	s19 =	sadd.s32 $0x8000, s6;
	s20 =	sadd.s32 $0xC000, s6;
	[dreg:$0xc] =	wrdreg s22  }
0x16: {  	s6 =	sadd.s32 $0x10000, s6;
	s1 =	sshrl.u32 s24, $0x3;
	[dreg:$0x5] =	wrdreg s17  }
0x17: {  	s16 =	sadd.s32 s5, s13;
	s22 =	simm.s32 $0x14100;
	[dreg:$0x7] =	wrdreg s18  }
.Ltmp0:
0x18: {  	s24 =	simm.s32 $0x1;
	[dreg:$0x8] =	wrdreg s19;
	(pc) =	sbr.rel .LBB2_1-.Ltmp0, $4  }
0x19: {  	s5 =	simm.s32 $0x6;
	s11 =	simm.s32 $0x0;
	[dreg:$0x9] =	wrdreg s20  }
0x1a: {  	[dreg:$0xa] =	wrdreg s6;
	s15 =	sadd.s32 s1, s13;
	s17 =	sadd.s32 s26, s13  }
0x1b: {  	s18 =	simm.s32 $0x14000;
	s19 =	simm.s32 $0xB;
	s20 =	simm.s32 $0x80  }
0x1c: {  	v0 =	vimm.f32 $0.0e+00;
	s26 =	simm.s32 $0x4;
	s1 =	simm.s32 $0x5;
	s6 =	simm.s32 $0x14280  }
.LBB2_6:
0x1d: {  	_ =	swait.ge [sflag:s29], $0x4000  }
0x1e: {  	[sflag:s29] =	ssyncset.done $0x0  }
0x1f: {  	[sflag:s29] =	ssyncadd.s32 $0xFFFFC000  }
0x20: {  	[spmem:s3] =	stream.indirect.scatter.add.f32 [tilespmem:s23], [sflag:$0xA], $0x80, s9, s20, $0xb8;
	[tilespmem:$0x1C400] =	vst v63  }
0x21: {  	_ =	swait.ge [sflag:s10], $0x4000  }
0x22: {  	[sflag:s10] =	ssyncset.done $0x0  }
0x23: {  	s7 =	simm.s32 $0xA;
	[sflag:s10] =	ssyncadd.s32 $0xFFFFC000  }
0x24: {  	_ =	swait.ge [sflag:s7], $0x4000  }
0x25: {  	[sflag:s7] =	ssyncset.done $0x0  }
0x26: {  	[sflag:s7] =	ssyncadd.s32 $0xFFFFC000  }
0x27: {  	s13 =	stileid.u32;
	[bflag:$0x0] =	sbarrier.arrive $0xFFFF  }
0x28: {  	s7 =	sshll.u32 s13, $0x6;
	s11 =	rddreg [dreg:$0x6]  }
0x29: {  	s7 =	sor.u32 $0x1C0B, s7;
	s13 =	rddreg [dreg:$0xb];
	s11 =	sshrl.u32 s11, $0x3  }
0x2a: {  	[hbm:s13], [sflag:s7] =	dma.local [spmem:s11], $0x2800  }
0x2b: {  	_ =	swait.ge [sflag:s19], $0x2800  }
0x2c: {  	s7 =	rddreg [dreg:$0xd]  }
0x2d: {  	s13 =	rddreg [dreg:$0xc];
	s11 =	sadd.s32 $0x1, s7  }
0x2e: {  	p0 =	sne.s32 s11, s13  }
.Ltmp1:
0x2f: {  	_ = 	snop;
	(pc) =	sbr.rel @!p0 .LBB2_7-.Ltmp1, $3  }
0x30: {  	_ =	sdelay $0x1  }
0x31: {  	[sflag:s19] =	ssyncset.done $0x0  }
0x32: {  	[sflag:s19] =	ssyncadd.s32 $0xFFFFD800  }
.LBB2_1:
0x33: {  	[dreg:$0xd] =	wrdreg s11  }
0x34: {  	s7 =	rddreg [dreg:$0x4]  }
0x35: {  	[tilespmem:s18], [sflag:$0xB] =	stream.linear.gather [hbm4b:s7+s4], $0x100, $0x38;
	[tilespmem:$0x1C400] =	vst v63  }
0x36: {  	_ =	swait.ge [sflag:s19], $0x100  }
0x37: {  	[sflag:s19] =	ssyncset.done $0x0  }
0x38: {  	[sflag:s19] =	ssyncadd.s32 $0xFFFFFF00  }
0x39: {  	[tilespmem:s21], [sflag:$0x1] =	stream.indirect.gather [hbm4b:s0+s20], $0x80, s18, s20, $0xb8;
	[tilespmem:$0x1C400] =	vst v63  }
0x3a: {  	s11 =	simm.s32 $0x0;
	s7 =	simm.s32 $0x200;
	s13 =	rddreg [dreg:$0x5]  }
0x3b: {  	[tilespmem:s22], [sflag:$0x4] =	stream.linear.gather [hbm4b:s13+s4], $0x100, $0x38;
	[tilespmem:$0x1C400] =	vst v63  }
.LBB2_2:
0x3c: {  	p0 =	sne.s32 s7, $0xFE00;
	[tilespmem:s11+$0x18470] =	vst v0  }
0x3d: {  	[tilespmem:s11+$0x18400] =	vst v0  }
0x3e: {  	[tilespmem:s11+$0x18410] =	vst v0  }
.Ltmp2:
0x3f: {  	[tilespmem:s11+$0x18420] =	vst v0;
	(pc) =	sbr.rel @p0 .LBB2_2-.Ltmp2, $4  }
0x40: {  	[tilespmem:s11+$0x18430] =	vst v0  }
0x41: {  	[tilespmem:s11+$0x18440] =	vst v0  }
0x42: {  	[tilespmem:s11+$0x18450] =	vst v0  }
0x43: {  	[tilespmem:s11+$0x18460] =	vst v0;
	s11 =	sshra.s32 s7, $0x2;
	s7 =	sadd.s32 $0x200, s7  }
0x44: {  	[tilespmem:s11+$0x18470] =	vst v0  }
0x45: {  	[tilespmem:s11+$0x18400] =	vst v0  }
0x46: {  	[tilespmem:s11+$0x18410] =	vst v0  }
0x47: {  	[tilespmem:s11+$0x18420] =	vst v0  }
0x48: {  	[tilespmem:s11+$0x18430] =	vst v0  }
0x49: {  	[tilespmem:s11+$0x18440] =	vst v0  }
0x4a: {  	[tilespmem:s11+$0x18450] =	vst v0  }
0x4b: {  	[tilespmem:s11+$0x18460] =	vst v0;
	s7 =	rddreg [dreg:$0x6]  }
0x4c: {  	[spmem:s7] =	stream.linear.scatter [tilespmem:s23], [sflag:$0xB], $0x4000, $0x38;
	[tilespmem:$0x1C400] =	vst v63  }
0x4d: {  	_ =	swait.ge [sflag:s19], $0x4000  }
0x4e: {  	[sflag:s19] =	ssyncset.done $0x0  }
0x4f: {  	s11 =	rddreg [dreg:$0x7];
	[sflag:s19] =	ssyncadd.s32 $0xFFFFC000  }
0x50: {  	[spmem:s11] =	stream.linear.scatter [tilespmem:s23], [sflag:$0xB], $0x4000, $0x38;
	[tilespmem:$0x1C400] =	vst v63  }
0x51: {  	_ =	swait.ge [sflag:s19], $0x4000  }
0x52: {  	[sflag:s19] =	ssyncset.done $0x0  }
0x53: {  	s13 =	rddreg [dreg:$0x8];
	[sflag:s19] =	ssyncadd.s32 $0xFFFFC000  }
0x54: {  	[spmem:s13] =	stream.linear.scatter [tilespmem:s23], [sflag:$0xB], $0x4000, $0x38;
	[tilespmem:$0x1C400] =	vst v63  }
0x55: {  	_ =	swait.ge [sflag:s19], $0x4000  }
0x56: {  	[sflag:s19] =	ssyncset.done $0x0  }
0x57: {  	s11 =	rddreg [dreg:$0x9];
	[sflag:s19] =	ssyncadd.s32 $0xFFFFC000  }
0x58: {  	[spmem:s11] =	stream.linear.scatter [tilespmem:s23], [sflag:$0xB], $0x4000, $0x38;
	[tilespmem:$0x1C400] =	vst v63  }
0x59: {  	_ =	swait.ge [sflag:s19], $0x4000  }
0x5a: {  	[sflag:s19] =	ssyncset.done $0x0  }
0x5b: {  	s13 =	rddreg [dreg:$0xa];
	[sflag:s19] =	ssyncadd.s32 $0xFFFFC000  }
0x5c: {  	[spmem:s13] =	stream.linear.scatter [tilespmem:s23], [sflag:$0xB], $0x4000, $0x38;
	[tilespmem:$0x1C400] =	vst v63  }
0x5d: {  	_ =	swait.ge [sflag:s19], $0x4000  }
0x5e: {  	[sflag:s19] =	ssyncset.done $0x0  }
0x5f: {  	[sflag:s19] =	ssyncadd.s32 $0xFFFFC000  }
0x60: {  	s11 =	simm.s32 $0x0;
	[bflag:$0x0] =	sbarrier.arrive $0xFFFF  }
.LBB2_4:
0x61: {  	_ =	swait.ge [sflag:s24], $0x4000  }
0x62: {  	p0 =	seq.s32 s11, $0x0;
	[sflag:s24] =	ssyncset.done $0x0  }
0x63: {  	s7 =	simm.s32 @!p0 $0xA;
	[sflag:s24] =	ssyncadd.s32 $0xFFFFC000  }
0x64: {  	[spmem:s3] =	stream.indirect.scatter.add.f32 [tilespmem:s21], [sflag:$0x7], $0x80, s25, s20, $0xb8;
	[tilespmem:$0x1C400] =	vst v63  }
0x65: {  	_ =	swait.ge @!p0 [sflag:s7], $0x4000  }
0x66: {  	[sflag:s7] =	ssyncset.done @!p0 $0x0  }
0x67: {  	[sflag:s7] =	ssyncadd.s32 @!p0 $0xFFFFC000  }
0x68: {  	_ =	swait.ge [sflag:s26], $0x100  }
0x69: {  	[sflag:s26] =	ssyncset.done $0x0  }
0x6a: {  	[sflag:s26] =	ssyncadd.s32 $0xFFFFFF00  }
0x6b: {  	[tilespmem:s23], [sflag:$0x2] =	stream.indirect.gather [hbm4b:s0+s20], $0x80, s22, s20, $0xb8;
	[tilespmem:$0x1C400] =	vst v63  }
0x6c: {  	s13 =	sadd.s32 s11, s17  }
0x6d: {  	[tilespmem:s28], [sflag:$0x5] =	stream.linear.gather [hbm4b:s13+s4], $0x100, $0x38;
	[tilespmem:$0x1C400] =	vst v63  }
0x6e: {  	_ =	swait.ge [sflag:s29], $0x4000  }
0x6f: {  	[sflag:s29] =	ssyncset.done $0x0  }
0x70: {  	[sflag:s29] =	ssyncadd.s32 $0xFFFFC000  }
0x71: {  	[spmem:s3] =	stream.indirect.scatter.add.f32 [tilespmem:s23], [sflag:$0x8], $0x80, s30, s20, $0xb8;
	[tilespmem:$0x1C400] =	vst v63  }
0x72: {  	_ =	swait.ge [sflag:s31], $0x4000  }
0x73: {  	[sflag:s31] =	ssyncset.done $0x0  }
0x74: {  	[sflag:s31] =	ssyncadd.s32 $0xFFFFC000  }
0x75: {  	_ =	swait.ge [sflag:s1], $0x100  }
0x76: {  	[sflag:s1] =	ssyncset.done $0x0  }
0x77: {  	[sflag:s1] =	ssyncadd.s32 $0xFFFFFF00  }
0x78: {  	[tilespmem:s21], [sflag:$0x1] =	stream.indirect.gather [hbm4b:s0+s20], $0x80, s28, s20, $0xb8;
	[tilespmem:$0x1C400] =	vst v63  }
0x79: {  	s13 =	sadd.s32 s11, s16  }
0x7a: {  	[tilespmem:s2], [sflag:$0x6] =	stream.linear.gather [hbm4b:s13+s4], $0x100, $0x38;
	[tilespmem:$0x1C400] =	vst v63  }
0x7b: {  	_ =	swait.ge [sflag:s24], $0x4000  }
0x7c: {  	[sflag:s24] =	ssyncset.done $0x0  }
0x7d: {  	[sflag:s24] =	ssyncadd.s32 $0xFFFFC000  }
0x7e: {  	[spmem:s3] =	stream.indirect.scatter.add.f32 [tilespmem:s21], [sflag:$0x9], $0x80, s6, s20, $0xb8;
	[tilespmem:$0x1C400] =	vst v63  }
0x7f: {  	_ =	swait.ge [sflag:s8], $0x4000  }
0x80: {  	p0 =	seq.s32 s11, $0x980;
	[sflag:s8] =	ssyncset.done $0x0  }
.Ltmp3:
0x81: {  	[sflag:s8] =	ssyncadd.s32 $0xFFFFC000;
	(pc) =	sbr.rel @p0 .LBB2_6-.Ltmp3, $4  }
0x82: {  	_ =	swait.ge [sflag:s5], $0x100  }
0x83: {  	[sflag:s5] =	ssyncset.done $0x0  }
0x84: {  	[sflag:s5] =	ssyncadd.s32 $0xFFFFFF00  }
0x85: {  	[tilespmem:s23], [sflag:$0x2] =	stream.indirect.gather [hbm4b:s0+s20], $0x80, s2, s20, $0xb8;
	[tilespmem:$0x1C400] =	vst v63  }
0x86: {  	s7 =	sadd.s32 s11, s15  }
0x87: {  	[tilespmem:s18], [sflag:$0x3] =	stream.linear.gather [hbm4b:s7+s4], $0x100, $0x38;
	[tilespmem:$0x1C400] =	vst v63  }
0x88: {  	_ =	swait.ge [sflag:s29], $0x4000  }
0x89: {  	[sflag:s29] =	ssyncset.done $0x0  }
0x8a: {  	[sflag:s29] =	ssyncadd.s32 $0xFFFFC000  }
0x8b: {  	[spmem:s3] =	stream.indirect.scatter.add.f32 [tilespmem:s23], [sflag:$0xA], $0x80, s9, s20, $0xb8;
	[tilespmem:$0x1C400] =	vst v63  }
0x8c: {  	_ =	swait.ge [sflag:s10], $0x4000  }
0x8d: {  	[sflag:s10] =	ssyncset.done $0x0  }
0x8e: {  	[sflag:s10] =	ssyncadd.s32 $0xFFFFC000  }
0x8f: {  	_ =	swait.ge [sflag:s12], $0x100  }
.Ltmp4:
0x90: {  	[sflag:s12] =	ssyncset.done $0x0;
	(pc) =	sbr.rel .LBB2_4-.Ltmp4, $4  }
0x91: {  	[sflag:s12] =	ssyncadd.s32 $0xFFFFFF00  }
0x92: {  	[tilespmem:s21], [sflag:$0x1] =	stream.indirect.gather [hbm4b:s0+s20], $0x80, s18, s20, $0xb8;
	[tilespmem:$0x1C400] =	vst v63  }
0x93: {  	s13 =	sadd.s32 s11, s14;
	s11 =	sadd.s32 $0x80, s11  }
0x94: {  	[tilespmem:s22], [sflag:$0x4] =	stream.linear.gather [hbm4b:s13+s4], $0x100, $0x38;
	[tilespmem:$0x1C400] =	vst v63  }
.LBB2_7:
0x95: {  	_ =	sfence.sel $0x180000  }
0x96: {  	[bflag:$0x0] =	sbarrier.arrive $0xFFFF  }
0x97: {  	_ =	strace $0x9000004D  }
0x98: {  	s0 =	stileid.u32;
	[bflag:$0x2] =	sbarrier.arrive $0xFFFF  }
0x99: {  	p0 =	sne.s32 s0, $0x0;
	s0 =	rddreg [dreg:$0x3]  }
0x9a: {  	s0 =	sadd.s32 @!p0 $0x100000, s0  }
0x9b: {  	[sflag:s0] =	ssyncadd.tile.s32 @!p0 $0x1;
	_ =	shalt  }
.Lfunc_end2:
_tile_overlayer_lowered:
.L_overlay_start_2:
0x9c: {  	(tag) =	ssettag $0x2  }
0x9d: {  	s0 =	rddreg [dreg:$0x0];
	s2 =	stileid.u32  }
0x9e: {  	s1 =	rddreg [dreg:$0x1];
	p0 =	sne.s32 s2, $0x0  }
0x9f: {  	s3 =	rddreg [dreg:$0x2];
	[bflag:$0x3] =	sbarrier.arrive $0xFFFF;
	s2 =	simm.s32 @!p0 $0x1C0B  }
0xa0: {  	[timem:s3], [sflag:s2] =	dma.local @!p0 [hbm:s0], s1  }
0xa1: {  	s0 =	simm.s32 @!p0 $0xB  }
0xa2: {  	_ =	swait.ge @!p0 [sflag:s0], s1  }
0xa3: {  	s1 =	ssub.s32 @!p0 $0x0, s1;
	[sflag:s0] =	ssyncset.done @!p0 $0x0  }
0xa4: {  	[sflag:s0] =	ssyncadd.s32 @!p0 s1  }
0xa5: {  	[bflag:$0x3] =	sbarrier.arrive $0xFFFF  }
0xa6: {  	_ =	shalt  }

// kernel: kernel.8.cloned.1.call-start
scs
__scs_entry_jumppad:
0x0: {  	(pc) =	sbr.rel $0x88, $3  }
0x1: {  	(tag) =	ssettag $0x0;
	lr =	simm.s32 $0x1  }
0x2: {  	[smem:$0x3F9C] =	sst lr;
	_ =	strace $0xD0000000  }
0x3: {  	_ = 	snop  }
0x4: {  	_ = 	snop  }
0x5: {  	_ = 	snop  }
0x6: {  	_ = 	snop  }
0x7: {  	_ = 	snop  }
__scs_overlays_trampoline_lowered:
0x8: {  	[smem:$0x3FAB] =	sst s0  }
0x9: {  	[smem:$0x3FAC] =	sst s1  }
0xa: {  	[smem:$0x3FAD] =	sst s2  }
0xb: {  	[smem:$0x3FAE] =	sst s3  }
0xc: {  	[smem:$0x3FAF] =	sst s4  }
0xd: {  	[smem:$0x3FB0] =	sst s5  }
0xe: {  	[smem:$0x3FB1] =	sst s6  }
0xf: {  	[smem:$0x3FB2] =	sst s7  }
0x10: {  	[smem:$0x3FB3] =	sst s8  }
0x11: {  	[smem:$0x3FB4] =	sst s9;
	s0 =	simm.s32 @!p0 $0x0  }
0x12: {  	s1 =	sld [smem:$0x3F9A];
	s0 =	simm.s32 @p0 $0x1  }
0x13: {  	[smem:$0x3FB5] =	sst s0;
	s0 =	simm.s32 @!p1 $0x0  }
0x14: {  	s2 =	sld [smem:$0x3F99];
	s0 =	simm.s32 @p1 $0x1  }
0x15: {  	[smem:$0x3FB6] =	sst s0;
	s0 =	simm.s32 @!p2 $0x0  }
0x16: {  	s3 =	sld [smem:$0x3FDB];
	s0 =	simm.s32 @p2 $0x1  }
0x17: {  	s4 =	simm.s32 $0x1BF5;
	[smem:$0x3FB8] =	sst s0  }
0x18: {  	s0 =	sld [smem:$0x3F9B];
	_ =	swait.ge [sflag:s4], $0x0  }
0x19: {  	s7 =	sld [smem:$0x3F9C]  }
0x1a: {  	s8 =	sadd.s32 $0xFFFFE003, lr  }
0x1b: {  	s9 =	sadd.s32 $0xFFFFFEF7, lr;
	s5 =	simm.s32 $0xFFFFFFFF;
	p2 =	slt.u32 s8, $0xFFFFF086  }
0x1c: {  	p1 =	slt.u32 s9, $0xF7A;
	s5 =	simm.s32 @!p2 $0x0  }
0x1d: {  	s5 =	simm.s32 @p1 $0x1;
	p0 =	seq.s32 s7, s2  }
0x1e: {  	s7 =	smul.u32 @!p0 $0xF7A, s2;
	p2 =	seq.s32 @!p0 s5, $0x0  }
0x1f: {  	s9 =	smul.u32 $0xF7A, s1;
	s8 =	simm.s32 @!p0 $0x1BF5;
	p2 =	por !p2, p0  }
0x20: {  	[sflag:s8] =	ssyncset.s32 @!p0 $0xFFFFF086;
	s6 =	sadd.s32 @!p0 s3, s7;
	s7 =	simm.s32 @!p0 $0x108  }
0x21: {  	s3 =	sadd.s32 s3, s9;
	s6 =	sadd.s32 @!p0 $0x88, s6;
	s7 =	simm.s32 @p2 $0x1082  }
0x22: {  	[simem:s7], [sflag:s8] =	dma.local @!p0 [hbm:s6], $0xF7A  }
0x23: {  	s9 =	sor.u32 $0xD0000000, s2;
	s6 =	simm.s32 $0x108;
	_ =	swait.ge @!p0 [sflag:s8], $0x0  }
0x24: {  	s3 =	sadd.s32 $0x88, s3;
	s6 =	simm.s32 @!p1 $0x1082;
	[sflag:s4] =	ssyncset.s32 $0xFFFFF086  }
0x25: {  	[simem:s6], [sflag:s4] =	dma.local [hbm:s3], $0xF7A  }
0x26: {  	[smem:$0x3F9C] =	sst s1;
	(tag) =	ssettag s2;
	_ =	strace s9  }
0x27: {  	s1 =	sld [smem:$0x3FAC]  }
0x28: {  	s2 =	sld [smem:$0x3FAD]  }
0x29: {  	s4 =	sld [smem:$0x3FAF]  }
0x2a: {  	p0 =	seq.s32 s5, $0x0;
	s5 =	sld [smem:$0x3FB0]  }
0x2b: {  	s6 =	sld [smem:$0x3FB1]  }
0x2c: {  	s7 =	sld [smem:$0x3FB2]  }
0x2d: {  	s3 =	simm.s32 $0x108;
	s8 =	sld [smem:$0x3FB3]  }
0x2e: {  	s3 =	simm.s32 @!p0 $0x1082;
	s9 =	sld [smem:$0x3FB4]  }
0x2f: {  	lr =	sadd.s32 s0, s3;
	s0 =	sld [smem:$0x3FAB]  }
0x30: {  	s3 =	sld [smem:$0x3FAE]  }
0x31: {  	[smem:$0x3FB7] =	sst s10  }
0x32: {  	s10 =	sld [smem:$0x3FB5];
	_ =	sdelay $0x3  }
0x33: {  	p0 =	seq.s32 s10, $0x1;
	s10 =	sld [smem:$0x3FB7];
	_ =	sdelay $0x3  }
0x34: {  	[smem:$0x3FB7] =	sst s10  }
0x35: {  	s10 =	sld [smem:$0x3FB6];
	_ =	sdelay $0x3  }
0x36: {  	p1 =	seq.s32 s10, $0x1;
	s10 =	sld [smem:$0x3FB7];
	_ =	sdelay $0x3  }
0x37: {  	[smem:$0x3FB7] =	sst s10  }
0x38: {  	s10 =	sld [smem:$0x3FB8]  }
0x39: {  	_ = 	snop;
	(pc) =	sbr.ind lr, $3  }
0x3a: {  	_ = 	snop  }
0x3b: {  	_ = 	snop  }
0x3c: {  	p2 =	seq.s32 s10, $0x1;
	s10 =	sld [smem:$0x3FB7]  }
0x3d: {  	_ =	shalt  }
0x3e: {  	_ =	shalt  }
0x3f: {  	_ =	shalt  }
0x40: {  	_ =	shalt  }
0x41: {  	_ =	shalt  }
0x42: {  	_ =	shalt  }
0x43: {  	_ =	shalt  }
0x44: {  	_ =	shalt  }
0x45: {  	_ =	shalt  }
0x46: {  	_ =	shalt  }
0x47: {  	_ =	shalt  }
0x48: {  	_ =	shalt  }
0x49: {  	_ =	shalt  }
0x4a: {  	_ =	shalt  }
0x4b: {  	_ =	shalt  }
0x4c: {  	_ =	shalt  }
0x4d: {  	_ =	shalt  }
0x4e: {  	_ =	shalt  }
0x4f: {  	_ =	shalt  }
0x50: {  	_ =	shalt  }
0x51: {  	_ =	shalt  }
0x52: {  	_ =	shalt  }
0x53: {  	_ =	shalt  }
0x54: {  	_ =	shalt  }
0x55: {  	_ =	shalt  }
0x56: {  	_ =	shalt  }
0x57: {  	_ =	shalt  }
0x58: {  	_ =	shalt  }
0x59: {  	_ =	shalt  }
0x5a: {  	_ =	shalt  }
0x5b: {  	_ =	shalt  }
0x5c: {  	_ =	shalt  }
0x5d: {  	_ =	shalt  }
0x5e: {  	_ =	shalt  }
0x5f: {  	_ =	shalt  }
0x60: {  	_ =	shalt  }
0x61: {  	_ =	shalt  }
0x62: {  	_ =	shalt  }
0x63: {  	_ =	shalt  }
0x64: {  	_ =	shalt  }
0x65: {  	_ =	shalt  }
0x66: {  	_ =	shalt  }
0x67: {  	_ =	shalt  }
0x68: {  	_ =	shalt  }
0x69: {  	_ =	shalt  }
0x6a: {  	_ =	shalt  }
0x6b: {  	_ =	shalt  }
0x6c: {  	_ =	shalt  }
0x6d: {  	_ =	shalt  }
0x6e: {  	_ =	shalt  }
0x6f: {  	_ =	shalt  }
0x70: {  	_ =	shalt  }
0x71: {  	_ =	shalt  }
0x72: {  	_ =	shalt  }
0x73: {  	_ =	shalt  }
0x74: {  	_ =	shalt  }
0x75: {  	_ =	shalt  }
0x76: {  	_ =	shalt  }
0x77: {  	_ =	shalt  }
0x78: {  	_ =	shalt  }
0x79: {  	_ =	shalt  }
0x7a: {  	_ =	shalt  }
0x7b: {  	_ =	shalt  }
0x7c: {  	_ =	shalt  }
0x7d: {  	_ =	shalt  }
0x7e: {  	_ =	shalt  }
0x7f: {  	_ =	shalt  }
0x80: {  	_ =	shalt  }
0x81: {  	_ =	shalt  }
0x82: {  	_ =	shalt  }
0x83: {  	_ =	shalt  }
0x84: {  	_ =	shalt  }
0x85: {  	_ =	shalt  }
0x86: {  	_ =	shalt  }
0x87: {  	_ =	shalt  }
.Lfunc_end0:
.L_simem_size_0:
called_computation_lowered:
.L_overlay_start_0:
0x88: {  	s2 =	sld [smem:$0x3FD9]  }
0x89: {  	s3 =	sld [smem:$0x3FFE];
	_ =	sdelay $0x1  }
0x8a: {  	s1 =	srdreg.scid  }
0x8b: {  	s0 =	sand.u32 $0x1, s1  }
0x8c: {  	s17 =	sshll.u32 s0, $0xA;
	s2 =	sadd.s32 s3, s2  }
0x8d: {  	s2 =	sadd.s32 s2, s17  }
0x8e: {  	[smem:$0x3FC3] =	sst s2  }
0x8f: {  	_ = 	snop  }
0x90: {  	s2 =	sld [smem:$0x3FC9]  }
0x91: {  	s18 =	sld [smem:$0x3FD0];
	(tm) =	ssettm $0x1  }
0x92: {  	s4 =	sld [smem:$0x3FFB];
	_ =	sdelay $0x3  }
0x93: {  	_ =	strace s4  }
0x94: {  	s4 =	sld [smem:$0x3FFC];
	_ =	sdelay $0x3  }
0x95: {  	_ =	strace s4  }
0x96: {  	s4 =	sld [smem:$0x3FFD];
	_ =	sdelay $0x3  }
0x97: {  	_ =	strace s4  }
0x98: {  	_ =	strace $0x8FFFFFFF  }
0x99: {  	s19 =	sld [smem:$0x3FDB];
	_ =	sdelay $0x1  }
0x9a: {  	s5 =	simm.s32 $_scs_section_size  }
0x9b: {  	s6 =	simm.s32 $_size__tile_overlayer_lowered;
	s7 =	simm.s32 $_tile_overlayer_lowered  }
0x9c: {  	s22 =	simm.s32 $0x1BFF;
	s21 =	sshll.u32 s7, $0x1;
	s4 =	sadd.s32 s5, s19  }
0x9d: {  	s8 =	simm.s32 $0x0;
	s20 =	sshll.u32 s6, $0x1;
	s6 =	sadd.s32 s21, s4  }
0x9e: {  	[timem:s8], [sflag:s22] =	dma.local [hbm:s6], s20  }
0x9f: {  	_ =	swait.ge [sflag:s22], s20  }
0xa0: {  	s5 =	ssub.s32 $0x0, s20;
	[sflag:s22] =	ssyncset.done $0x0  }
0xa1: {  	[sflag:s22] =	ssyncadd.s32 s5;
	_ =	sdelay $0x1  }
0xa2: {  	s23 =	simm.s32 $0x1B8B  }
0xa3: {  	_ =	swait.ge [sflag:s23], $0x1  }
0xa4: {  	[sflag:s23] =	ssyncset.done $0x0  }
0xa5: {  	s25 =	simm.s32 $0x1B8E;
	s24 =	sld [smem:$0x3FFE];
	[sflag:s23] =	ssyncadd.s32 $0xFFFFFFFF  }
0xa6: {  	s26 =	simm.s32 $execute0_lowered;
	[smem:$0x3FD2] =	sst s25  }
0xa7: {  	s6 =	sshll.u32 s26, $0x1;
	_ =	strace $0x80000046;
	[dreg:$0x1] =	wrdreg $0xFFFFFFFF  }
0xa8: {  	s28 =	simm.s32 $_size_execute0_lowered;
	s4 =	sadd.s32 s4, s6;
	[dreg:$0x0] =	wrdreg $0x0  }
0xa9: {  	s6 =	sshll.u32 s28, $0x1;
	[dreg:$0x2] =	wrdreg s4  }
0xaa: {  	[dreg:$0x3] =	wrdreg s6  }
0xab: {  	[dreg:$0x4] =	wrdreg $0xC0  }
0xac: {  	_ =	task [dreg:s8], $0x5FFFF  }
0xad: {  	[dreg:$0x1] =	wrdreg $0xFFFFFFFF  }
0xae: {  	[dreg:$0x0] =	wrdreg $0x60  }
0xaf: {  	[dreg:$0x2] =	wrdreg s2  }
0xb0: {  	[dreg:$0x3] =	wrdreg s24  }
0xb1: {  	[dreg:$0x4] =	wrdreg s18  }
0xb2: {  	[dreg:$0x5] =	wrdreg $0x0  }
0xb3: {  	[dreg:$0x6] =	wrdreg $0x1C4000  }
0xb4: {  	[dreg:$0x7] =	wrdreg $0x9  }
0xb5: {  	_ =	task.clear_ibuf [dreg:s8], $0x8FFFF;
	_ =	strace $0x90000046  }
0xb6: {  	s29 =	simm.s32 $0x9;
	_ =	strace $0x80000048  }
0xb7: {  	_ =	swait.ge [sflag:s29], $0x1  }
0xb8: {  	[sflag:s29] =	ssyncadd.s32 $0xFFFFFFFF  }
0xb9: {  	_ =	strace $0x90000048  }
0xba: {  	_ =	sfence  }
0xbb: {  	s30 =	sld [smem:$0x0];
	_ =	sdelay $0x2  }
0xbc: {  	s31 =	sshll.u32 s1, $0xD;
	s1 =	sshrl.u32 s1, $0x2  }
0xbd: {  	s3 =	sand.u32 $0x4000, s31;
	s1 =	sadd.s32 s1, s30  }
0xbe: {  	s0 =	sor.u32 s3, s0;
	s1 =	sshll.u32 s1, $0x11  }
0xbf: {  	s0 =	sor.u32 s1, s0  }
0xc0: {  	s0 =	sadd.s32 $0x8F2B, s0  }
0xc1: {  	[sflag:s0] =	ssyncadd.remote.s32 $0x1  }
0xc2: {  	_ =	sfence.sel $0xFFFF  }
0xc3: {  	[dreg:$0x0] =	wrdreg $0xFFFFFFFF;
	(pc) =	sbr.abs _section_cstart, $3  }
0xc4: {  	[dreg:$0x1] =	wrdreg $0xFFFFFFFF  }
0xc5: {  	_ =	task.clear_ibuf [dreg:s8], $0x2FFFF;
	_ =	strace $0x9FFFFFFF  }
0xc6: {  	(tm) =	ssettm $0x7FFFFFFF  }
0xc7: {  	_ =	shalt  }
tec
execute0_lowered:
.L_overlay_start_1:
0x0: {  	(tag) =	ssettag $0x1  }
0x1: {  	s0 =	rddreg [dreg:$0x0]  }
0x2: {  	s1 =	rddreg [dreg:$0x1]  }
0x3: {  	s3 =	rddreg [dreg:$0x2]  }
0x4: {  	s2 =	rddreg [dreg:$0x3]  }
0x5: {  	s13 =	rddreg [dreg:$0x4]  }
0x6: {  	s4 =	srdreg.scid;
	s12 =	stileid.u32;
	s28 =	simm.s32 $0x1  }
0x7: {  	s30 =	simm.s32 $0x1C680;
	s31 =	simm.s32 $0x4;
	s7 =	smul.u32 $0x14000, s12  }
0x8: {  	s29 =	simm.s32 $0x0;
	s5 =	sand.u32 $0x1, s4;
	s11 =	smul.u32 $0x50000, s12  }
0x9: {  	s4 =	simm.s32 $0x0;
	s9 =	sadd.s32 $0x2600, s1;
	s17 =	smul.u32 $0x5000, s12  }
0xa: {  	s16 =	sshll.u32 s12, $0xA;
	p1 =	sgt.u32 s12, $0x9;
	s6 =	smul.u32 $0x140000, s5  }
0xb: {  	p0 =	sne.s32 s12, $0x0;
	[smem:$0x7FF] =	sst s4;
	s15 =	smul.u32 $0x2800, s5  }
0xc: {  	s8 =	sshll.u32 s5, $0x4;
	s24 =	ssub.s32 $0x2, s5;
	s5 =	smul.u32 $0x50000, s5  }
0xd: {  	_ =	strace $0x80000047;
	s8 =	sor.u32 s12, s8;
	s10 =	sshrl.u32 s24, $0x1  }
0xe: {  	s14 =	sshrl.u32 s11, $0x2;
	s11 =	simm.s32 $0x14280;
	s12 =	simm.s32 $0x6  }
0xf: {  	s6 =	sadd.s32 s7, s6;
	s8 =	smul.u32 $0x5000, s8;
	s25 =	ssub.s32 s24, s10  }
0x10: {  	s21 =	sadd.s32 s14, s2;
	s5 =	sadd.s32 s17, s5;
	s14 =	simm.s32 $0x9  }
0x11: {  	s6 =	sshrl.u32 s6, $0x3;
	s7 =	sadd.s32 $0x4000, s21;
	[dreg:$0x8] =	wrdreg s21  }
0x12: {  	s18 =	sadd.s32 $0x8000, s21;
	s19 =	sadd.s32 $0xC000, s21;
	[dreg:$0x9] =	wrdreg s7  }
0x13: {  	s20 =	sadd.s32 $0x10000, s21;
	s23 =	sor.u32 $0x500, s5;
	[dreg:$0xa] =	wrdreg s18  }
0x14: {  	s24 =	sor.u32 $0x400, s5;
	s1 =	sadd.s32 s6, s1;
	[dreg:$0xb] =	wrdreg s19  }
0x15: {  	s26 =	sshrl.u32 s8, $0x3;
	[dreg:$0xc] =	wrdreg s20;
	s6 =	smax.u32 s25, $0x1  }
0x16: {  	s25 =	sor.u32 $0x300, s5;
	s5 =	sor.u32 $0x200, s5;
	s20 =	simm.s32 $0xB  }
0x17: {  	s7 =	simm.s32 $0x7;
	s8 =	sadd.s32 s9, s26;
	s1 =	sadd.s32 $0x16600, s1  }
0x18: {  	[dreg:$0xf] =	wrdreg s6;
	s6 =	sshrl.u32 s25, $0x3;
	s26 =	sshrl.u32 s5, $0x3  }
0x19: {  	s5 =	simm.s32 $0x2;
	s25 =	simm.s32 $0x3;
	[dreg:$0x6] =	wrdreg s8  }
0x1a: {  	s10 =	sadd.s32 $0x20, s8;
	s8 =	sadd.s32 s16, s15;
	[dreg:$0xd] =	wrdreg s1  }
0x1b: {  	s1 =	sshrl.u32 s23, $0x3;
	s18 =	sadd.s32 s6, s9;
	s19 =	sadd.s32 s26, s9  }
0x1c: {  	s23 =	simm.s32 $0x14400;
	s26 =	simm.s32 $0x18400;
	s6 =	simm.s32 $0x8  }
0x1d: {  	[dreg:$0x7] =	wrdreg s10;
	s8 =	sshrl.u32 s8, $0x3;
	s10 =	simm.s32 $0x14300  }
.Ltmp0:
0x1e: {  	s22 =	sadd.s32 s3, s8;
	s3 =	sadd.s32 s16, s13;
	(pc) =	sbr.rel .LBB2_1-.Ltmp0, $4  }
0x1f: {  	s16 =	sadd.s32 s1, s9;
	s1 =	sshrl.u32 s24, $0x3;
	s24 =	simm.s32 $0x14100  }
0x20: {  	v0 =	vlaneseq.u32;
	s13 =	simm.s32 $0x14380;
	[dreg:$0xe] =	wrdreg s22;
	s17 =	sadd.s32 s1, s9  }
0x21: {  	v1 =	vimm.f32 $0.0e+00;
	v6 =	vimm.f32 $1.000000000e+00;
	v2 =	vor.u32 $0x10, v0;
	s22 =	simm.s32 $0x80;
	s1 =	sshrl.u32 @!p1 s3, $0x3;
	s3 =	simm.s32 $0x14180  }
0x22: {  	v3 =	vor.u32 $0x20, v0;
	v4 =	vor.u32 $0x30, v0;
	v5 =	vor.u32 $0x40, v0;
	s9 =	simm.s32 $0x5;
	[dreg:$0x10] =	wrdreg s1;
	s1 =	simm.s32 $0x14200  }
.LBB2_8:
0x23: {  	s8 =	simm.s32 $0xA  }
0x24: {  	_ =	swait.ge [sflag:s8], $0x4000  }
0x25: {  	[sflag:s8] =	ssyncset.done $0x0  }
0x26: {  	[sflag:s8] =	ssyncadd.s32 $0xFFFFC000  }
0x27: {  	s21 =	simm.s32 $0x50;
	s15 =	simm.s32 $0x1EE80;
	s20 =	rddreg [dreg:$0x4]  }
0x28: {  	[spmem:s20] =	stream.indirect.scatter.add.f32 [tilespmem:s30], [sflag:$0xB], $0x80, s15, s21, $0xb8;
	[tilespmem:$0x1EF00] =	vst v63  }
0x29: {  	s20 =	simm.s32 $0xB  }
0x2a: {  	_ =	swait.ge [sflag:s20], $0x2800  }
0x2b: {  	[sflag:s20] =	ssyncset.done $0x0  }
0x2c: {  	[sflag:s20] =	ssyncadd.s32 $0xFFFFD800  }
0x2d: {  	s21 =	stileid.u32;
	[bflag:$0x0] =	sbarrier.arrive $0xFFFF  }
0x2e: {  	s8 =	sshll.u32 s21, $0x6;
	s21 =	rddreg [dreg:$0x8]  }
0x2f: {  	s8 =	sor.u32 $0x1C0B, s8;
	s20 =	rddreg [dreg:$0xd];
	s15 =	sshrl.u32 s21, $0x3  }
0x30: {  	[hbm:s20], [sflag:s8] =	dma.local [spmem:s15], $0x2800  }
0x31: {  	s20 =	simm.s32 $0xB  }
0x32: {  	_ =	swait.ge [sflag:s20], $0x2800  }
0x33: {  	[sflag:s20] =	ssyncset.done $0x0;
	s15 =	rddreg [dreg:$0xe]  }
0x34: {  	s29 =	rddreg [dreg:$0x10];
	[sflag:s20] =	ssyncadd.s32 $0xFFFFD800  }
0x35: {  	[hbm:s15], [sflag:s8] =	dma.local @!p1 [spmem:s29], $0x80  }
0x36: {  	s8 =	simm.s32 @!p1 $0xB  }
0x37: {  	_ =	swait.ge @!p1 [sflag:s8], $0x80  }
0x38: {  	s29 =	rddreg [dreg:$0x11]  }
0x39: {  	s15 =	rddreg [dreg:$0xf];
	s29 =	sadd.s32 $0x1, s29  }
0x3a: {  	p2 =	sne.s32 s29, s15  }
.Ltmp1:
0x3b: {  	_ = 	snop;
	(pc) =	sbr.rel @!p2 .LBB2_9-.Ltmp1, $3  }
0x3c: {  	_ =	sdelay $0x1  }
0x3d: {  	[sflag:s8] =	ssyncset.done @!p1 $0x0  }
0x3e: {  	[sflag:s8] =	ssyncadd.s32 @!p1 $0xFFFFFF80  }
.LBB2_1:
0x3f: {  	[dreg:$0x11] =	wrdreg s29  }
0x40: {  	s8 =	rddreg [dreg:$0x6];
	s15 =	simm.s32 $0x14000  }
0x41: {  	[tilespmem:s15], [sflag:$0xB] =	stream.linear.gather [hbm4b:s8+s4], $0x100, $0x38;
	[tilespmem:$0x1EF00] =	vst v63  }
0x42: {  	_ =	swait.ge [sflag:s20], $0x100  }
0x43: {  	[sflag:s20] =	ssyncset.done $0x0  }
0x44: {  	[sflag:s20] =	ssyncadd.s32 $0xFFFFFF00  }
0x45: {  	[tilespmem:s23], [sflag:$0x1] =	stream.indirect.gather [hbm4b:s0+s22], $0x80, s15, s22, $0xb8;
	[tilespmem:$0x1EF00] =	vst v63  }
0x46: {  	s15 =	rddreg [dreg:$0x7]  }
0x47: {  	[tilespmem:s24], [sflag:$0x4] =	stream.linear.gather [hbm4b:s15+s4], $0x100, $0x38;
	[tilespmem:$0x1EF00] =	vst v63  }
0x48: {  	s29 =	simm.s32 $0x14000;
	s8 =	simm.s32 $0x0;
	s15 =	simm.s32 $0x200  }
.LBB2_2:
0x49: {  	p2 =	sne.s32 s15, $0xFE00;
	[tilespmem:s8+$0x18470] =	vst v1  }
0x4a: {  	[tilespmem:s8+$0x18400] =	vst v1  }
0x4b: {  	[tilespmem:s8+$0x18410] =	vst v1  }
.Ltmp2:
0x4c: {  	[tilespmem:s8+$0x18420] =	vst v1;
	(pc) =	sbr.rel @p2 .LBB2_2-.Ltmp2, $4  }
0x4d: {  	[tilespmem:s8+$0x18430] =	vst v1  }
0x4e: {  	[tilespmem:s8+$0x18440] =	vst v1  }
0x4f: {  	[tilespmem:s8+$0x18450] =	vst v1  }
0x50: {  	[tilespmem:s8+$0x18460] =	vst v1;
	s8 =	sshra.s32 s15, $0x2;
	s15 =	sadd.s32 $0x200, s15  }
0x51: {  	[tilespmem:s8+$0x18470] =	vst v1  }
0x52: {  	[tilespmem:s8+$0x18400] =	vst v1  }
0x53: {  	[tilespmem:s8+$0x18410] =	vst v1  }
0x54: {  	[tilespmem:s8+$0x18420] =	vst v1  }
0x55: {  	[tilespmem:s8+$0x18430] =	vst v1  }
0x56: {  	[tilespmem:s8+$0x18440] =	vst v1  }
0x57: {  	[tilespmem:s8+$0x18450] =	vst v1  }
0x58: {  	[tilespmem:s8+$0x18460] =	vst v1  }
0x59: {  	[spmem:s21] =	stream.linear.scatter [tilespmem:s26], [sflag:$0xB], $0x4000, $0x38;
	[tilespmem:$0x1EF00] =	vst v63  }
0x5a: {  	_ =	swait.ge [sflag:s20], $0x4000  }
0x5b: {  	[sflag:s20] =	ssyncset.done $0x0  }
0x5c: {  	s15 =	rddreg [dreg:$0x9];
	[sflag:s20] =	ssyncadd.s32 $0xFFFFC000  }
0x5d: {  	[spmem:s15] =	stream.linear.scatter [tilespmem:s26], [sflag:$0xB], $0x4000, $0x38;
	[tilespmem:$0x1EF00] =	vst v63  }
0x5e: {  	_ =	swait.ge [sflag:s20], $0x4000  }
0x5f: {  	[sflag:s20] =	ssyncset.done $0x0  }
0x60: {  	s21 =	rddreg [dreg:$0xa];
	[sflag:s20] =	ssyncadd.s32 $0xFFFFC000  }
0x61: {  	[spmem:s21] =	stream.linear.scatter [tilespmem:s26], [sflag:$0xB], $0x4000, $0x38;
	[tilespmem:$0x1EF00] =	vst v63  }
0x62: {  	_ =	swait.ge [sflag:s20], $0x4000  }
0x63: {  	[sflag:s20] =	ssyncset.done $0x0  }
0x64: {  	s15 =	rddreg [dreg:$0xb];
	[sflag:s20] =	ssyncadd.s32 $0xFFFFC000  }
0x65: {  	[spmem:s15] =	stream.linear.scatter [tilespmem:s26], [sflag:$0xB], $0x4000, $0x38;
	[tilespmem:$0x1EF00] =	vst v63  }
0x66: {  	_ =	swait.ge [sflag:s20], $0x4000  }
0x67: {  	[sflag:s20] =	ssyncset.done $0x0  }
0x68: {  	s21 =	rddreg [dreg:$0xc];
	[sflag:s20] =	ssyncadd.s32 $0xFFFFC000  }
0x69: {  	[spmem:s21] =	stream.linear.scatter [tilespmem:s26], [sflag:$0xB], $0x4000, $0x38;
	[tilespmem:$0x1EF00] =	vst v63  }
0x6a: {  	_ =	swait.ge [sflag:s20], $0x4000  }
0x6b: {  	[sflag:s20] =	ssyncset.done $0x0  }
0x6c: {  	s8 =	simm.s32 $0x0;
	s15 =	simm.s32 $0x200;
	[sflag:s20] =	ssyncadd.s32 $0xFFFFC000  }
.LBB2_4:
0x6d: {  	p2 =	sne.s32 s15, $0x9E00;
	[tilespmem:s8+$0x1C6F0] =	vst v1  }
0x6e: {  	[tilespmem:s8+$0x1C680] =	vst v1  }
0x6f: {  	[tilespmem:s8+$0x1C690] =	vst v1  }
.Ltmp3:
0x70: {  	[tilespmem:s8+$0x1C6A0] =	vst v1;
	(pc) =	sbr.rel @p2 .LBB2_4-.Ltmp3, $4  }
0x71: {  	[tilespmem:s8+$0x1C6B0] =	vst v1  }
0x72: {  	[tilespmem:s8+$0x1C6C0] =	vst v1  }
0x73: {  	[tilespmem:s8+$0x1C6D0] =	vst v1  }
0x74: {  	[tilespmem:s8+$0x1C6E0] =	vst v1;
	s8 =	sshra.s32 s15, $0x2;
	s15 =	sadd.s32 $0x200, s15  }
0x75: {  	[tilespmem:s8+$0x1C6F0] =	vst v1  }
0x76: {  	[tilespmem:s8+$0x1C680] =	vst v1  }
0x77: {  	[tilespmem:s8+$0x1C690] =	vst v1  }
0x78: {  	[tilespmem:s8+$0x1C6A0] =	vst v1  }
0x79: {  	[tilespmem:s8+$0x1C6B0] =	vst v1  }
0x7a: {  	[tilespmem:s8+$0x1C6C0] =	vst v1  }
0x7b: {  	[tilespmem:s8+$0x1C6D0] =	vst v1  }
0x7c: {  	[tilespmem:s8+$0x1C6E0] =	vst v1  }
0x7d: {  	[tilespmem:$0x1EE80] =	vst v0  }
0x7e: {  	[tilespmem:$0x1EE90] =	vst v2  }
0x7f: {  	[tilespmem:$0x1EEA0] =	vst v3  }
0x80: {  	[tilespmem:$0x1EEB0] =	vst v4  }
0x81: {  	s8 =	simm.s32 @!p0 $0x1C680;
	s15 =	rddreg [dreg:$0x4];
	[tilespmem:$0x1EEC0] =	vst v5  }
0x82: {  	[spmem:s15] =	stream.linear.scatter @!p0 [tilespmem:s8], [sflag:$0xB], $0x2800, $0x38;
	[tilespmem:$0x1EF00] =	vst v63  }
0x83: {  	s8 =	simm.s32 @!p0 $0xB  }
0x84: {  	_ =	swait.ge @!p0 [sflag:s8], $0x2800  }
0x85: {  	[sflag:s8] =	ssyncset.done @!p0 $0x0  }
0x86: {  	[sflag:s8] =	ssyncadd.s32 @!p0 $0xFFFFD800  }
0x87: {  	s8 =	simm.s32 $0x0;
	[bflag:$0x0] =	sbarrier.arrive $0xFFFF  }
.LBB2_6:
0x88: {  	_ =	swait.ge [sflag:s28], $0x4000  }
0x89: {  	[sflag:s28] =	ssyncset.done $0x0  }
0x8a: {  	s15 =	simm.s32 $0x14080;
	[sflag:s28] =	ssyncadd.s32 $0xFFFFC000  }
0x8b: {  	[spmem:s2] =	stream.indirect.scatter.add.f32 [tilespmem:s23], [sflag:$0x7], $0x80, s15, s22, $0xb8;
	[tilespmem:$0x1EF00] =	vst v63  }
0x8c: {  	v7 =	vld [tilespmem:$0x14080];
	_ =	sdelay $0x7  }
0x8d: {  	[tilespmem:v7+s30+$0x0] =	vst.idx.add.f32.msk $0xffff, v6  }
0x8e: {  	v7 =	vld [tilespmem:$0x14090];
	_ =	sdelay $0x7  }
0x8f: {  	[tilespmem:v7+s30+$0x0] =	vst.idx.add.f32.msk $0xffff, v6  }
0x90: {  	v7 =	vld [tilespmem:$0x140A0];
	_ =	sdelay $0x7  }
0x91: {  	[tilespmem:v7+s30+$0x0] =	vst.idx.add.f32.msk $0xffff, v6  }
0x92: {  	v7 =	vld [tilespmem:$0x140B0];
	_ =	sdelay $0x7  }
0x93: {  	[tilespmem:v7+s30+$0x0] =	vst.idx.add.f32.msk $0xffff, v6  }
0x94: {  	v7 =	vld [tilespmem:$0x140C0];
	_ =	sdelay $0x7  }
0x95: {  	[tilespmem:v7+s30+$0x0] =	vst.idx.add.f32.msk $0xffff, v6  }
0x96: {  	v7 =	vld [tilespmem:$0x140D0];
	_ =	sdelay $0x7  }
0x97: {  	[tilespmem:v7+s30+$0x0] =	vst.idx.add.f32.msk $0xffff, v6  }
0x98: {  	v7 =	vld [tilespmem:$0x140E0];
	_ =	sdelay $0x7  }
0x99: {  	[tilespmem:v7+s30+$0x0] =	vst.idx.add.f32.msk $0xffff, v6  }
0x9a: {  	v7 =	vld [tilespmem:$0x140F0];
	_ =	sdelay $0x6  }
0x9b: {  	p2 =	seq.s32 s8, $0x0  }
0x9c: {  	s15 =	simm.s32 @!p2 $0xA;
	[tilespmem:v7+s30+$0x0] =	vst.idx.add.f32.msk $0xffff, v6  }
0x9d: {  	_ =	swait.ge @!p2 [sflag:s15], $0x4000  }
0x9e: {  	[sflag:s15] =	ssyncset.done @!p2 $0x0  }
0x9f: {  	[sflag:s15] =	ssyncadd.s32 @!p2 $0xFFFFC000  }
0xa0: {  	_ =	swait.ge [sflag:s31], $0x100  }
0xa1: {  	[sflag:s31] =	ssyncset.done $0x0  }
0xa2: {  	[sflag:s31] =	ssyncadd.s32 $0xFFFFFF00  }
0xa3: {  	[tilespmem:s26], [sflag:$0x2] =	stream.indirect.gather [hbm4b:s0+s22], $0x80, s24, s22, $0xb8;
	[tilespmem:$0x1EF00] =	vst v63  }
0xa4: {  	s20 =	sadd.s32 s8, s19  }
0xa5: {  	[tilespmem:s1], [sflag:$0x5] =	stream.linear.gather [hbm4b:s20+s4], $0x100, $0x38;
	[tilespmem:$0x1EF00] =	vst v63  }
0xa6: {  	_ =	swait.ge [sflag:s5], $0x4000  }
0xa7: {  	[sflag:s5] =	ssyncset.done $0x0  }
0xa8: {  	[sflag:s5] =	ssyncadd.s32 $0xFFFFC000  }
0xa9: {  	[spmem:s2] =	stream.indirect.scatter.add.f32 [tilespmem:s26], [sflag:$0x8], $0x80, s3, s22, $0xb8;
	[tilespmem:$0x1EF00] =	vst v63  }
0xaa: {  	v7 =	vld [tilespmem:$0x14180];
	_ =	sdelay $0x7  }
0xab: {  	[tilespmem:v7+s30+$0x0] =	vst.idx.add.f32.msk $0xffff, v6  }
0xac: {  	v7 =	vld [tilespmem:$0x14190];
	_ =	sdelay $0x7  }
0xad: {  	[tilespmem:v7+s30+$0x0] =	vst.idx.add.f32.msk $0xffff, v6  }
0xae: {  	v7 =	vld [tilespmem:$0x141A0];
	_ =	sdelay $0x7  }
0xaf: {  	[tilespmem:v7+s30+$0x0] =	vst.idx.add.f32.msk $0xffff, v6  }
0xb0: {  	v7 =	vld [tilespmem:$0x141B0];
	_ =	sdelay $0x7  }
0xb1: {  	[tilespmem:v7+s30+$0x0] =	vst.idx.add.f32.msk $0xffff, v6  }
0xb2: {  	v7 =	vld [tilespmem:$0x141C0];
	_ =	sdelay $0x7  }
0xb3: {  	[tilespmem:v7+s30+$0x0] =	vst.idx.add.f32.msk $0xffff, v6  }
0xb4: {  	v7 =	vld [tilespmem:$0x141D0];
	_ =	sdelay $0x7  }
0xb5: {  	[tilespmem:v7+s30+$0x0] =	vst.idx.add.f32.msk $0xffff, v6  }
0xb6: {  	v7 =	vld [tilespmem:$0x141E0];
	_ =	sdelay $0x7  }
0xb7: {  	[tilespmem:v7+s30+$0x0] =	vst.idx.add.f32.msk $0xffff, v6  }
0xb8: {  	v7 =	vld [tilespmem:$0x141F0];
	_ =	sdelay $0x7  }
0xb9: {  	[tilespmem:v7+s30+$0x0] =	vst.idx.add.f32.msk $0xffff, v6  }
0xba: {  	_ =	swait.ge [sflag:s7], $0x4000  }
0xbb: {  	[sflag:s7] =	ssyncset.done $0x0  }
0xbc: {  	[sflag:s7] =	ssyncadd.s32 $0xFFFFC000  }
0xbd: {  	_ =	swait.ge [sflag:s9], $0x100  }
0xbe: {  	[sflag:s9] =	ssyncset.done $0x0  }
0xbf: {  	[sflag:s9] =	ssyncadd.s32 $0xFFFFFF00  }
0xc0: {  	[tilespmem:s23], [sflag:$0x1] =	stream.indirect.gather [hbm4b:s0+s22], $0x80, s1, s22, $0xb8;
	[tilespmem:$0x1EF00] =	vst v63  }
0xc1: {  	s21 =	sadd.s32 s8, s18  }
0xc2: {  	[tilespmem:s10], [sflag:$0x6] =	stream.linear.gather [hbm4b:s21+s4], $0x100, $0x38;
	[tilespmem:$0x1EF00] =	vst v63  }
0xc3: {  	_ =	swait.ge [sflag:s28], $0x4000  }
0xc4: {  	[sflag:s28] =	ssyncset.done $0x0  }
0xc5: {  	[sflag:s28] =	ssyncadd.s32 $0xFFFFC000  }
0xc6: {  	[spmem:s2] =	stream.indirect.scatter.add.f32 [tilespmem:s23], [sflag:$0x9], $0x80, s11, s22, $0xb8;
	[tilespmem:$0x1EF00] =	vst v63  }
0xc7: {  	v7 =	vld [tilespmem:$0x14280];
	_ =	sdelay $0x7  }
0xc8: {  	[tilespmem:v7+s30+$0x0] =	vst.idx.add.f32.msk $0xffff, v6  }
0xc9: {  	v7 =	vld [tilespmem:$0x14290];
	_ =	sdelay $0x7  }
0xca: {  	[tilespmem:v7+s30+$0x0] =	vst.idx.add.f32.msk $0xffff, v6  }
0xcb: {  	v7 =	vld [tilespmem:$0x142A0];
	_ =	sdelay $0x7  }
0xcc: {  	[tilespmem:v7+s30+$0x0] =	vst.idx.add.f32.msk $0xffff, v6  }
0xcd: {  	v7 =	vld [tilespmem:$0x142B0];
	_ =	sdelay $0x7  }
0xce: {  	[tilespmem:v7+s30+$0x0] =	vst.idx.add.f32.msk $0xffff, v6  }
0xcf: {  	v7 =	vld [tilespmem:$0x142C0];
	_ =	sdelay $0x7  }
0xd0: {  	[tilespmem:v7+s30+$0x0] =	vst.idx.add.f32.msk $0xffff, v6  }
0xd1: {  	v7 =	vld [tilespmem:$0x142D0];
	_ =	sdelay $0x7  }
0xd2: {  	[tilespmem:v7+s30+$0x0] =	vst.idx.add.f32.msk $0xffff, v6  }
0xd3: {  	v7 =	vld [tilespmem:$0x142E0];
	_ =	sdelay $0x7  }
0xd4: {  	[tilespmem:v7+s30+$0x0] =	vst.idx.add.f32.msk $0xffff, v6  }
0xd5: {  	v7 =	vld [tilespmem:$0x142F0];
	_ =	sdelay $0x7  }
0xd6: {  	[tilespmem:v7+s30+$0x0] =	vst.idx.add.f32.msk $0xffff, v6  }
0xd7: {  	_ =	swait.ge [sflag:s6], $0x4000  }
0xd8: {  	[sflag:s6] =	ssyncset.done $0x0  }
0xd9: {  	[sflag:s6] =	ssyncadd.s32 $0xFFFFC000  }
0xda: {  	_ =	swait.ge [sflag:s12], $0x100  }
0xdb: {  	[sflag:s12] =	ssyncset.done $0x0  }
0xdc: {  	p2 =	seq.s32 s8, $0x980;
	[sflag:s12] =	ssyncadd.s32 $0xFFFFFF00  }
0xdd: {  	[tilespmem:s26], [sflag:$0x2] =	stream.indirect.gather [hbm4b:s0+s22], $0x80, s10, s22, $0xb8;
	[tilespmem:$0x1EF00] =	vst v63  }
0xde: {  	s15 =	sadd.s32 @!p2 s8, s17;
	s20 =	simm.s32 @!p2 $0x14000;
	s21 =	simm.s32 @!p2 $0x0  }
0xdf: {  	[tilespmem:s20], [sflag:$0x3] =	stream.linear.gather @!p2 [hbm4b:s15+s21], $0x100, $0x38;
	[tilespmem:$0x1EF00] =	vst v63  }
0xe0: {  	_ =	swait.ge [sflag:s5], $0x4000  }
0xe1: {  	[sflag:s5] =	ssyncset.done $0x0  }
0xe2: {  	[sflag:s5] =	ssyncadd.s32 $0xFFFFC000  }
0xe3: {  	[spmem:s2] =	stream.indirect.scatter.add.f32 [tilespmem:s26], [sflag:$0xA], $0x80, s13, s22, $0xb8;
	[tilespmem:$0x1EF00] =	vst v63  }
0xe4: {  	v7 =	vld [tilespmem:$0x14380];
	_ =	sdelay $0x7  }
0xe5: {  	[tilespmem:v7+s30+$0x0] =	vst.idx.add.f32.msk $0xffff, v6  }
0xe6: {  	v7 =	vld [tilespmem:$0x14390];
	_ =	sdelay $0x7  }
0xe7: {  	[tilespmem:v7+s30+$0x0] =	vst.idx.add.f32.msk $0xffff, v6  }
0xe8: {  	v7 =	vld [tilespmem:$0x143A0];
	_ =	sdelay $0x7  }
0xe9: {  	[tilespmem:v7+s30+$0x0] =	vst.idx.add.f32.msk $0xffff, v6  }
0xea: {  	v7 =	vld [tilespmem:$0x143B0];
	_ =	sdelay $0x7  }
0xeb: {  	[tilespmem:v7+s30+$0x0] =	vst.idx.add.f32.msk $0xffff, v6  }
0xec: {  	v7 =	vld [tilespmem:$0x143C0];
	_ =	sdelay $0x7  }
0xed: {  	[tilespmem:v7+s30+$0x0] =	vst.idx.add.f32.msk $0xffff, v6  }
0xee: {  	v7 =	vld [tilespmem:$0x143D0];
	_ =	sdelay $0x7  }
0xef: {  	[tilespmem:v7+s30+$0x0] =	vst.idx.add.f32.msk $0xffff, v6  }
0xf0: {  	v7 =	vld [tilespmem:$0x143E0];
	_ =	sdelay $0x7  }
0xf1: {  	[tilespmem:v7+s30+$0x0] =	vst.idx.add.f32.msk $0xffff, v6  }
0xf2: {  	v7 =	vld [tilespmem:$0x143F0];
	_ =	sdelay $0x6  }
.Ltmp4:
0xf3: {  	_ = 	snop;
	(pc) =	sbr.rel @p2 .LBB2_8-.Ltmp4, $4  }
0xf4: {  	[tilespmem:v7+s30+$0x0] =	vst.idx.add.f32.msk $0xffff, v6  }
0xf5: {  	_ =	swait.ge [sflag:s14], $0x4000  }
0xf6: {  	[sflag:s14] =	ssyncset.done $0x0  }
0xf7: {  	[sflag:s14] =	ssyncadd.s32 $0xFFFFC000  }
0xf8: {  	_ =	swait.ge [sflag:s25], $0x100  }
.Ltmp5:
0xf9: {  	[sflag:s25] =	ssyncset.done $0x0;
	(pc) =	sbr.rel .LBB2_6-.Ltmp5, $4  }
0xfa: {  	[sflag:s25] =	ssyncadd.s32 $0xFFFFFF00  }
0xfb: {  	[tilespmem:s23], [sflag:$0x1] =	stream.indirect.gather [hbm4b:s0+s22], $0x80, s29, s22, $0xb8;
	[tilespmem:$0x1EF00] =	vst v63  }
0xfc: {  	s15 =	sadd.s32 s8, s16;
	s8 =	sadd.s32 $0x80, s8  }
0xfd: {  	[tilespmem:s24], [sflag:$0x4] =	stream.linear.gather [hbm4b:s15+s4], $0x100, $0x38;
	[tilespmem:$0x1EF00] =	vst v63  }
.LBB2_9:
0xfe: {  	_ =	sfence.sel $0x180000  }
0xff: {  	[bflag:$0x0] =	sbarrier.arrive $0xFFFF  }
0x100: {  	_ =	strace $0x90000047  }
0x101: {  	[bflag:$0x2] =	sbarrier.arrive $0xFFFF  }
0x102: {  	s0 =	rddreg [dreg:$0x5]  }
0x103: {  	s0 =	sadd.s32 @!p0 $0x100000, s0  }
0x104: {  	[sflag:s0] =	ssyncadd.tile.s32 @!p0 $0x1;
	_ =	shalt  }
.Lfunc_end2:
_tile_overlayer_lowered:
.L_overlay_start_2:
0x105: {  	(tag) =	ssettag $0x2  }
0x106: {  	s0 =	rddreg [dreg:$0x0];
	s2 =	stileid.u32  }
0x107: {  	s1 =	rddreg [dreg:$0x1];
	p0 =	sne.s32 s2, $0x0  }
0x108: {  	s3 =	rddreg [dreg:$0x2];
	[bflag:$0x3] =	sbarrier.arrive $0xFFFF;
	s2 =	simm.s32 @!p0 $0x1C0B  }
0x109: {  	[timem:s3], [sflag:s2] =	dma.local @!p0 [hbm:s0], s1  }
0x10a: {  	s0 =	simm.s32 @!p0 $0xB  }
0x10b: {  	_ =	swait.ge @!p0 [sflag:s0], s1  }
0x10c: {  	s1 =	ssub.s32 @!p0 $0x0, s1;
	[sflag:s0] =	ssyncset.done @!p0 $0x0  }
0x10d: {  	[sflag:s0] =	ssyncadd.s32 @!p0 s1  }
0x10e: {  	[bflag:$0x3] =	sbarrier.arrive $0xFFFF  }
0x10f: {  	_ =	shalt  }

</sc_bundles>
